<compile_context>
chip_gen: v7x
topology: tpu7x:2x2x1
jax: 0.10.2.dev20260603
libtpu: 0.0.44.dev20260713+nightly
codegen_flags: <defaults>
</compile_context>

<pallas_src>
import functools

import jax
import jax.numpy as jnp
from jax import lax
from jax.experimental import pallas as pl
from jax.experimental.pallas import tpu as pltpu
from jax.experimental.pallas import tpu_sc as plsc

N_NODES = 10000
N_EDGES = 320000
IN_DIM = 128
HID = 128
N_CLS = 16
NEG_SLOPE = 0.2

NC = 2
NS = 16
NW = NC * NS

NPAD = 10240
APAD = 10112
CHUNK = 128
CPT = 80
EPAD = NW * CPT * CHUNK

_MESH = plsc.VectorSubcoreMesh(core_axis_name="c", subcore_axis_name="s")


@functools.partial(
    pl.kernel,
    out_type=jax.ShapeDtypeStruct((NC * NPAD,), jnp.float32),
    mesh=_MESH,
    scratch_types=[
        pltpu.VMEM_SHARED((NPAD,), jnp.float32),
        pltpu.VMEM((NPAD // NS,), jnp.float32),
        pltpu.VMEM((CHUNK,), jnp.float32),
        pltpu.VMEM((CPT, CHUNK), jnp.int32),
        pltpu.SemaphoreType.DMA,
    ],
)
def _deg(dst_hbm, out_hbm, deg_sp, z_v, ones_v, idx_v, sem):
    c = lax.axis_index("c")
    s = lax.axis_index("s")
    zn = NPAD // NS

    for i in range(zn // 16):
        z_v[pl.ds(i * 16, 16)] = jnp.zeros((16,), jnp.float32)
    for i in range(CHUNK // 16):
        ones_v[pl.ds(i * 16, 16)] = jnp.ones((16,), jnp.float32)
    pltpu.sync_copy(z_v, deg_sp.at[pl.ds(s * zn, zn)])
    plsc.subcore_barrier()

    rowbase = (c * NS + s) * CPT
    pltpu.sync_copy(dst_hbm.at[pl.ds(rowbase, CPT)], idx_v)

    def deg_body(j, carry):
        pltpu.async_copy(ones_v, deg_sp.at[idx_v.at[j]], sem, add=True)
        return carry

    lax.fori_loop(0, CPT, deg_body, 0)

    def deg_drain(j, carry):
        pltpu.make_async_copy(ones_v, deg_sp.at[idx_v.at[j]], sem).wait()
        return carry

    lax.fori_loop(0, CPT, deg_drain, 0)
    plsc.subcore_barrier()

    pltpu.sync_copy(deg_sp.at[pl.ds(s * zn, zn)],
                    out_hbm.at[pl.ds(c * NPAD + s * zn, zn)])


def _scale_body(pdeg_ref, x_ref, xs_ref, dinv_ref):
    d = pdeg_ref[0] + pdeg_ref[1] + 1.0
    y = lax.rsqrt(d)
    dinv_ref[...] = y
    xs_ref[...] = x_ref[...] * y


def _scale(pdeg3, x):
    grid = (N_NODES // _ROWS_BLK,)
    return pl.pallas_call(
        _scale_body,
        grid=grid,
        in_specs=[
            pl.BlockSpec((NC, _ROWS_BLK, 1), lambda i: (0, i, 0)),
            pl.BlockSpec((_ROWS_BLK, IN_DIM), lambda i: (i, 0)),
        ],
        out_specs=[
            pl.BlockSpec((_ROWS_BLK, IN_DIM), lambda i: (i, 0)),
            pl.BlockSpec((_ROWS_BLK, 1), lambda i: (i, 0)),
        ],
        out_shape=[
            jax.ShapeDtypeStruct((N_NODES, IN_DIM), jnp.float32),
            jax.ShapeDtypeStruct((N_NODES, 1), jnp.float32),
        ],
    )(pdeg3, x)


def _make_agg(dim):
    zrows = APAD // NS
    hch = CPT // 2
    nbuf = 2

    @functools.partial(
        pl.kernel,
        out_type=jax.ShapeDtypeStruct((NC, N_NODES, dim), jnp.float32),
        mesh=_MESH,
        scratch_types=[
            pltpu.VMEM_SHARED((APAD, dim), jnp.float32),
            pltpu.VMEM((hch, CHUNK), jnp.int32),
            pltpu.VMEM((hch, CHUNK), jnp.int32),
            [pltpu.VMEM((CHUNK, dim), jnp.float32) for _ in range(nbuf)],
            [pltpu.SemaphoreType.DMA for _ in range(nbuf)],
        ],
    )
    def agg(tab_hbm, src_hbm, dst_hbm, out_hbm, acc_sp, sidx_v, didx_v,
            rows_v, sems):
        c = lax.axis_index("c")
        s = lax.axis_index("s")

        zsrc = rows_v[0]

        def zrow(r, carry):
            for cg in range(dim // 16):
                zsrc[r, pl.ds(cg * 16, 16)] = jnp.zeros((16,), jnp.float32)
            return carry

        lax.fori_loop(0, CHUNK, zrow, 0)
        for k in range(zrows // CHUNK):
            pltpu.sync_copy(zsrc, acc_sp.at[pl.ds(s * zrows + k * CHUNK, CHUNK)])
        pltpu.sync_copy(zsrc.at[pl.ds(0, zrows % CHUNK)],
                        acc_sp.at[pl.ds(s * zrows + (zrows // CHUNK) * CHUNK,
                                        zrows % CHUNK)])
        plsc.subcore_barrier()

        def gather_chunk(j, b):
            pltpu.async_copy(tab_hbm.at[sidx_v.at[j]], rows_v[b], sems[b])

        def wait_chunk(j, b):
            pltpu.make_async_copy(
                tab_hbm.at[sidx_v.at[j]], rows_v[b], sems[b]).wait()

        def scatter_chunk(j, buf):
            pltpu.sync_copy(buf, acc_sp.at[didx_v.at[j]], add=True)

        for h in range(2):
            rowbase = (c * NS + s) * CPT + h * hch
            pltpu.sync_copy(src_hbm.at[pl.ds(rowbase, hch)], sidx_v)
            pltpu.sync_copy(dst_hbm.at[pl.ds(rowbase, hch)], didx_v)

            for b in range(nbuf):
                gather_chunk(b, b)

            def eloop(t, carry):
                for b in range(nbuf):
                    j = nbuf * t + b
                    wait_chunk(j, b)
                    scatter_chunk(j, rows_v[b])

                    @pl.when(j + nbuf < hch)
                    def _():
                        gather_chunk(j + nbuf, b)

                return carry

            lax.fori_loop(0, hch // nbuf, eloop, 0)
            for j in range((hch // nbuf) * nbuf, hch):
                b = j % nbuf
                wait_chunk(j, b)
                scatter_chunk(j, rows_v[b])
        plsc.subcore_barrier()

        @pl.when(s < NS - 1)
        def _():
            pltpu.sync_copy(acc_sp.at[pl.ds(s * zrows, zrows)],
                            out_hbm.at[c, pl.ds(s * zrows, zrows)])

        @pl.when(s == NS - 1)
        def _():
            pltpu.sync_copy(acc_sp.at[pl.ds(9480, 520)],
                            out_hbm.at[c, pl.ds(9480, 520)])

    return agg


_agg128 = _make_agg(IN_DIM)


_ROWS_BLK = 1000


def _mlp_body(pp_ref, xs_ref, dinv_ref, w1_ref, b1_ref, w2_ref, gs_ref):
    z = (pp_ref[0] + pp_ref[1] + xs_ref[...]) * dinv_ref[...]
    h = jnp.dot(z, w1_ref[...], preferred_element_type=jnp.float32) + b1_ref[...]
    h = jnp.where(h >= 0, h, NEG_SLOPE * h)
    g = jnp.dot(h, w2_ref[...], preferred_element_type=jnp.float32)
    gs_ref[...] = g * dinv_ref[...]


def _mlp(pp, xs, dinv2, W1, b1r, W2p):
    grid = (N_NODES // _ROWS_BLK,)
    return pl.pallas_call(
        _mlp_body,
        grid=grid,
        in_specs=[
            pl.BlockSpec((NC, _ROWS_BLK, IN_DIM), lambda i: (0, i, 0)),
            pl.BlockSpec((_ROWS_BLK, IN_DIM), lambda i: (i, 0)),
            pl.BlockSpec((_ROWS_BLK, 1), lambda i: (i, 0)),
            pl.BlockSpec((IN_DIM, HID), lambda i: (0, 0)),
            pl.BlockSpec((1, HID), lambda i: (0, 0)),
            pl.BlockSpec((HID, IN_DIM), lambda i: (0, 0)),
        ],
        out_specs=pl.BlockSpec((_ROWS_BLK, IN_DIM), lambda i: (i, 0)),
        out_shape=jax.ShapeDtypeStruct((N_NODES, IN_DIM), jnp.float32),
    )(pp, xs, dinv2, W1, b1r, W2p)


def _fin_body(qq_ref, gs_ref, dinv_ref, b2_ref, out_ref):
    q = qq_ref[0, :, :N_CLS] + qq_ref[1, :, :N_CLS] + gs_ref[:, :N_CLS]
    l = q * dinv_ref[...] + b2_ref[...]
    m = jnp.max(l, axis=1, keepdims=True)
    e = jnp.exp(l - m)
    out_ref[...] = e / jnp.sum(e, axis=1, keepdims=True)


def _finish(qq, gs, dinv2, b2r):
    grid = (N_NODES // _ROWS_BLK,)
    return pl.pallas_call(
        _fin_body,
        grid=grid,
        in_specs=[
            pl.BlockSpec((NC, _ROWS_BLK, IN_DIM), lambda i: (0, i, 0)),
            pl.BlockSpec((_ROWS_BLK, IN_DIM), lambda i: (i, 0)),
            pl.BlockSpec((_ROWS_BLK, 1), lambda i: (i, 0)),
            pl.BlockSpec((1, N_CLS), lambda i: (0, 0)),
        ],
        out_specs=pl.BlockSpec((_ROWS_BLK, N_CLS), lambda i: (i, 0)),
        out_shape=jax.ShapeDtypeStruct((N_NODES, N_CLS), jnp.float32),
    )(qq, gs, dinv2, b2r)


def kernel(x, edge_index, W1, b1, W2, b2):
    src = edge_index[0].astype(jnp.int32)
    dst = edge_index[1].astype(jnp.int32)
    npad_e = EPAD - N_EDGES
    iota = jnp.arange(npad_e, dtype=jnp.int32)
    srcp = jnp.concatenate([src, iota % N_NODES]).reshape(EPAD // CHUNK, CHUNK)
    dstp = jnp.concatenate(
        [dst, N_NODES + iota % (APAD - N_NODES)]).reshape(EPAD // CHUNK, CHUNK)
    pdeg = _deg(dstp).reshape(NC, NPAD)[:, :N_NODES]
    xs, dinv2 = _scale(pdeg.reshape(NC, N_NODES, 1), x)
    pp = _agg128(xs, srcp, dstp)
    W2p = jnp.concatenate(
        [W2, jnp.zeros((HID, IN_DIM - N_CLS), jnp.float32)], axis=1)
    gs = _mlp(pp, xs, dinv2, W1, b1.reshape(1, HID), W2p)
    qq = _agg128(gs, srcp, dstp)
    return _finish(qq, gs, dinv2, b2.reshape(1, N_CLS))

# --- scband reference (transcript-rebuilt; emitter-appended) ---
"""Pipeline reference for scband-gcnmodel-44220983280095 (READ-ONLY COPY).

The authoritative reference and input builder live on the scoring server;
editing this copy changes nothing except your own understanding.
"""

import jax, jax.numpy as jnp
import numpy as np

N_NODES = 10000
N_EDGES = 320000
IN_DIM = 128
HIDDEN_DIM = 128
N_CLUSTERS = 16
NEG_SLOPE = 0.2


def setup_inputs(seed: int = 0) -> dict:
    key = jax.random.key(seed)
    k1, k2, k3, k4, k5, k6 = jax.random.split(key, 6)
    x = jax.random.normal(k1, (N_NODES, IN_DIM), dtype=jnp.float32)
    edge_index = jax.random.randint(k2, (2, N_EDGES), 0, N_NODES, dtype=jnp.int64)
    # Glorot-style init for GCN layer weights, zeros for bias (PyG default)
    s1 = (6.0 / (IN_DIM + HIDDEN_DIM)) ** 0.5
    W1 = jax.random.uniform(k3, (IN_DIM, HIDDEN_DIM), dtype=jnp.float32, minval=-s1, maxval=s1)
    b1 = jnp.zeros((HIDDEN_DIM,), dtype=jnp.float32)
    s2 = (6.0 / (HIDDEN_DIM + N_CLUSTERS)) ** 0.5
    W2 = jax.random.uniform(k4, (HIDDEN_DIM, N_CLUSTERS), dtype=jnp.float32, minval=-s2, maxval=s2)
    b2 = jnp.zeros((N_CLUSTERS,), dtype=jnp.float32)
    return {"x": x, "edge_index": edge_index, "W1": W1, "b1": b1, "W2": W2, "b2": b2}


def _gcn_conv(x, src, dst, norm, W, b, n_nodes):
    # x @ W, then normalized scatter-add aggregation (sym-normalized adjacency with self-loops)
    h = x @ W
    msg = h[src] * norm[:, None]
    out = jnp.zeros((n_nodes, W.shape[1]), dtype=x.dtype).at[dst].add(msg)
    return out + b


def _build_norm(edge_index, n_nodes):
    loop = jnp.arange(n_nodes, dtype=edge_index.dtype)
    src = jnp.concatenate([edge_index[0], loop])
    dst = jnp.concatenate([edge_index[1], loop])
    deg = jnp.zeros((n_nodes,), dtype=jnp.float32).at[dst].add(1.0)
    dinv = jnp.where(deg > 0, deg ** -0.5, 0.0)
    norm = dinv[src] * dinv[dst]
    return src, dst, norm


def reference(x, edge_index, W1, b1, W2, b2):
    n_nodes = x.shape[0]
    src, dst, norm = _build_norm(edge_index, n_nodes)
    h = _gcn_conv(x, src, dst, norm, W1, b1, n_nodes)
    h = jnp.where(h >= 0, h, NEG_SLOPE * h)  # LeakyReLU(0.2)
    # Dropout is identity in eval mode
    h = _gcn_conv(h, src, dst, norm, W2, b2, n_nodes)
    C = jax.nn.softmax(h, axis=1)
    return C

if __name__ == "__main__":
    import jax
    _d = setup_inputs()
    print(jax.jit(kernel)(*tuple(_d.values())))

</pallas_src>

<mosaic_0001>
#map = affine_map<(d0, d1) -> (0, 0)>
#map1 = affine_map<(d0, d1) -> (0)>
module attributes {stable_mosaic.version = 14 : i64} {
  func.func @_deg(%arg0: i32, %arg1: i32, %arg2: memref<2560x128xi32, #tpu.memory_space<hbm>>, %arg3: memref<20480xf32, #tpu.memory_space<hbm>>, %arg4: memref<10240xf32, #tpu.memory_space<vmem_shared>>, %arg5: memref<640xf32, #tpu.memory_space<vmem>>, %arg6: memref<128xf32, #tpu.memory_space<vmem>>, %arg7: memref<80x128xi32, #tpu.memory_space<vmem>>, %arg8: memref<!tpu.dma_semaphore, #tpu.memory_space<semaphore_mem>>) attributes {dimension_semantics = [#tpu.dimension_semantics<core_parallel>, #tpu.dimension_semantics<subcore_parallel>], iteration_bounds = array<i64: 2, 16>, scalar_prefetch = 0 : i64, scratch_operands = 5 : i64, tpu.core_type = #tpu.core_type<sc_vector_subcore>, window_params = [{transform_indices = #map}, {transform_indices = #map1}]} {
    %broadcast_in_dim3A = arith.constant 0.000000e+00 : f32
    %broadcast_in_dim3A_0 = vector.broadcast %broadcast_in_dim3A : f32 to vector<16xf32>
    %swap3A = arith.constant 0 : index
    %swap3A_1 = tpu.vector_load %arg5[%swap3A] {strides = array<i32>} : memref<640xf32, #tpu.memory_space<vmem>>, vector<16xf32>,
    %swap3A_2 = vector.shape_cast %swap3A_1 : vector<16xf32> to vector<16xf32>
    %swap3A_3 = vector.shape_cast %broadcast_in_dim3A_0 : vector<16xf32> to vector<16xf32>
    tpu.vector_store %arg5[%swap3A], %swap3A_3 {strides = array<i32>} : memref<640xf32, #tpu.memory_space<vmem>>, vector<16xf32>,
    %broadcast_in_dim3A_4 = arith.constant 0.000000e+00 : f32
    %broadcast_in_dim3A_5 = vector.broadcast %broadcast_in_dim3A_4 : f32 to vector<16xf32>
    %swap3A_6 = arith.constant 16 : index
    %swap3A_7 = tpu.vector_load %arg5[%swap3A_6] {strides = array<i32>} : memref<640xf32, #tpu.memory_space<vmem>>, vector<16xf32>,
    %swap3A_8 = vector.shape_cast %swap3A_7 : vector<16xf32> to vector<16xf32>
    %swap3A_9 = vector.shape_cast %broadcast_in_dim3A_5 : vector<16xf32> to vector<16xf32>
    tpu.vector_store %arg5[%swap3A_6], %swap3A_9 {strides = array<i32>} : memref<640xf32, #tpu.memory_space<vmem>>, vector<16xf32>,
    %broadcast_in_dim3A_10 = arith.constant 0.000000e+00 : f32
    %broadcast_in_dim3A_11 = vector.broadcast %broadcast_in_dim3A_10 : f32 to vector<16xf32>
    %swap3A_12 = arith.constant 32 : index
    %swap3A_13 = tpu.vector_load %arg5[%swap3A_12] {strides = array<i32>} : memref<640xf32, #tpu.memory_space<vmem>>, vector<16xf32>,
    %swap3A_14 = vector.shape_cast %swap3A_13 : vector<16xf32> to vector<16xf32>
    %swap3A_15 = vector.shape_cast %broadcast_in_dim3A_11 : vector<16xf32> to vector<16xf32>
    tpu.vector_store %arg5[%swap3A_12], %swap3A_15 {strides = array<i32>} : memref<640xf32, #tpu.memory_space<vmem>>, vector<16xf32>,
    %broadcast_in_dim3A_16 = arith.constant 0.000000e+00 : f32
    %broadcast_in_dim3A_17 = vector.broadcast %broadcast_in_dim3A_16 : f32 to vector<16xf32>
    %swap3A_18 = arith.constant 48 : index
    %swap3A_19 = tpu.vector_load %arg5[%swap3A_18] {strides = array<i32>} : memref<640xf32, #tpu.memory_space<vmem>>, vector<16xf32>,
    %swap3A_20 = vector.shape_cast %swap3A_19 : vector<16xf32> to vector<16xf32>
    %swap3A_21 = vector.shape_cast %broadcast_in_dim3A_17 : vector<16xf32> to vector<16xf32>
    tpu.vector_store %arg5[%swap3A_18], %swap3A_21 {strides = array<i32>} : memref<640xf32, #tpu.memory_space<vmem>>, vector<16xf32>,
    %broadcast_in_dim3A_22 = arith.constant 0.000000e+00 : f32
    %broadcast_in_dim3A_23 = vector.broadcast %broadcast_in_dim3A_22 : f32 to vector<16xf32>
    %swap3A_24 = arith.constant 64 : index
    %swap3A_25 = tpu.vector_load %arg5[%swap3A_24] {strides = array<i32>} : memref<640xf32, #tpu.memory_space<vmem>>, vector<16xf32>,
    %swap3A_26 = vector.shape_cast %swap3A_25 : vector<16xf32> to vector<16xf32>
    %swap3A_27 = vector.shape_cast %broadcast_in_dim3A_23 : vector<16xf32> to vector<16xf32>
    tpu.vector_store %arg5[%swap3A_24], %swap3A_27 {strides = array<i32>} : memref<640xf32, #tpu.memory_space<vmem>>, vector<16xf32>,
    %broadcast_in_dim3A_28 = arith.constant 0.000000e+00 : f32
    %broadcast_in_dim3A_29 = vector.broadcast %broadcast_in_dim3A_28 : f32 to vector<16xf32>
    %swap3A_30 = arith.constant 80 : index
    %swap3A_31 = tpu.vector_load %arg5[%swap3A_30] {strides = array<i32>} : memref<640xf32, #tpu.memory_space<vmem>>, vector<16xf32>,
    %swap3A_32 = vector.shape_cast %swap3A_31 : vector<16xf32> to vector<16xf32>
    %swap3A_33 = vector.shape_cast %broadcast_in_dim3A_29 : vector<16xf32> to vector<16xf32>
    tpu.vector_store %arg5[%swap3A_30], %swap3A_33 {strides = array<i32>} : memref<640xf32, #tpu.memory_space<vmem>>, vector<16xf32>,
    %broadcast_in_dim3A_34 = arith.constant 0.000000e+00 : f32
    %broadcast_in_dim3A_35 = vector.broadcast %broadcast_in_dim3A_34 : f32 to vector<16xf32>
    %swap3A_36 = arith.constant 96 : index
    %swap3A_37 = tpu.vector_load %arg5[%swap3A_36] {strides = array<i32>} : memref<640xf32, #tpu.memory_space<vmem>>, vector<16xf32>,
    %swap3A_38 = vector.shape_cast %swap3A_37 : vector<16xf32> to vector<16xf32>
    %swap3A_39 = vector.shape_cast %broadcast_in_dim3A_35 : vector<16xf32> to vector<16xf32>
    tpu.vector_store %arg5[%swap3A_36], %swap3A_39 {strides = array<i32>} : memref<640xf32, #tpu.memory_space<vmem>>, vector<16xf32>,
    %broadcast_in_dim3A_40 = arith.constant 0.000000e+00 : f32
    %broadcast_in_dim3A_41 = vector.broadcast %broadcast_in_dim3A_40 : f32 to vector<16xf32>
    %swap3A_42 = arith.constant 112 : index
    %swap3A_43 = tpu.vector_load %arg5[%swap3A_42] {strides = array<i32>} : memref<640xf32, #tpu.memory_space<vmem>>, vector<16xf32>,
    %swap3A_44 = vector.shape_cast %swap3A_43 : vector<16xf32> to vector<16xf32>
    %swap3A_45 = vector.shape_cast %broadcast_in_dim3A_41 : vector<16xf32> to vector<16xf32>
    tpu.vector_store %arg5[%swap3A_42], %swap3A_45 {strides = array<i32>} : memref<640xf32, #tpu.memory_space<vmem>>, vector<16xf32>,
    %broadcast_in_dim3A_46 = arith.constant 0.000000e+00 : f32
    %broadcast_in_dim3A_47 = vector.broadcast %broadcast_in_dim3A_46 : f32 to vector<16xf32>
    %swap3A_48 = arith.constant 128 : index
    %swap3A_49 = tpu.vector_load %arg5[%swap3A_48] {strides = array<i32>} : memref<640xf32, #tpu.memory_space<vmem>>, vector<16xf32>,
    %swap3A_50 = vector.shape_cast %swap3A_49 : vector<16xf32> to vector<16xf32>
    %swap3A_51 = vector.shape_cast %broadcast_in_dim3A_47 : vector<16xf32> to vector<16xf32>
    tpu.vector_store %arg5[%swap3A_48], %swap3A_51 {strides = array<i32>} : memref<640xf32, #tpu.memory_space<vmem>>, vector<16xf32>,
    %broadcast_in_dim3A_52 = arith.constant 0.000000e+00 : f32
    %broadcast_in_dim3A_53 = vector.broadcast %broadcast_in_dim3A_52 : f32 to vector<16xf32>
    %swap3A_54 = arith.constant 144 : index
    %swap3A_55 = tpu.vector_load %arg5[%swap3A_54] {strides = array<i32>} : memref<640xf32, #tpu.memory_space<vmem>>, vector<16xf32>,
    %swap3A_56 = vector.shape_cast %swap3A_55 : vector<16xf32> to vector<16xf32>
    %swap3A_57 = vector.shape_cast %broadcast_in_dim3A_53 : vector<16xf32> to vector<16xf32>
    tpu.vector_store %arg5[%swap3A_54], %swap3A_57 {strides = array<i32>} : memref<640xf32, #tpu.memory_space<vmem>>, vector<16xf32>,
    %broadcast_in_dim3A_58 = arith.constant 0.000000e+00 : f32
    %broadcast_in_dim3A_59 = vector.broadcast %broadcast_in_dim3A_58 : f32 to vector<16xf32>
    %swap3A_60 = arith.constant 160 : index
    %swap3A_61 = tpu.vector_load %arg5[%swap3A_60] {strides = array<i32>} : memref<640xf32, #tpu.memory_space<vmem>>, vector<16xf32>,
    %swap3A_62 = vector.shape_cast %swap3A_61 : vector<16xf32> to vector<16xf32>
    %swap3A_63 = vector.shape_cast %broadcast_in_dim3A_59 : vector<16xf32> to vector<16xf32>
    tpu.vector_store %arg5[%swap3A_60], %swap3A_63 {strides = array<i32>} : memref<640xf32, #tpu.memory_space<vmem>>, vector<16xf32>,
    %broadcast_in_dim3A_64 = arith.constant 0.000000e+00 : f32
    %broadcast_in_dim3A_65 = vector.broadcast %broadcast_in_dim3A_64 : f32 to vector<16xf32>
    %swap3A_66 = arith.constant 176 : index
    %swap3A_67 = tpu.vector_load %arg5[%swap3A_66] {strides = array<i32>} : memref<640xf32, #tpu.memory_space<vmem>>, vector<16xf32>,
    %swap3A_68 = vector.shape_cast %swap3A_67 : vector<16xf32> to vector<16xf32>
    %swap3A_69 = vector.shape_cast %broadcast_in_dim3A_65 : vector<16xf32> to vector<16xf32>
    tpu.vector_store %arg5[%swap3A_66], %swap3A_69 {strides = array<i32>} : memref<640xf32, #tpu.memory_space<vmem>>, vector<16xf32>,
    %broadcast_in_dim3A_70 = arith.constant 0.000000e+00 : f32
    %broadcast_in_dim3A_71 = vector.broadcast %broadcast_in_dim3A_70 : f32 to vector<16xf32>
    %swap3A_72 = arith.constant 192 : index
    %swap3A_73 = tpu.vector_load %arg5[%swap3A_72] {strides = array<i32>} : memref<640xf32, #tpu.memory_space<vmem>>, vector<16xf32>,
    %swap3A_74 = vector.shape_cast %swap3A_73 : vector<16xf32> to vector<16xf32>
    %swap3A_75 = vector.shape_cast %broadcast_in_dim3A_71 : vector<16xf32> to vector<16xf32>
    tpu.vector_store %arg5[%swap3A_72], %swap3A_75 {strides = array<i32>} : memref<640xf32, #tpu.memory_space<vmem>>, vector<16xf32>,
    %broadcast_in_dim3A_76 = arith.constant 0.000000e+00 : f32
    %broadcast_in_dim3A_77 = vector.broadcast %broadcast_in_dim3A_76 : f32 to vector<16xf32>
    %swap3A_78 = arith.constant 208 : index
    %swap3A_79 = tpu.vector_load %arg5[%swap3A_78] {strides = array<i32>} : memref<640xf32, #tpu.memory_space<vmem>>, vector<16xf32>,
    %swap3A_80 = vector.shape_cast %swap3A_79 : vector<16xf32> to vector<16xf32>
    %swap3A_81 = vector.shape_cast %broadcast_in_dim3A_77 : vector<16xf32> to vector<16xf32>
    tpu.vector_store %arg5[%swap3A_78], %swap3A_81 {strides = array<i32>} : memref<640xf32, #tpu.memory_space<vmem>>, vector<16xf32>,
    %broadcast_in_dim3A_82 = arith.constant 0.000000e+00 : f32
    %broadcast_in_dim3A_83 = vector.broadcast %broadcast_in_dim3A_82 : f32 to vector<16xf32>
    %swap3A_84 = arith.constant 224 : index
    %swap3A_85 = tpu.vector_load %arg5[%swap3A_84] {strides = array<i32>} : memref<640xf32, #tpu.memory_space<vmem>>, vector<16xf32>,
    %swap3A_86 = vector.shape_cast %swap3A_85 : vector<16xf32> to vector<16xf32>
    %swap3A_87 = vector.shape_cast %broadcast_in_dim3A_83 : vector<16xf32> to vector<16xf32>
    tpu.vector_store %arg5[%swap3A_84], %swap3A_87 {strides = array<i32>} : memref<640xf32, #tpu.memory_space<vmem>>, vector<16xf32>,
    %broadcast_in_dim3A_88 = arith.constant 0.000000e+00 : f32
    %broadcast_in_dim3A_89 = vector.broadcast %broadcast_in_dim3A_88 : f32 to vector<16xf32>
    %swap3A_90 = arith.constant 240 : index
    %swap3A_91 = tpu.vector_load %arg5[%swap3A_90] {strides = array<i32>} : memref<640xf32, #tpu.memory_space<vmem>>, vector<16xf32>,
    %swap3A_92 = vector.shape_cast %swap3A_91 : vector<16xf32> to vector<16xf32>
    %swap3A_93 = vector.shape_cast %broadcast_in_dim3A_89 : vector<16xf32> to vector<16xf32>
    tpu.vector_store %arg5[%swap3A_90], %swap3A_93 {strides = array<i32>} : memref<640xf32, #tpu.memory_space<vmem>>, vector<16xf32>,
    %broadcast_in_dim3A_94 = arith.constant 0.000000e+00 : f32
    %broadcast_in_dim3A_95 = vector.broadcast %broadcast_in_dim3A_94 : f32 to vector<16xf32>
    %swap3A_96 = arith.constant 256 : index
    %swap3A_97 = tpu.vector_load %arg5[%swap3A_96] {strides = array<i32>} : memref<640xf32, #tpu.memory_space<vmem>>, vector<16xf32>,
    %swap3A_98 = vector.shape_cast %swap3A_97 : vector<16xf32> to vector<16xf32>
    %swap3A_99 = vector.shape_cast %broadcast_in_dim3A_95 : vector<16xf32> to vector<16xf32>
    tpu.vector_store %arg5[%swap3A_96], %swap3A_99 {strides = array<i32>} : memref<640xf32, #tpu.memory_space<vmem>>, vector<16xf32>,
    %broadcast_in_dim3A_100 = arith.constant 0.000000e+00 : f32
    %broadcast_in_dim3A_101 = vector.broadcast %broadcast_in_dim3A_100 : f32 to vector<16xf32>
    %swap3A_102 = arith.constant 272 : index
    %swap3A_103 = tpu.vector_load %arg5[%swap3A_102] {strides = array<i32>} : memref<640xf32, #tpu.memory_space<vmem>>, vector<16xf32>,
    %swap3A_104 = vector.shape_cast %swap3A_103 : vector<16xf32> to vector<16xf32>
    %swap3A_105 = vector.shape_cast %broadcast_in_dim3A_101 : vector<16xf32> to vector<16xf32>
    tpu.vector_store %arg5[%swap3A_102], %swap3A_105 {strides = array<i32>} : memref<640xf32, #tpu.memory_space<vmem>>, vector<16xf32>,
    %broadcast_in_dim3A_106 = arith.constant 0.000000e+00 : f32
    %broadcast_in_dim3A_107 = vector.broadcast %broadcast_in_dim3A_106 : f32 to vector<16xf32>
    %swap3A_108 = arith.constant 288 : index
    %swap3A_109 = tpu.vector_load %arg5[%swap3A_108] {strides = array<i32>} : memref<640xf32, #tpu.memory_space<vmem>>, vector<16xf32>,
    %swap3A_110 = vector.shape_cast %swap3A_109 : vector<16xf32> to vector<16xf32>
    %swap3A_111 = vector.shape_cast %broadcast_in_dim3A_107 : vector<16xf32> to vector<16xf32>
    tpu.vector_store %arg5[%swap3A_108], %swap3A_111 {strides = array<i32>} : memref<640xf32, #tpu.memory_space<vmem>>, vector<16xf32>,
    %broadcast_in_dim3A_112 = arith.constant 0.000000e+00 : f32
    %broadcast_in_dim3A_113 = vector.broadcast %broadcast_in_dim3A_112 : f32 to vector<16xf32>
    %swap3A_114 = arith.constant 304 : index
    %swap3A_115 = tpu.vector_load %arg5[%swap3A_114] {strides = array<i32>} : memref<640xf32, #tpu.memory_space<vmem>>, vector<16xf32>,
    %swap3A_116 = vector.shape_cast %swap3A_115 : vector<16xf32> to vector<16xf32>
    %swap3A_117 = vector.shape_cast %broadcast_in_dim3A_113 : vector<16xf32> to vector<16xf32>
    tpu.vector_store %arg5[%swap3A_114], %swap3A_117 {strides = array<i32>} : memref<640xf32, #tpu.memory_space<vmem>>, vector<16xf32>,
    %broadcast_in_dim3A_118 = arith.constant 0.000000e+00 : f32
    %broadcast_in_dim3A_119 = vector.broadcast %broadcast_in_dim3A_118 : f32 to vector<16xf32>
    %swap3A_120 = arith.constant 320 : index
    %swap3A_121 = tpu.vector_load %arg5[%swap3A_120] {strides = array<i32>} : memref<640xf32, #tpu.memory_space<vmem>>, vector<16xf32>,
    %swap3A_122 = vector.shape_cast %swap3A_121 : vector<16xf32> to vector<16xf32>
    %swap3A_123 = vector.shape_cast %broadcast_in_dim3A_119 : vector<16xf32> to vector<16xf32>
    tpu.vector_store %arg5[%swap3A_120], %swap3A_123 {strides = array<i32>} : memref<640xf32, #tpu.memory_space<vmem>>, vector<16xf32>,
    %broadcast_in_dim3A_124 = arith.constant 0.000000e+00 : f32
    %broadcast_in_dim3A_125 = vector.broadcast %broadcast_in_dim3A_124 : f32 to vector<16xf32>
    %swap3A_126 = arith.constant 336 : index
    %swap3A_127 = tpu.vector_load %arg5[%swap3A_126] {strides = array<i32>} : memref<640xf32, #tpu.memory_space<vmem>>, vector<16xf32>,
    %swap3A_128 = vector.shape_cast %swap3A_127 : vector<16xf32> to vector<16xf32>
    %swap3A_129 = vector.shape_cast %broadcast_in_dim3A_125 : vector<16xf32> to vector<16xf32>
    tpu.vector_store %arg5[%swap3A_126], %swap3A_129 {strides = array<i32>} : memref<640xf32, #tpu.memory_space<vmem>>, vector<16xf32>,
    %broadcast_in_dim3A_130 = arith.constant 0.000000e+00 : f32
    %broadcast_in_dim3A_131 = vector.broadcast %broadcast_in_dim3A_130 : f32 to vector<16xf32>
    %swap3A_132 = arith.constant 352 : index
    %swap3A_133 = tpu.vector_load %arg5[%swap3A_132] {strides = array<i32>} : memref<640xf32, #tpu.memory_space<vmem>>, vector<16xf32>,
    %swap3A_134 = vector.shape_cast %swap3A_133 : vector<16xf32> to vector<16xf32>
    %swap3A_135 = vector.shape_cast %broadcast_in_dim3A_131 : vector<16xf32> to vector<16xf32>
    tpu.vector_store %arg5[%swap3A_132], %swap3A_135 {strides = array<i32>} : memref<640xf32, #tpu.memory_space<vmem>>, vector<16xf32>,
    %broadcast_in_dim3A_136 = arith.constant 0.000000e+00 : f32
    %broadcast_in_dim3A_137 = vector.broadcast %broadcast_in_dim3A_136 : f32 to vector<16xf32>
    %swap3A_138 = arith.constant 368 : index
    %swap3A_139 = tpu.vector_load %arg5[%swap3A_138] {strides = array<i32>} : memref<640xf32, #tpu.memory_space<vmem>>, vector<16xf32>,
    %swap3A_140 = vector.shape_cast %swap3A_139 : vector<16xf32> to vector<16xf32>
    %swap3A_141 = vector.shape_cast %broadcast_in_dim3A_137 : vector<16xf32> to vector<16xf32>
    tpu.vector_store %arg5[%swap3A_138], %swap3A_141 {strides = array<i32>} : memref<640xf32, #tpu.memory_space<vmem>>, vector<16xf32>,
    %broadcast_in_dim3A_142 = arith.constant 0.000000e+00 : f32
    %broadcast_in_dim3A_143 = vector.broadcast %broadcast_in_dim3A_142 : f32 to vector<16xf32>
    %swap3A_144 = arith.constant 384 : index
    %swap3A_145 = tpu.vector_load %arg5[%swap3A_144] {strides = array<i32>} : memref<640xf32, #tpu.memory_space<vmem>>, vector<16xf32>,
    %swap3A_146 = vector.shape_cast %swap3A_145 : vector<16xf32> to vector<16xf32>
    %swap3A_147 = vector.shape_cast %broadcast_in_dim3A_143 : vector<16xf32> to vector<16xf32>
    tpu.vector_store %arg5[%swap3A_144], %swap3A_147 {strides = array<i32>} : memref<640xf32, #tpu.memory_space<vmem>>, vector<16xf32>,
    %broadcast_in_dim3A_148 = arith.constant 0.000000e+00 : f32
    %broadcast_in_dim3A_149 = vector.broadcast %broadcast_in_dim3A_148 : f32 to vector<16xf32>
    %swap3A_150 = arith.constant 400 : index
    %swap3A_151 = tpu.vector_load %arg5[%swap3A_150] {strides = array<i32>} : memref<640xf32, #tpu.memory_space<vmem>>, vector<16xf32>,
    %swap3A_152 = vector.shape_cast %swap3A_151 : vector<16xf32> to vector<16xf32>
    %swap3A_153 = vector.shape_cast %broadcast_in_dim3A_149 : vector<16xf32> to vector<16xf32>
    tpu.vector_store %arg5[%swap3A_150], %swap3A_153 {strides = array<i32>} : memref<640xf32, #tpu.memory_space<vmem>>, vector<16xf32>,
    %broadcast_in_dim3A_154 = arith.constant 0.000000e+00 : f32
    %broadcast_in_dim3A_155 = vector.broadcast %broadcast_in_dim3A_154 : f32 to vector<16xf32>
    %swap3A_156 = arith.constant 416 : index
    %swap3A_157 = tpu.vector_load %arg5[%swap3A_156] {strides = array<i32>} : memref<640xf32, #tpu.memory_space<vmem>>, vector<16xf32>,
    %swap3A_158 = vector.shape_cast %swap3A_157 : vector<16xf32> to vector<16xf32>
    %swap3A_159 = vector.shape_cast %broadcast_in_dim3A_155 : vector<16xf32> to vector<16xf32>
    tpu.vector_store %arg5[%swap3A_156], %swap3A_159 {strides = array<i32>} : memref<640xf32, #tpu.memory_space<vmem>>, vector<16xf32>,
    %broadcast_in_dim3A_160 = arith.constant 0.000000e+00 : f32
    %broadcast_in_dim3A_161 = vector.broadcast %broadcast_in_dim3A_160 : f32 to vector<16xf32>
    %swap3A_162 = arith.constant 432 : index
    %swap3A_163 = tpu.vector_load %arg5[%swap3A_162] {strides = array<i32>} : memref<640xf32, #tpu.memory_space<vmem>>, vector<16xf32>,
    %swap3A_164 = vector.shape_cast %swap3A_163 : vector<16xf32> to vector<16xf32>
    %swap3A_165 = vector.shape_cast %broadcast_in_dim3A_161 : vector<16xf32> to vector<16xf32>
    tpu.vector_store %arg5[%swap3A_162], %swap3A_165 {strides = array<i32>} : memref<640xf32, #tpu.memory_space<vmem>>, vector<16xf32>,
    %broadcast_in_dim3A_166 = arith.constant 0.000000e+00 : f32
    %broadcast_in_dim3A_167 = vector.broadcast %broadcast_in_dim3A_166 : f32 to vector<16xf32>
    %swap3A_168 = arith.constant 448 : index
    %swap3A_169 = tpu.vector_load %arg5[%swap3A_168] {strides = array<i32>} : memref<640xf32, #tpu.memory_space<vmem>>, vector<16xf32>,
    %swap3A_170 = vector.shape_cast %swap3A_169 : vector<16xf32> to vector<16xf32>
    %swap3A_171 = vector.shape_cast %broadcast_in_dim3A_167 : vector<16xf32> to vector<16xf32>
    tpu.vector_store %arg5[%swap3A_168], %swap3A_171 {strides = array<i32>} : memref<640xf32, #tpu.memory_space<vmem>>, vector<16xf32>,
    %broadcast_in_dim3A_172 = arith.constant 0.000000e+00 : f32
    %broadcast_in_dim3A_173 = vector.broadcast %broadcast_in_dim3A_172 : f32 to vector<16xf32>
    %swap3A_174 = arith.constant 464 : index
    %swap3A_175 = tpu.vector_load %arg5[%swap3A_174] {strides = array<i32>} : memref<640xf32, #tpu.memory_space<vmem>>, vector<16xf32>,
    %swap3A_176 = vector.shape_cast %swap3A_175 : vector<16xf32> to vector<16xf32>
    %swap3A_177 = vector.shape_cast %broadcast_in_dim3A_173 : vector<16xf32> to vector<16xf32>
    tpu.vector_store %arg5[%swap3A_174], %swap3A_177 {strides = array<i32>} : memref<640xf32, #tpu.memory_space<vmem>>, vector<16xf32>,
    %broadcast_in_dim3A_178 = arith.constant 0.000000e+00 : f32
    %broadcast_in_dim3A_179 = vector.broadcast %broadcast_in_dim3A_178 : f32 to vector<16xf32>
    %swap3A_180 = arith.constant 480 : index
    %swap3A_181 = tpu.vector_load %arg5[%swap3A_180] {strides = array<i32>} : memref<640xf32, #tpu.memory_space<vmem>>, vector<16xf32>,
    %swap3A_182 = vector.shape_cast %swap3A_181 : vector<16xf32> to vector<16xf32>
    %swap3A_183 = vector.shape_cast %broadcast_in_dim3A_179 : vector<16xf32> to vector<16xf32>
    tpu.vector_store %arg5[%swap3A_180], %swap3A_183 {strides = array<i32>} : memref<640xf32, #tpu.memory_space<vmem>>, vector<16xf32>,
    %broadcast_in_dim3A_184 = arith.constant 0.000000e+00 : f32
    %broadcast_in_dim3A_185 = vector.broadcast %broadcast_in_dim3A_184 : f32 to vector<16xf32>
    %swap3A_186 = arith.constant 496 : index
    %swap3A_187 = tpu.vector_load %arg5[%swap3A_186] {strides = array<i32>} : memref<640xf32, #tpu.memory_space<vmem>>, vector<16xf32>,
    %swap3A_188 = vector.shape_cast %swap3A_187 : vector<16xf32> to vector<16xf32>
    %swap3A_189 = vector.shape_cast %broadcast_in_dim3A_185 : vector<16xf32> to vector<16xf32>
    tpu.vector_store %arg5[%swap3A_186], %swap3A_189 {strides = array<i32>} : memref<640xf32, #tpu.memory_space<vmem>>, vector<16xf32>,
    %broadcast_in_dim3A_190 = arith.constant 0.000000e+00 : f32
    %broadcast_in_dim3A_191 = vector.broadcast %broadcast_in_dim3A_190 : f32 to vector<16xf32>
    %swap3A_192 = arith.constant 512 : index
    %swap3A_193 = tpu.vector_load %arg5[%swap3A_192] {strides = array<i32>} : memref<640xf32, #tpu.memory_space<vmem>>, vector<16xf32>,
    %swap3A_194 = vector.shape_cast %swap3A_193 : vector<16xf32> to vector<16xf32>
    %swap3A_195 = vector.shape_cast %broadcast_in_dim3A_191 : vector<16xf32> to vector<16xf32>
    tpu.vector_store %arg5[%swap3A_192], %swap3A_195 {strides = array<i32>} : memref<640xf32, #tpu.memory_space<vmem>>, vector<16xf32>,
    %broadcast_in_dim3A_196 = arith.constant 0.000000e+00 : f32
    %broadcast_in_dim3A_197 = vector.broadcast %broadcast_in_dim3A_196 : f32 to vector<16xf32>
    %swap3A_198 = arith.constant 528 : index
    %swap3A_199 = tpu.vector_load %arg5[%swap3A_198] {strides = array<i32>} : memref<640xf32, #tpu.memory_space<vmem>>, vector<16xf32>,
    %swap3A_200 = vector.shape_cast %swap3A_199 : vector<16xf32> to vector<16xf32>
    %swap3A_201 = vector.shape_cast %broadcast_in_dim3A_197 : vector<16xf32> to vector<16xf32>
    tpu.vector_store %arg5[%swap3A_198], %swap3A_201 {strides = array<i32>} : memref<640xf32, #tpu.memory_space<vmem>>, vector<16xf32>,
    %broadcast_in_dim3A_202 = arith.constant 0.000000e+00 : f32
    %broadcast_in_dim3A_203 = vector.broadcast %broadcast_in_dim3A_202 : f32 to vector<16xf32>
    %swap3A_204 = arith.constant 544 : index
    %swap3A_205 = tpu.vector_load %arg5[%swap3A_204] {strides = array<i32>} : memref<640xf32, #tpu.memory_space<vmem>>, vector<16xf32>,
    %swap3A_206 = vector.shape_cast %swap3A_205 : vector<16xf32> to vector<16xf32>
    %swap3A_207 = vector.shape_cast %broadcast_in_dim3A_203 : vector<16xf32> to vector<16xf32>
    tpu.vector_store %arg5[%swap3A_204], %swap3A_207 {strides = array<i32>} : memref<640xf32, #tpu.memory_space<vmem>>, vector<16xf32>,
    %broadcast_in_dim3A_208 = arith.constant 0.000000e+00 : f32
    %broadcast_in_dim3A_209 = vector.broadcast %broadcast_in_dim3A_208 : f32 to vector<16xf32>
    %swap3A_210 = arith.constant 560 : index
    %swap3A_211 = tpu.vector_load %arg5[%swap3A_210] {strides = array<i32>} : memref<640xf32, #tpu.memory_space<vmem>>, vector<16xf32>,
    %swap3A_212 = vector.shape_cast %swap3A_211 : vector<16xf32> to vector<16xf32>
    %swap3A_213 = vector.shape_cast %broadcast_in_dim3A_209 : vector<16xf32> to vector<16xf32>
    tpu.vector_store %arg5[%swap3A_210], %swap3A_213 {strides = array<i32>} : memref<640xf32, #tpu.memory_space<vmem>>, vector<16xf32>,
    %broadcast_in_dim3A_214 = arith.constant 0.000000e+00 : f32
    %broadcast_in_dim3A_215 = vector.broadcast %broadcast_in_dim3A_214 : f32 to vector<16xf32>
    %swap3A_216 = arith.constant 576 : index
    %swap3A_217 = tpu.vector_load %arg5[%swap3A_216] {strides = array<i32>} : memref<640xf32, #tpu.memory_space<vmem>>, vector<16xf32>,
    %swap3A_218 = vector.shape_cast %swap3A_217 : vector<16xf32> to vector<16xf32>
    %swap3A_219 = vector.shape_cast %broadcast_in_dim3A_215 : vector<16xf32> to vector<16xf32>
    tpu.vector_store %arg5[%swap3A_216], %swap3A_219 {strides = array<i32>} : memref<640xf32, #tpu.memory_space<vmem>>, vector<16xf32>,
    %broadcast_in_dim3A_220 = arith.constant 0.000000e+00 : f32
    %broadcast_in_dim3A_221 = vector.broadcast %broadcast_in_dim3A_220 : f32 to vector<16xf32>
    %swap3A_222 = arith.constant 592 : index
    %swap3A_223 = tpu.vector_load %arg5[%swap3A_222] {strides = array<i32>} : memref<640xf32, #tpu.memory_space<vmem>>, vector<16xf32>,
    %swap3A_224 = vector.shape_cast %swap3A_223 : vector<16xf32> to vector<16xf32>
    %swap3A_225 = vector.shape_cast %broadcast_in_dim3A_221 : vector<16xf32> to vector<16xf32>
    tpu.vector_store %arg5[%swap3A_222], %swap3A_225 {strides = array<i32>} : memref<640xf32, #tpu.memory_space<vmem>>, vector<16xf32>,
    %broadcast_in_dim3A_226 = arith.constant 0.000000e+00 : f32
    %broadcast_in_dim3A_227 = vector.broadcast %broadcast_in_dim3A_226 : f32 to vector<16xf32>
    %swap3A_228 = arith.constant 608 : index
    %swap3A_229 = tpu.vector_load %arg5[%swap3A_228] {strides = array<i32>} : memref<640xf32, #tpu.memory_space<vmem>>, vector<16xf32>,
    %swap3A_230 = vector.shape_cast %swap3A_229 : vector<16xf32> to vector<16xf32>
    %swap3A_231 = vector.shape_cast %broadcast_in_dim3A_227 : vector<16xf32> to vector<16xf32>
    tpu.vector_store %arg5[%swap3A_228], %swap3A_231 {strides = array<i32>} : memref<640xf32, #tpu.memory_space<vmem>>, vector<16xf32>,
    %broadcast_in_dim3A_232 = arith.constant 0.000000e+00 : f32
    %broadcast_in_dim3A_233 = vector.broadcast %broadcast_in_dim3A_232 : f32 to vector<16xf32>
    %swap3A_234 = arith.constant 624 : index
    %swap3A_235 = tpu.vector_load %arg5[%swap3A_234] {strides = array<i32>} : memref<640xf32, #tpu.memory_space<vmem>>, vector<16xf32>,
    %swap3A_236 = vector.shape_cast %swap3A_235 : vector<16xf32> to vector<16xf32>
    %swap3A_237 = vector.shape_cast %broadcast_in_dim3A_233 : vector<16xf32> to vector<16xf32>
    tpu.vector_store %arg5[%swap3A_234], %swap3A_237 {strides = array<i32>} : memref<640xf32, #tpu.memory_space<vmem>>, vector<16xf32>,
    %broadcast_in_dim3A_238 = arith.constant 1.000000e+00 : f32
    %broadcast_in_dim3A_239 = vector.broadcast %broadcast_in_dim3A_238 : f32 to vector<16xf32>
    %swap3A_240 = arith.constant 0 : index
    %swap3A_241 = tpu.vector_load %arg6[%swap3A_240] {strides = array<i32>} : memref<128xf32, #tpu.memory_space<vmem>>, vector<16xf32>,
    %swap3A_242 = vector.shape_cast %swap3A_241 : vector<16xf32> to vector<16xf32>
    %swap3A_243 = vector.shape_cast %broadcast_in_dim3A_239 : vector<16xf32> to vector<16xf32>
    tpu.vector_store %arg6[%swap3A_240], %swap3A_243 {strides = array<i32>} : memref<128xf32, #tpu.memory_space<vmem>>, vector<16xf32>,
    %broadcast_in_dim3A_244 = arith.constant 1.000000e+00 : f32
    %broadcast_in_dim3A_245 = vector.broadcast %broadcast_in_dim3A_244 : f32 to vector<16xf32>
    %swap3A_246 = arith.constant 16 : index
    %swap3A_247 = tpu.vector_load %arg6[%swap3A_246] {strides = array<i32>} : memref<128xf32, #tpu.memory_space<vmem>>, vector<16xf32>,
    %swap3A_248 = vector.shape_cast %swap3A_247 : vector<16xf32> to vector<16xf32>
    %swap3A_249 = vector.shape_cast %broadcast_in_dim3A_245 : vector<16xf32> to vector<16xf32>
    tpu.vector_store %arg6[%swap3A_246], %swap3A_249 {strides = array<i32>} : memref<128xf32, #tpu.memory_space<vmem>>, vector<16xf32>,
    %broadcast_in_dim3A_250 = arith.constant 1.000000e+00 : f32
    %broadcast_in_dim3A_251 = vector.broadcast %broadcast_in_dim3A_250 : f32 to vector<16xf32>
    %swap3A_252 = arith.constant 32 : index
    %swap3A_253 = tpu.vector_load %arg6[%swap3A_252] {strides = array<i32>} : memref<128xf32, #tpu.memory_space<vmem>>, vector<16xf32>,
    %swap3A_254 = vector.shape_cast %swap3A_253 : vector<16xf32> to vector<16xf32>
    %swap3A_255 = vector.shape_cast %broadcast_in_dim3A_251 : vector<16xf32> to vector<16xf32>
    tpu.vector_store %arg6[%swap3A_252], %swap3A_255 {strides = array<i32>} : memref<128xf32, #tpu.memory_space<vmem>>, vector<16xf32>,
    %broadcast_in_dim3A_256 = arith.constant 1.000000e+00 : f32
    %broadcast_in_dim3A_257 = vector.broadcast %broadcast_in_dim3A_256 : f32 to vector<16xf32>
    %swap3A_258 = arith.constant 48 : index
    %swap3A_259 = tpu.vector_load %arg6[%swap3A_258] {strides = array<i32>} : memref<128xf32, #tpu.memory_space<vmem>>, vector<16xf32>,
    %swap3A_260 = vector.shape_cast %swap3A_259 : vector<16xf32> to vector<16xf32>
    %swap3A_261 = vector.shape_cast %broadcast_in_dim3A_257 : vector<16xf32> to vector<16xf32>
    tpu.vector_store %arg6[%swap3A_258], %swap3A_261 {strides = array<i32>} : memref<128xf32, #tpu.memory_space<vmem>>, vector<16xf32>,
    %broadcast_in_dim3A_262 = arith.constant 1.000000e+00 : f32
    %broadcast_in_dim3A_263 = vector.broadcast %broadcast_in_dim3A_262 : f32 to vector<16xf32>
    %swap3A_264 = arith.constant 64 : index
    %swap3A_265 = tpu.vector_load %arg6[%swap3A_264] {strides = array<i32>} : memref<128xf32, #tpu.memory_space<vmem>>, vector<16xf32>,
    %swap3A_266 = vector.shape_cast %swap3A_265 : vector<16xf32> to vector<16xf32>
    %swap3A_267 = vector.shape_cast %broadcast_in_dim3A_263 : vector<16xf32> to vector<16xf32>
    tpu.vector_store %arg6[%swap3A_264], %swap3A_267 {strides = array<i32>} : memref<128xf32, #tpu.memory_space<vmem>>, vector<16xf32>,
    %broadcast_in_dim3A_268 = arith.constant 1.000000e+00 : f32
    %broadcast_in_dim3A_269 = vector.broadcast %broadcast_in_dim3A_268 : f32 to vector<16xf32>
    %swap3A_270 = arith.constant 80 : index
    %swap3A_271 = tpu.vector_load %arg6[%swap3A_270] {strides = array<i32>} : memref<128xf32, #tpu.memory_space<vmem>>, vector<16xf32>,
    %swap3A_272 = vector.shape_cast %swap3A_271 : vector<16xf32> to vector<16xf32>
    %swap3A_273 = vector.shape_cast %broadcast_in_dim3A_269 : vector<16xf32> to vector<16xf32>
    tpu.vector_store %arg6[%swap3A_270], %swap3A_273 {strides = array<i32>} : memref<128xf32, #tpu.memory_space<vmem>>, vector<16xf32>,
    %broadcast_in_dim3A_274 = arith.constant 1.000000e+00 : f32
    %broadcast_in_dim3A_275 = vector.broadcast %broadcast_in_dim3A_274 : f32 to vector<16xf32>
    %swap3A_276 = arith.constant 96 : index
    %swap3A_277 = tpu.vector_load %arg6[%swap3A_276] {strides = array<i32>} : memref<128xf32, #tpu.memory_space<vmem>>, vector<16xf32>,
    %swap3A_278 = vector.shape_cast %swap3A_277 : vector<16xf32> to vector<16xf32>
    %swap3A_279 = vector.shape_cast %broadcast_in_dim3A_275 : vector<16xf32> to vector<16xf32>
    tpu.vector_store %arg6[%swap3A_276], %swap3A_279 {strides = array<i32>} : memref<128xf32, #tpu.memory_space<vmem>>, vector<16xf32>,
    %broadcast_in_dim3A_280 = arith.constant 1.000000e+00 : f32
    %broadcast_in_dim3A_281 = vector.broadcast %broadcast_in_dim3A_280 : f32 to vector<16xf32>
    %swap3A_282 = arith.constant 112 : index
    %swap3A_283 = tpu.vector_load %arg6[%swap3A_282] {strides = array<i32>} : memref<128xf32, #tpu.memory_space<vmem>>, vector<16xf32>,
    %swap3A_284 = vector.shape_cast %swap3A_283 : vector<16xf32> to vector<16xf32>
    %swap3A_285 = vector.shape_cast %broadcast_in_dim3A_281 : vector<16xf32> to vector<16xf32>
    tpu.vector_store %arg6[%swap3A_282], %swap3A_285 {strides = array<i32>} : memref<128xf32, #tpu.memory_space<vmem>>, vector<16xf32>,
    %mul3A = arith.constant 640 : i32
    %mul3A_286 = arith.muli %arg1, %mul3A : i32
    "tpu.region"() ({
      %run_scoped3A = tpu.sem_alloc : memref<!tpu.dma_semaphore, #tpu.memory_space<semaphore_mem>>
      %dma_start3A = tpu.memref_slice %arg4[%mul3A_286] : memref<10240xf32, #tpu.memory_space<vmem_shared>> -> memref<640xf32, #tpu.memory_space<vmem_shared>>
      %dma_start3A_310 = tpu.memref_slice %arg4[%mul3A_286] : memref<10240xf32, #tpu.memory_space<vmem_shared>> -> memref<640xf32, #tpu.memory_space<vmem_shared>>
      tpu.enqueue_dma source(%arg5 : memref<640xf32, #tpu.memory_space<vmem>>) target(%dma_start3A_310 : memref<640xf32, #tpu.memory_space<vmem_shared>>) target_semaphore(%run_scoped3A : memref<!tpu.dma_semaphore, #tpu.memory_space<semaphore_mem>>)
      %dma_wait3A = tpu.memref_slice %arg4[%mul3A_286] : memref<10240xf32, #tpu.memory_space<vmem_shared>> -> memref<640xf32, #tpu.memory_space<vmem_shared>>
      %dma_wait3A_311 = tpu.memref_slice %arg4[%mul3A_286] : memref<10240xf32, #tpu.memory_space<vmem_shared>> -> memref<640xf32, #tpu.memory_space<vmem_shared>>
      tpu.wait_dma2 semaphore(%run_scoped3A : memref<!tpu.dma_semaphore, #tpu.memory_space<semaphore_mem>>) src(%arg5 : memref<640xf32, #tpu.memory_space<vmem>>) dst(%dma_wait3A_311 : memref<640xf32, #tpu.memory_space<vmem_shared>>)
      tpu.yield
    }) : () -> ()
    %barrier3A = arith.constant 0 : index
    tpu.barrier barrier_id(%barrier3A)
    %mul3A_287 = arith.constant 16 : i32
    %mul3A_288 = arith.muli %arg0, %mul3A_287 : i32
    %add3A = arith.addi %mul3A_288, %arg1 : i32
    %mul3A_289 = arith.constant 80 : i32
    %mul3A_290 = arith.muli %add3A, %mul3A_289 : i32
    "tpu.region"() ({
      %run_scoped3A = tpu.sem_alloc : memref<!tpu.dma_semaphore, #tpu.memory_space<semaphore_mem>>
      %dma_start3A = arith.constant 0 : i32
      %dma_start3A_310 = tpu.memref_slice %arg2[%mul3A_290, %dma_start3A] : memref<2560x128xi32, #tpu.memory_space<hbm>> -> memref<80x128xi32, #tpu.memory_space<hbm>>
      %dma_start3A_311 = arith.constant 0 : i32
      %dma_start3A_312 = tpu.memref_slice %arg2[%mul3A_290, %dma_start3A_311] : memref<2560x128xi32, #tpu.memory_space<hbm>> -> memref<80x128xi32, #tpu.memory_space<hbm>>
      tpu.enqueue_dma source(%dma_start3A_312 : memref<80x128xi32, #tpu.memory_space<hbm>>) target(%arg7 : memref<80x128xi32, #tpu.memory_space<vmem>>) target_semaphore(%run_scoped3A : memref<!tpu.dma_semaphore, #tpu.memory_space<semaphore_mem>>)
      %dma_wait3A = arith.constant 0 : i32
      %dma_wait3A_313 = tpu.memref_slice %arg2[%mul3A_290, %dma_wait3A] : memref<2560x128xi32, #tpu.memory_space<hbm>> -> memref<80x128xi32, #tpu.memory_space<hbm>>
      %dma_wait3A_314 = arith.constant 0 : i32
      %dma_wait3A_315 = tpu.memref_slice %arg2[%mul3A_290, %dma_wait3A_314] : memref<2560x128xi32, #tpu.memory_space<hbm>> -> memref<80x128xi32, #tpu.memory_space<hbm>>
      tpu.wait_dma2 semaphore(%run_scoped3A : memref<!tpu.dma_semaphore, #tpu.memory_space<semaphore_mem>>) src(%dma_wait3A_315 : memref<80x128xi32, #tpu.memory_space<hbm>>) dst(%arg7 : memref<80x128xi32, #tpu.memory_space<vmem>>)
      tpu.yield
    }) : () -> ()
    %scan3A = arith.constant 0 : i32
    %scan3A_291 = arith.constant 0 : i32
    %scan3A_292 = arith.constant 80 : i32
    %scan3A_293 = arith.addi %scan3A_291, %scan3A_292 : i32
    %scan3A_294 = arith.constant 1 : i32
    scf.for %scan3A_310 = %scan3A_291 to %scan3A_293 step %scan3A_294  : i32 {
      %dma_start3A = arith.constant 0 : i32
      %dma_start3A_311 = tpu.memref_slice %arg7[%scan3A_310, %dma_start3A] : memref<80x128xi32, #tpu.memory_space<vmem>> -> memref<1x128xi32, #tpu.memory_space<vmem>>
      %dma_start3A_312 = tpu.memref_squeeze %dma_start3A_311 : memref<1x128xi32, #tpu.memory_space<vmem>> -> memref<128xi32, #tpu.memory_space<vmem>>
      %dma_start3A_313 = arith.constant 0 : i32
      %dma_start3A_314 = tpu.memref_slice %arg4[%dma_start3A_313] : memref<10240xf32, #tpu.memory_space<vmem_shared>> -> memref<10240xf32, #tpu.memory_space<vmem_shared>>
      tpu.enqueue_indirect_dma source(%arg6 : memref<128xf32, #tpu.memory_space<vmem>>) target(%dma_start3A_314 : memref<10240xf32, #tpu.memory_space<vmem_shared>>) offsets(%dma_start3A_312 : memref<128xi32, #tpu.memory_space<vmem>>) semaphore(%arg8 : memref<!tpu.dma_semaphore, #tpu.memory_space<semaphore_mem>>) {add = true}
    }
    %scan3A_295 = arith.constant 80 : i32
    %scan3A_296 = arith.constant 0 : i32
    %scan3A_297 = arith.constant 0 : i32
    %scan3A_298 = arith.constant 80 : i32
    %scan3A_299 = arith.addi %scan3A_297, %scan3A_298 : i32
    %scan3A_300 = arith.constant 1 : i32
    scf.for %scan3A_310 = %scan3A_297 to %scan3A_299 step %scan3A_300  : i32 {
      %dma_wait3A = arith.constant 0 : i32
      %dma_wait3A_311 = tpu.memref_slice %arg7[%scan3A_310, %dma_wait3A] : memref<80x128xi32, #tpu.memory_space<vmem>> -> memref<1x128xi32, #tpu.memory_space<vmem>>
      %dma_wait3A_312 = tpu.memref_squeeze %dma_wait3A_311 : memref<1x128xi32, #tpu.memory_space<vmem>> -> memref<128xi32, #tpu.memory_space<vmem>>
      %dma_wait3A_313 = arith.constant 0 : i32
      %dma_wait3A_314 = tpu.memref_slice %arg4[%dma_wait3A_313] : memref<10240xf32, #tpu.memory_space<vmem_shared>> -> memref<10240xf32, #tpu.memory_space<vmem_shared>>
      tpu.wait_indirect_dma semaphore(%arg8 : memref<!tpu.dma_semaphore, #tpu.memory_space<semaphore_mem>>) src(%arg6 : memref<128xf32, #tpu.memory_space<vmem>>) dst(%dma_wait3A_314 : memref<10240xf32, #tpu.memory_space<vmem_shared>>)
    }
    %scan3A_301 = arith.constant 80 : i32
    %barrier3A_302 = arith.constant 0 : index
    tpu.barrier barrier_id(%barrier3A_302)
    %mul3A_303 = arith.constant 640 : i32
    %mul3A_304 = arith.muli %arg1, %mul3A_303 : i32
    %mul3A_305 = arith.constant 10240 : i32
    %mul3A_306 = arith.muli %arg0, %mul3A_305 : i32
    %mul3A_307 = arith.constant 640 : i32
    %mul3A_308 = arith.muli %arg1, %mul3A_307 : i32
    %add3A_309 = arith.addi %mul3A_306, %mul3A_308 : i32
    "tpu.region"() ({
      %run_scoped3A = tpu.sem_alloc : memref<!tpu.dma_semaphore, #tpu.memory_space<semaphore_mem>>
      %dma_start3A = tpu.memref_slice %arg3[%add3A_309] : memref<20480xf32, #tpu.memory_space<hbm>> -> memref<640xf32, #tpu.memory_space<hbm>>
      %dma_start3A_310 = tpu.memref_slice %arg4[%mul3A_304] : memref<10240xf32, #tpu.memory_space<vmem_shared>> -> memref<640xf32, #tpu.memory_space<vmem_shared>>
      tpu.enqueue_dma source(%dma_start3A_310 : memref<640xf32, #tpu.memory_space<vmem_shared>>) target(%dma_start3A : memref<640xf32, #tpu.memory_space<hbm>>) target_semaphore(%run_scoped3A : memref<!tpu.dma_semaphore, #tpu.memory_space<semaphore_mem>>)
      %dma_wait3A = tpu.memref_slice %arg3[%add3A_309] : memref<20480xf32, #tpu.memory_space<hbm>> -> memref<640xf32, #tpu.memory_space<hbm>>
      %dma_wait3A_311 = tpu.memref_slice %arg4[%mul3A_304] : memref<10240xf32, #tpu.memory_space<vmem_shared>> -> memref<640xf32, #tpu.memory_space<vmem_shared>>
      tpu.wait_dma2 semaphore(%run_scoped3A : memref<!tpu.dma_semaphore, #tpu.memory_space<semaphore_mem>>) src(%dma_wait3A_311 : memref<640xf32, #tpu.memory_space<vmem_shared>>) dst(%dma_wait3A : memref<640xf32, #tpu.memory_space<hbm>>)
      tpu.yield
    }) : () -> ()
    return
  }
}

#map = affine_map<(d0, d1) -> (0, 0)>
#map1 = affine_map<(d0, d1) -> (0, 0, 0)>
module attributes {stable_mosaic.version = 14 : i64} {
  func.func @agg(%arg0: i32, %arg1: i32, %arg2: memref<10000x128xf32, #tpu.memory_space<hbm>>, %arg3: memref<2560x128xi32, #tpu.memory_space<hbm>>, %arg4: memref<2560x128xi32, #tpu.memory_space<hbm>>, %arg5: memref<2x10000x128xf32, #tpu.memory_space<hbm>>, %arg6: memref<10112x128xf32, #tpu.memory_space<vmem_shared>>, %arg7: memref<40x128xi32, #tpu.memory_space<vmem>>, %arg8: memref<40x128xi32, #tpu.memory_space<vmem>>, %arg9: memref<128x128xf32, #tpu.memory_space<vmem>>, %arg10: memref<128x128xf32, #tpu.memory_space<vmem>>, %arg11: memref<!tpu.dma_semaphore, #tpu.memory_space<semaphore_mem>>, %arg12: memref<!tpu.dma_semaphore, #tpu.memory_space<semaphore_mem>>) attributes {dimension_semantics = [#tpu.dimension_semantics<core_parallel>, #tpu.dimension_semantics<subcore_parallel>], iteration_bounds = array<i64: 2, 16>, scalar_prefetch = 0 : i64, scratch_operands = 7 : i64, tpu.core_type = #tpu.core_type<sc_vector_subcore>, window_params = [{transform_indices = #map}, {transform_indices = #map}, {transform_indices = #map}, {transform_indices = #map1}]} {
    %scan3A = arith.constant 0 : i32
    %scan3A_0 = arith.constant 0 : i32
    %scan3A_1 = arith.constant 128 : i32
    %scan3A_2 = arith.addi %scan3A_0, %scan3A_1 : i32
    %scan3A_3 = arith.constant 1 : i32
    scf.for %scan3A_83 = %scan3A_0 to %scan3A_2 step %scan3A_3  : i32 {
      %broadcast_in_dim3A = arith.constant 0.000000e+00 : f32
      %broadcast_in_dim3A_84 = vector.broadcast %broadcast_in_dim3A : f32 to vector<16xf32>
      %swap3A = arith.index_cast %scan3A_83 : i32 to index
      %swap3A_85 = arith.constant 0 : index
      %swap3A_86 = tpu.vector_load %arg9[%swap3A, %swap3A_85] {strides = array<i32>} : memref<128x128xf32, #tpu.memory_space<vmem>>, vector<1x16xf32>,
      %swap3A_87 = vector.shape_cast %swap3A_86 : vector<1x16xf32> to vector<16xf32>
      %swap3A_88 = vector.shape_cast %broadcast_in_dim3A_84 : vector<16xf32> to vector<1x16xf32>
      tpu.vector_store %arg9[%swap3A, %swap3A_85], %swap3A_88 {strides = array<i32>} : memref<128x128xf32, #tpu.memory_space<vmem>>, vector<1x16xf32>,
      %broadcast_in_dim3A_89 = arith.constant 0.000000e+00 : f32
      %broadcast_in_dim3A_90 = vector.broadcast %broadcast_in_dim3A_89 : f32 to vector<16xf32>
      %swap3A_91 = arith.index_cast %scan3A_83 : i32 to index
      %swap3A_92 = arith.constant 16 : index
      %swap3A_93 = tpu.vector_load %arg9[%swap3A_91, %swap3A_92] {strides = array<i32>} : memref<128x128xf32, #tpu.memory_space<vmem>>, vector<1x16xf32>,
      %swap3A_94 = vector.shape_cast %swap3A_93 : vector<1x16xf32> to vector<16xf32>
      %swap3A_95 = vector.shape_cast %broadcast_in_dim3A_90 : vector<16xf32> to vector<1x16xf32>
      tpu.vector_store %arg9[%swap3A_91, %swap3A_92], %swap3A_95 {strides = array<i32>} : memref<128x128xf32, #tpu.memory_space<vmem>>, vector<1x16xf32>,
      %broadcast_in_dim3A_96 = arith.constant 0.000000e+00 : f32
      %broadcast_in_dim3A_97 = vector.broadcast %broadcast_in_dim3A_96 : f32 to vector<16xf32>
      %swap3A_98 = arith.index_cast %scan3A_83 : i32 to index
      %swap3A_99 = arith.constant 32 : index
      %swap3A_100 = tpu.vector_load %arg9[%swap3A_98, %swap3A_99] {strides = array<i32>} : memref<128x128xf32, #tpu.memory_space<vmem>>, vector<1x16xf32>,
      %swap3A_101 = vector.shape_cast %swap3A_100 : vector<1x16xf32> to vector<16xf32>
      %swap3A_102 = vector.shape_cast %broadcast_in_dim3A_97 : vector<16xf32> to vector<1x16xf32>
      tpu.vector_store %arg9[%swap3A_98, %swap3A_99], %swap3A_102 {strides = array<i32>} : memref<128x128xf32, #tpu.memory_space<vmem>>, vector<1x16xf32>,
      %broadcast_in_dim3A_103 = arith.constant 0.000000e+00 : f32
      %broadcast_in_dim3A_104 = vector.broadcast %broadcast_in_dim3A_103 : f32 to vector<16xf32>
      %swap3A_105 = arith.index_cast %scan3A_83 : i32 to index
      %swap3A_106 = arith.constant 48 : index
      %swap3A_107 = tpu.vector_load %arg9[%swap3A_105, %swap3A_106] {strides = array<i32>} : memref<128x128xf32, #tpu.memory_space<vmem>>, vector<1x16xf32>,
      %swap3A_108 = vector.shape_cast %swap3A_107 : vector<1x16xf32> to vector<16xf32>
      %swap3A_109 = vector.shape_cast %broadcast_in_dim3A_104 : vector<16xf32> to vector<1x16xf32>
      tpu.vector_store %arg9[%swap3A_105, %swap3A_106], %swap3A_109 {strides = array<i32>} : memref<128x128xf32, #tpu.memory_space<vmem>>, vector<1x16xf32>,
      %broadcast_in_dim3A_110 = arith.constant 0.000000e+00 : f32
      %broadcast_in_dim3A_111 = vector.broadcast %broadcast_in_dim3A_110 : f32 to vector<16xf32>
      %swap3A_112 = arith.index_cast %scan3A_83 : i32 to index
      %swap3A_113 = arith.constant 64 : index
      %swap3A_114 = tpu.vector_load %arg9[%swap3A_112, %swap3A_113] {strides = array<i32>} : memref<128x128xf32, #tpu.memory_space<vmem>>, vector<1x16xf32>,
      %swap3A_115 = vector.shape_cast %swap3A_114 : vector<1x16xf32> to vector<16xf32>
      %swap3A_116 = vector.shape_cast %broadcast_in_dim3A_111 : vector<16xf32> to vector<1x16xf32>
      tpu.vector_store %arg9[%swap3A_112, %swap3A_113], %swap3A_116 {strides = array<i32>} : memref<128x128xf32, #tpu.memory_space<vmem>>, vector<1x16xf32>,
      %broadcast_in_dim3A_117 = arith.constant 0.000000e+00 : f32
      %broadcast_in_dim3A_118 = vector.broadcast %broadcast_in_dim3A_117 : f32 to vector<16xf32>
      %swap3A_119 = arith.index_cast %scan3A_83 : i32 to index
      %swap3A_120 = arith.constant 80 : index
      %swap3A_121 = tpu.vector_load %arg9[%swap3A_119, %swap3A_120] {strides = array<i32>} : memref<128x128xf32, #tpu.memory_space<vmem>>, vector<1x16xf32>,
      %swap3A_122 = vector.shape_cast %swap3A_121 : vector<1x16xf32> to vector<16xf32>
      %swap3A_123 = vector.shape_cast %broadcast_in_dim3A_118 : vector<16xf32> to vector<1x16xf32>
      tpu.vector_store %arg9[%swap3A_119, %swap3A_120], %swap3A_123 {strides = array<i32>} : memref<128x128xf32, #tpu.memory_space<vmem>>, vector<1x16xf32>,
      %broadcast_in_dim3A_124 = arith.constant 0.000000e+00 : f32
      %broadcast_in_dim3A_125 = vector.broadcast %broadcast_in_dim3A_124 : f32 to vector<16xf32>
      %swap3A_126 = arith.index_cast %scan3A_83 : i32 to index
      %swap3A_127 = arith.constant 96 : index
      %swap3A_128 = tpu.vector_load %arg9[%swap3A_126, %swap3A_127] {strides = array<i32>} : memref<128x128xf32, #tpu.memory_space<vmem>>, vector<1x16xf32>,
      %swap3A_129 = vector.shape_cast %swap3A_128 : vector<1x16xf32> to vector<16xf32>
      %swap3A_130 = vector.shape_cast %broadcast_in_dim3A_125 : vector<16xf32> to vector<1x16xf32>
      tpu.vector_store %arg9[%swap3A_126, %swap3A_127], %swap3A_130 {strides = array<i32>} : memref<128x128xf32, #tpu.memory_space<vmem>>, vector<1x16xf32>,
      %broadcast_in_dim3A_131 = arith.constant 0.000000e+00 : f32
      %broadcast_in_dim3A_132 = vector.broadcast %broadcast_in_dim3A_131 : f32 to vector<16xf32>
      %swap3A_133 = arith.index_cast %scan3A_83 : i32 to index
      %swap3A_134 = arith.constant 112 : index
      %swap3A_135 = tpu.vector_load %arg9[%swap3A_133, %swap3A_134] {strides = array<i32>} : memref<128x128xf32, #tpu.memory_space<vmem>>, vector<1x16xf32>,
      %swap3A_136 = vector.shape_cast %swap3A_135 : vector<1x16xf32> to vector<16xf32>
      %swap3A_137 = vector.shape_cast %broadcast_in_dim3A_132 : vector<16xf32> to vector<1x16xf32>
      tpu.vector_store %arg9[%swap3A_133, %swap3A_134], %swap3A_137 {strides = array<i32>} : memref<128x128xf32, #tpu.memory_space<vmem>>, vector<1x16xf32>,
    }
    %scan3A_4 = arith.constant 128 : i32
    %mul3A = arith.constant 632 : i32
    %mul3A_5 = arith.muli %arg1, %mul3A : i32
    %add3A = arith.constant 0 : i32
    %add3A_6 = arith.addi %mul3A_5, %add3A : i32
    "tpu.region"() ({
      %run_scoped3A = tpu.sem_alloc : memref<!tpu.dma_semaphore, #tpu.memory_space<semaphore_mem>>
      %dma_start3A_83 = arith.constant 0 : i32
      %dma_start3A_84 = tpu.memref_slice %arg6[%add3A_6, %dma_start3A_83] : memref<10112x128xf32, #tpu.memory_space<vmem_shared>> -> memref<128x128xf32, #tpu.memory_space<vmem_shared>>
      %dma_start3A_85 = arith.constant 0 : i32
      %dma_start3A_86 = tpu.memref_slice %arg6[%add3A_6, %dma_start3A_85] : memref<10112x128xf32, #tpu.memory_space<vmem_shared>> -> memref<128x128xf32, #tpu.memory_space<vmem_shared>>
      tpu.enqueue_dma source(%arg9 : memref<128x128xf32, #tpu.memory_space<vmem>>) target(%dma_start3A_86 : memref<128x128xf32, #tpu.memory_space<vmem_shared>>) target_semaphore(%run_scoped3A : memref<!tpu.dma_semaphore, #tpu.memory_space<semaphore_mem>>)
      %dma_wait3A = arith.constant 0 : i32
      %dma_wait3A_87 = tpu.memref_slice %arg6[%add3A_6, %dma_wait3A] : memref<10112x128xf32, #tpu.memory_space<vmem_shared>> -> memref<128x128xf32, #tpu.memory_space<vmem_shared>>
      %dma_wait3A_88 = arith.constant 0 : i32
      %dma_wait3A_89 = tpu.memref_slice %arg6[%add3A_6, %dma_wait3A_88] : memref<10112x128xf32, #tpu.memory_space<vmem_shared>> -> memref<128x128xf32, #tpu.memory_space<vmem_shared>>
      tpu.wait_dma2 semaphore(%run_scoped3A : memref<!tpu.dma_semaphore, #tpu.memory_space<semaphore_mem>>) src(%arg9 : memref<128x128xf32, #tpu.memory_space<vmem>>) dst(%dma_wait3A_89 : memref<128x128xf32, #tpu.memory_space<vmem_shared>>)
      tpu.yield
    }) : () -> ()
    %mul3A_7 = arith.constant 632 : i32
    %mul3A_8 = arith.muli %arg1, %mul3A_7 : i32
    %add3A_9 = arith.constant 128 : i32
    %add3A_10 = arith.addi %mul3A_8, %add3A_9 : i32
    "tpu.region"() ({
      %run_scoped3A = tpu.sem_alloc : memref<!tpu.dma_semaphore, #tpu.memory_space<semaphore_mem>>
      %dma_start3A_83 = arith.constant 0 : i32
      %dma_start3A_84 = tpu.memref_slice %arg6[%add3A_10, %dma_start3A_83] : memref<10112x128xf32, #tpu.memory_space<vmem_shared>> -> memref<128x128xf32, #tpu.memory_space<vmem_shared>>
      %dma_start3A_85 = arith.constant 0 : i32
      %dma_start3A_86 = tpu.memref_slice %arg6[%add3A_10, %dma_start3A_85] : memref<10112x128xf32, #tpu.memory_space<vmem_shared>> -> memref<128x128xf32, #tpu.memory_space<vmem_shared>>
      tpu.enqueue_dma source(%arg9 : memref<128x128xf32, #tpu.memory_space<vmem>>) target(%dma_start3A_86 : memref<128x128xf32, #tpu.memory_space<vmem_shared>>) target_semaphore(%run_scoped3A : memref<!tpu.dma_semaphore, #tpu.memory_space<semaphore_mem>>)
      %dma_wait3A = arith.constant 0 : i32
      %dma_wait3A_87 = tpu.memref_slice %arg6[%add3A_10, %dma_wait3A] : memref<10112x128xf32, #tpu.memory_space<vmem_shared>> -> memref<128x128xf32, #tpu.memory_space<vmem_shared>>
      %dma_wait3A_88 = arith.constant 0 : i32
      %dma_wait3A_89 = tpu.memref_slice %arg6[%add3A_10, %dma_wait3A_88] : memref<10112x128xf32, #tpu.memory_space<vmem_shared>> -> memref<128x128xf32, #tpu.memory_space<vmem_shared>>
      tpu.wait_dma2 semaphore(%run_scoped3A : memref<!tpu.dma_semaphore, #tpu.memory_space<semaphore_mem>>) src(%arg9 : memref<128x128xf32, #tpu.memory_space<vmem>>) dst(%dma_wait3A_89 : memref<128x128xf32, #tpu.memory_space<vmem_shared>>)
      tpu.yield
    }) : () -> ()
    %mul3A_11 = arith.constant 632 : i32
    %mul3A_12 = arith.muli %arg1, %mul3A_11 : i32
    %add3A_13 = arith.constant 256 : i32
    %add3A_14 = arith.addi %mul3A_12, %add3A_13 : i32
    "tpu.region"() ({
      %run_scoped3A = tpu.sem_alloc : memref<!tpu.dma_semaphore, #tpu.memory_space<semaphore_mem>>
      %dma_start3A_83 = arith.constant 0 : i32
      %dma_start3A_84 = tpu.memref_slice %arg6[%add3A_14, %dma_start3A_83] : memref<10112x128xf32, #tpu.memory_space<vmem_shared>> -> memref<128x128xf32, #tpu.memory_space<vmem_shared>>
      %dma_start3A_85 = arith.constant 0 : i32
      %dma_start3A_86 = tpu.memref_slice %arg6[%add3A_14, %dma_start3A_85] : memref<10112x128xf32, #tpu.memory_space<vmem_shared>> -> memref<128x128xf32, #tpu.memory_space<vmem_shared>>
      tpu.enqueue_dma source(%arg9 : memref<128x128xf32, #tpu.memory_space<vmem>>) target(%dma_start3A_86 : memref<128x128xf32, #tpu.memory_space<vmem_shared>>) target_semaphore(%run_scoped3A : memref<!tpu.dma_semaphore, #tpu.memory_space<semaphore_mem>>)
      %dma_wait3A = arith.constant 0 : i32
      %dma_wait3A_87 = tpu.memref_slice %arg6[%add3A_14, %dma_wait3A] : memref<10112x128xf32, #tpu.memory_space<vmem_shared>> -> memref<128x128xf32, #tpu.memory_space<vmem_shared>>
      %dma_wait3A_88 = arith.constant 0 : i32
      %dma_wait3A_89 = tpu.memref_slice %arg6[%add3A_14, %dma_wait3A_88] : memref<10112x128xf32, #tpu.memory_space<vmem_shared>> -> memref<128x128xf32, #tpu.memory_space<vmem_shared>>
      tpu.wait_dma2 semaphore(%run_scoped3A : memref<!tpu.dma_semaphore, #tpu.memory_space<semaphore_mem>>) src(%arg9 : memref<128x128xf32, #tpu.memory_space<vmem>>) dst(%dma_wait3A_89 : memref<128x128xf32, #tpu.memory_space<vmem_shared>>)
      tpu.yield
    }) : () -> ()
    %mul3A_15 = arith.constant 632 : i32
    %mul3A_16 = arith.muli %arg1, %mul3A_15 : i32
    %add3A_17 = arith.constant 384 : i32
    %add3A_18 = arith.addi %mul3A_16, %add3A_17 : i32
    "tpu.region"() ({
      %run_scoped3A = tpu.sem_alloc : memref<!tpu.dma_semaphore, #tpu.memory_space<semaphore_mem>>
      %dma_start3A_83 = arith.constant 0 : i32
      %dma_start3A_84 = tpu.memref_slice %arg6[%add3A_18, %dma_start3A_83] : memref<10112x128xf32, #tpu.memory_space<vmem_shared>> -> memref<128x128xf32, #tpu.memory_space<vmem_shared>>
      %dma_start3A_85 = arith.constant 0 : i32
      %dma_start3A_86 = tpu.memref_slice %arg6[%add3A_18, %dma_start3A_85] : memref<10112x128xf32, #tpu.memory_space<vmem_shared>> -> memref<128x128xf32, #tpu.memory_space<vmem_shared>>
      tpu.enqueue_dma source(%arg9 : memref<128x128xf32, #tpu.memory_space<vmem>>) target(%dma_start3A_86 : memref<128x128xf32, #tpu.memory_space<vmem_shared>>) target_semaphore(%run_scoped3A : memref<!tpu.dma_semaphore, #tpu.memory_space<semaphore_mem>>)
      %dma_wait3A = arith.constant 0 : i32
      %dma_wait3A_87 = tpu.memref_slice %arg6[%add3A_18, %dma_wait3A] : memref<10112x128xf32, #tpu.memory_space<vmem_shared>> -> memref<128x128xf32, #tpu.memory_space<vmem_shared>>
      %dma_wait3A_88 = arith.constant 0 : i32
      %dma_wait3A_89 = tpu.memref_slice %arg6[%add3A_18, %dma_wait3A_88] : memref<10112x128xf32, #tpu.memory_space<vmem_shared>> -> memref<128x128xf32, #tpu.memory_space<vmem_shared>>
      tpu.wait_dma2 semaphore(%run_scoped3A : memref<!tpu.dma_semaphore, #tpu.memory_space<semaphore_mem>>) src(%arg9 : memref<128x128xf32, #tpu.memory_space<vmem>>) dst(%dma_wait3A_89 : memref<128x128xf32, #tpu.memory_space<vmem_shared>>)
      tpu.yield
    }) : () -> ()
    %mul3A_19 = arith.constant 632 : i32
    %mul3A_20 = arith.muli %arg1, %mul3A_19 : i32
    %add3A_21 = arith.constant 512 : i32
    %add3A_22 = arith.addi %mul3A_20, %add3A_21 : i32
    "tpu.region"() ({
      %run_scoped3A = tpu.sem_alloc : memref<!tpu.dma_semaphore, #tpu.memory_space<semaphore_mem>>
      %dma_start3A_83 = arith.constant 0 : i32
      %dma_start3A_84 = arith.constant 0 : i32
      %dma_start3A_85 = tpu.memref_slice %arg9[%dma_start3A_83, %dma_start3A_84] : memref<128x128xf32, #tpu.memory_space<vmem>> -> memref<120x128xf32, #tpu.memory_space<vmem>>
      %dma_start3A_86 = arith.constant 0 : i32
      %dma_start3A_87 = tpu.memref_slice %arg6[%add3A_22, %dma_start3A_86] : memref<10112x128xf32, #tpu.memory_space<vmem_shared>> -> memref<120x128xf32, #tpu.memory_space<vmem_shared>>
      %dma_start3A_88 = arith.constant 0 : i32
      %dma_start3A_89 = tpu.memref_slice %arg6[%add3A_22, %dma_start3A_88] : memref<10112x128xf32, #tpu.memory_space<vmem_shared>> -> memref<120x128xf32, #tpu.memory_space<vmem_shared>>
      %dma_start3A_90 = arith.constant 0 : i32
      %dma_start3A_91 = arith.constant 0 : i32
      %dma_start3A_92 = tpu.memref_slice %arg9[%dma_start3A_90, %dma_start3A_91] : memref<128x128xf32, #tpu.memory_space<vmem>> -> memref<120x128xf32, #tpu.memory_space<vmem>>
      tpu.enqueue_dma source(%dma_start3A_92 : memref<120x128xf32, #tpu.memory_space<vmem>>) target(%dma_start3A_89 : memref<120x128xf32, #tpu.memory_space<vmem_shared>>) target_semaphore(%run_scoped3A : memref<!tpu.dma_semaphore, #tpu.memory_space<semaphore_mem>>)
      %dma_wait3A = arith.constant 0 : i32
      %dma_wait3A_93 = arith.constant 0 : i32
      %dma_wait3A_94 = tpu.memref_slice %arg9[%dma_wait3A, %dma_wait3A_93] : memref<128x128xf32, #tpu.memory_space<vmem>> -> memref<120x128xf32, #tpu.memory_space<vmem>>
      %dma_wait3A_95 = arith.constant 0 : i32
      %dma_wait3A_96 = tpu.memref_slice %arg6[%add3A_22, %dma_wait3A_95] : memref<10112x128xf32, #tpu.memory_space<vmem_shared>> -> memref<120x128xf32, #tpu.memory_space<vmem_shared>>
      %dma_wait3A_97 = arith.constant 0 : i32
      %dma_wait3A_98 = tpu.memref_slice %arg6[%add3A_22, %dma_wait3A_97] : memref<10112x128xf32, #tpu.memory_space<vmem_shared>> -> memref<120x128xf32, #tpu.memory_space<vmem_shared>>
      %dma_wait3A_99 = arith.constant 0 : i32
      %dma_wait3A_100 = arith.constant 0 : i32
      %dma_wait3A_101 = tpu.memref_slice %arg9[%dma_wait3A_99, %dma_wait3A_100] : memref<128x128xf32, #tpu.memory_space<vmem>> -> memref<120x128xf32, #tpu.memory_space<vmem>>
      tpu.wait_dma2 semaphore(%run_scoped3A : memref<!tpu.dma_semaphore, #tpu.memory_space<semaphore_mem>>) src(%dma_wait3A_101 : memref<120x128xf32, #tpu.memory_space<vmem>>) dst(%dma_wait3A_98 : memref<120x128xf32, #tpu.memory_space<vmem_shared>>)
      tpu.yield
    }) : () -> ()
    %barrier3A = arith.constant 0 : index
    tpu.barrier barrier_id(%barrier3A)
    %mul3A_23 = arith.constant 16 : i32
    %mul3A_24 = arith.muli %arg0, %mul3A_23 : i32
    %add3A_25 = arith.addi %mul3A_24, %arg1 : i32
    %mul3A_26 = arith.constant 80 : i32
    %mul3A_27 = arith.muli %add3A_25, %mul3A_26 : i32
    %add3A_28 = arith.constant 0 : i32
    %add3A_29 = arith.addi %mul3A_27, %add3A_28 : i32
    "tpu.region"() ({
      %run_scoped3A = tpu.sem_alloc : memref<!tpu.dma_semaphore, #tpu.memory_space<semaphore_mem>>
      %dma_start3A_83 = arith.constant 0 : i32
      %dma_start3A_84 = tpu.memref_slice %arg3[%add3A_29, %dma_start3A_83] : memref<2560x128xi32, #tpu.memory_space<hbm>> -> memref<40x128xi32, #tpu.memory_space<hbm>>
      %dma_start3A_85 = arith.constant 0 : i32
      %dma_start3A_86 = tpu.memref_slice %arg3[%add3A_29, %dma_start3A_85] : memref<2560x128xi32, #tpu.memory_space<hbm>> -> memref<40x128xi32, #tpu.memory_space<hbm>>
      tpu.enqueue_dma source(%dma_start3A_86 : memref<40x128xi32, #tpu.memory_space<hbm>>) target(%arg7 : memref<40x128xi32, #tpu.memory_space<vmem>>) target_semaphore(%run_scoped3A : memref<!tpu.dma_semaphore, #tpu.memory_space<semaphore_mem>>)
      %dma_wait3A = arith.constant 0 : i32
      %dma_wait3A_87 = tpu.memref_slice %arg3[%add3A_29, %dma_wait3A] : memref<2560x128xi32, #tpu.memory_space<hbm>> -> memref<40x128xi32, #tpu.memory_space<hbm>>
      %dma_wait3A_88 = arith.constant 0 : i32
      %dma_wait3A_89 = tpu.memref_slice %arg3[%add3A_29, %dma_wait3A_88] : memref<2560x128xi32, #tpu.memory_space<hbm>> -> memref<40x128xi32, #tpu.memory_space<hbm>>
      tpu.wait_dma2 semaphore(%run_scoped3A : memref<!tpu.dma_semaphore, #tpu.memory_space<semaphore_mem>>) src(%dma_wait3A_89 : memref<40x128xi32, #tpu.memory_space<hbm>>) dst(%arg7 : memref<40x128xi32, #tpu.memory_space<vmem>>)
      tpu.yield
    }) : () -> ()
    "tpu.region"() ({
      %run_scoped3A = tpu.sem_alloc : memref<!tpu.dma_semaphore, #tpu.memory_space<semaphore_mem>>
      %dma_start3A_83 = arith.constant 0 : i32
      %dma_start3A_84 = tpu.memref_slice %arg4[%add3A_29, %dma_start3A_83] : memref<2560x128xi32, #tpu.memory_space<hbm>> -> memref<40x128xi32, #tpu.memory_space<hbm>>
      %dma_start3A_85 = arith.constant 0 : i32
      %dma_start3A_86 = tpu.memref_slice %arg4[%add3A_29, %dma_start3A_85] : memref<2560x128xi32, #tpu.memory_space<hbm>> -> memref<40x128xi32, #tpu.memory_space<hbm>>
      tpu.enqueue_dma source(%dma_start3A_86 : memref<40x128xi32, #tpu.memory_space<hbm>>) target(%arg8 : memref<40x128xi32, #tpu.memory_space<vmem>>) target_semaphore(%run_scoped3A : memref<!tpu.dma_semaphore, #tpu.memory_space<semaphore_mem>>)
      %dma_wait3A = arith.constant 0 : i32
      %dma_wait3A_87 = tpu.memref_slice %arg4[%add3A_29, %dma_wait3A] : memref<2560x128xi32, #tpu.memory_space<hbm>> -> memref<40x128xi32, #tpu.memory_space<hbm>>
      %dma_wait3A_88 = arith.constant 0 : i32
      %dma_wait3A_89 = tpu.memref_slice %arg4[%add3A_29, %dma_wait3A_88] : memref<2560x128xi32, #tpu.memory_space<hbm>> -> memref<40x128xi32, #tpu.memory_space<hbm>>
      tpu.wait_dma2 semaphore(%run_scoped3A : memref<!tpu.dma_semaphore, #tpu.memory_space<semaphore_mem>>) src(%dma_wait3A_89 : memref<40x128xi32, #tpu.memory_space<hbm>>) dst(%arg8 : memref<40x128xi32, #tpu.memory_space<vmem>>)
      tpu.yield
    }) : () -> ()
    %dma_start3A = arith.constant 0 : i32
    %dma_start3A_30 = arith.constant 0 : i32
    %dma_start3A_31 = tpu.memref_slice %arg7[%dma_start3A, %dma_start3A_30] : memref<40x128xi32, #tpu.memory_space<vmem>> -> memref<1x128xi32, #tpu.memory_space<vmem>>
    %dma_start3A_32 = tpu.memref_squeeze %dma_start3A_31 : memref<1x128xi32, #tpu.memory_space<vmem>> -> memref<128xi32, #tpu.memory_space<vmem>>
    %dma_start3A_33 = arith.constant 0 : i32
    %dma_start3A_34 = arith.constant 0 : i32
    %dma_start3A_35 = tpu.memref_slice %arg2[%dma_start3A_33, %dma_start3A_34] : memref<10000x128xf32, #tpu.memory_space<hbm>> -> memref<10000x128xf32, #tpu.memory_space<hbm>>
    tpu.enqueue_indirect_dma source(%dma_start3A_35 : memref<10000x128xf32, #tpu.memory_space<hbm>>) target(%arg9 : memref<128x128xf32, #tpu.memory_space<vmem>>) offsets(%dma_start3A_32 : memref<128xi32, #tpu.memory_space<vmem>>) semaphore(%arg11 : memref<!tpu.dma_semaphore, #tpu.memory_space<semaphore_mem>>)
    %dma_start3A_36 = arith.constant 1 : i32
    %dma_start3A_37 = arith.constant 0 : i32
    %dma_start3A_38 = tpu.memref_slice %arg7[%dma_start3A_36, %dma_start3A_37] : memref<40x128xi32, #tpu.memory_space<vmem>> -> memref<1x128xi32, #tpu.memory_space<vmem>>
    %dma_start3A_39 = tpu.memref_squeeze %dma_start3A_38 : memref<1x128xi32, #tpu.memory_space<vmem>> -> memref<128xi32, #tpu.memory_space<vmem>>
    %dma_start3A_40 = arith.constant 0 : i32
    %dma_start3A_41 = arith.constant 0 : i32
    %dma_start3A_42 = tpu.memref_slice %arg2[%dma_start3A_40, %dma_start3A_41] : memref<10000x128xf32, #tpu.memory_space<hbm>> -> memref<10000x128xf32, #tpu.memory_space<hbm>>
    tpu.enqueue_indirect_dma source(%dma_start3A_42 : memref<10000x128xf32, #tpu.memory_space<hbm>>) target(%arg10 : memref<128x128xf32, #tpu.memory_space<vmem>>) offsets(%dma_start3A_39 : memref<128xi32, #tpu.memory_space<vmem>>) semaphore(%arg12 : memref<!tpu.dma_semaphore, #tpu.memory_space<semaphore_mem>>)
    %scan3A_43 = arith.constant 0 : i32
    %scan3A_44 = arith.constant 0 : i32
    %scan3A_45 = arith.constant 20 : i32
    %scan3A_46 = arith.addi %scan3A_44, %scan3A_45 : i32
    %scan3A_47 = arith.constant 1 : i32
    scf.for %scan3A_83 = %scan3A_44 to %scan3A_46 step %scan3A_47  : i32 {
      %mul3A_84 = arith.constant 2 : i32
      %mul3A_85 = arith.muli %mul3A_84, %scan3A_83 : i32
      %add3A_86 = arith.constant 0 : i32
      %add3A_87 = arith.addi %mul3A_85, %add3A_86 : i32
      %dma_wait3A = arith.constant 0 : i32
      %dma_wait3A_88 = tpu.memref_slice %arg7[%add3A_87, %dma_wait3A] : memref<40x128xi32, #tpu.memory_space<vmem>> -> memref<1x128xi32, #tpu.memory_space<vmem>>
      %dma_wait3A_89 = tpu.memref_squeeze %dma_wait3A_88 : memref<1x128xi32, #tpu.memory_space<vmem>> -> memref<128xi32, #tpu.memory_space<vmem>>
      %dma_wait3A_90 = arith.constant 0 : i32
      %dma_wait3A_91 = arith.constant 0 : i32
      %dma_wait3A_92 = tpu.memref_slice %arg2[%dma_wait3A_90, %dma_wait3A_91] : memref<10000x128xf32, #tpu.memory_space<hbm>> -> memref<10000x128xf32, #tpu.memory_space<hbm>>
      tpu.wait_indirect_dma semaphore(%arg11 : memref<!tpu.dma_semaphore, #tpu.memory_space<semaphore_mem>>) src(%dma_wait3A_92 : memref<10000x128xf32, #tpu.memory_space<hbm>>) dst(%arg9 : memref<128x128xf32, #tpu.memory_space<vmem>>)
      "tpu.region"() ({
        %run_scoped3A = tpu.sem_alloc : memref<!tpu.dma_semaphore, #tpu.memory_space<semaphore_mem>>
        %dma_start3A_117 = arith.constant 0 : i32
        %dma_start3A_118 = tpu.memref_slice %arg8[%add3A_87, %dma_start3A_117] : memref<40x128xi32, #tpu.memory_space<vmem>> -> memref<1x128xi32, #tpu.memory_space<vmem>>
        %dma_start3A_119 = tpu.memref_squeeze %dma_start3A_118 : memref<1x128xi32, #tpu.memory_space<vmem>> -> memref<128xi32, #tpu.memory_space<vmem>>
        %dma_start3A_120 = arith.constant 0 : i32
        %dma_start3A_121 = arith.constant 0 : i32
        %dma_start3A_122 = tpu.memref_slice %arg6[%dma_start3A_120, %dma_start3A_121] : memref<10112x128xf32, #tpu.memory_space<vmem_shared>> -> memref<10112x128xf32, #tpu.memory_space<vmem_shared>>
        tpu.enqueue_indirect_dma source(%arg9 : memref<128x128xf32, #tpu.memory_space<vmem>>) target(%dma_start3A_122 : memref<10112x128xf32, #tpu.memory_space<vmem_shared>>) offsets(%dma_start3A_119 : memref<128xi32, #tpu.memory_space<vmem>>) semaphore(%run_scoped3A : memref<!tpu.dma_semaphore, #tpu.memory_space<semaphore_mem>>) {add = true}
        %dma_wait3A_123 = arith.constant 0 : i32
        %dma_wait3A_124 = tpu.memref_slice %arg8[%add3A_87, %dma_wait3A_123] : memref<40x128xi32, #tpu.memory_space<vmem>> -> memref<1x128xi32, #tpu.memory_space<vmem>>
        %dma_wait3A_125 = tpu.memref_squeeze %dma_wait3A_124 : memref<1x128xi32, #tpu.memory_space<vmem>> -> memref<128xi32, #tpu.memory_space<vmem>>
        %dma_wait3A_126 = arith.constant 0 : i32
        %dma_wait3A_127 = arith.constant 0 : i32
        %dma_wait3A_128 = tpu.memref_slice %arg6[%dma_wait3A_126, %dma_wait3A_127] : memref<10112x128xf32, #tpu.memory_space<vmem_shared>> -> memref<10112x128xf32, #tpu.memory_space<vmem_shared>>
        tpu.wait_indirect_dma semaphore(%run_scoped3A : memref<!tpu.dma_semaphore, #tpu.memory_space<semaphore_mem>>) src(%arg9 : memref<128x128xf32, #tpu.memory_space<vmem>>) dst(%dma_wait3A_128 : memref<10112x128xf32, #tpu.memory_space<vmem_shared>>)
        tpu.yield
      }) : () -> ()
      %add3A_93 = arith.constant 2 : i32
      %add3A_94 = arith.addi %add3A_87, %add3A_93 : i32
      %lt3A_95 = arith.constant 40 : i32
      %lt3A_96 = arith.cmpi slt, %add3A_94, %lt3A_95 : i32
      %convert_element_type3A_97 = arith.extui %lt3A_96 : i1 to i32
      %cond3A_98 = arith.constant 0 : i32
      %cond3A_99 = arith.cmpi ne, %convert_element_type3A_97, %cond3A_98 : i32
      scf.if %cond3A_99 {
        %add3A_117 = arith.constant 2 : i32
        %add3A_118 = arith.addi %add3A_87, %add3A_117 : i32
        %dma_start3A_119 = arith.constant 0 : i32
        %dma_start3A_120 = tpu.memref_slice %arg7[%add3A_118, %dma_start3A_119] : memref<40x128xi32, #tpu.memory_space<vmem>> -> memref<1x128xi32, #tpu.memory_space<vmem>>
        %dma_start3A_121 = tpu.memref_squeeze %dma_start3A_120 : memref<1x128xi32, #tpu.memory_space<vmem>> -> memref<128xi32, #tpu.memory_space<vmem>>
        %dma_start3A_122 = arith.constant 0 : i32
        %dma_start3A_123 = arith.constant 0 : i32
        %dma_start3A_124 = tpu.memref_slice %arg2[%dma_start3A_122, %dma_start3A_123] : memref<10000x128xf32, #tpu.memory_space<hbm>> -> memref<10000x128xf32, #tpu.memory_space<hbm>>
        tpu.enqueue_indirect_dma source(%dma_start3A_124 : memref<10000x128xf32, #tpu.memory_space<hbm>>) target(%arg9 : memref<128x128xf32, #tpu.memory_space<vmem>>) offsets(%dma_start3A_121 : memref<128xi32, #tpu.memory_space<vmem>>) semaphore(%arg11 : memref<!tpu.dma_semaphore, #tpu.memory_space<semaphore_mem>>)
      } else {
      }
      %mul3A_100 = arith.constant 2 : i32
      %mul3A_101 = arith.muli %mul3A_100, %scan3A_83 : i32
      %add3A_102 = arith.constant 1 : i32
      %add3A_103 = arith.addi %mul3A_101, %add3A_102 : i32
      %dma_wait3A_104 = arith.constant 0 : i32
      %dma_wait3A_105 = tpu.memref_slice %arg7[%add3A_103, %dma_wait3A_104] : memref<40x128xi32, #tpu.memory_space<vmem>> -> memref<1x128xi32, #tpu.memory_space<vmem>>
      %dma_wait3A_106 = tpu.memref_squeeze %dma_wait3A_105 : memref<1x128xi32, #tpu.memory_space<vmem>> -> memref<128xi32, #tpu.memory_space<vmem>>
      %dma_wait3A_107 = arith.constant 0 : i32
      %dma_wait3A_108 = arith.constant 0 : i32
      %dma_wait3A_109 = tpu.memref_slice %arg2[%dma_wait3A_107, %dma_wait3A_108] : memref<10000x128xf32, #tpu.memory_space<hbm>> -> memref<10000x128xf32, #tpu.memory_space<hbm>>
      tpu.wait_indirect_dma semaphore(%arg12 : memref<!tpu.dma_semaphore, #tpu.memory_space<semaphore_mem>>) src(%dma_wait3A_109 : memref<10000x128xf32, #tpu.memory_space<hbm>>) dst(%arg10 : memref<128x128xf32, #tpu.memory_space<vmem>>)
      "tpu.region"() ({
        %run_scoped3A = tpu.sem_alloc : memref<!tpu.dma_semaphore, #tpu.memory_space<semaphore_mem>>
        %dma_start3A_117 = arith.constant 0 : i32
        %dma_start3A_118 = tpu.memref_slice %arg8[%add3A_103, %dma_start3A_117] : memref<40x128xi32, #tpu.memory_space<vmem>> -> memref<1x128xi32, #tpu.memory_space<vmem>>
        %dma_start3A_119 = tpu.memref_squeeze %dma_start3A_118 : memref<1x128xi32, #tpu.memory_space<vmem>> -> memref<128xi32, #tpu.memory_space<vmem>>
        %dma_start3A_120 = arith.constant 0 : i32
        %dma_start3A_121 = arith.constant 0 : i32
        %dma_start3A_122 = tpu.memref_slice %arg6[%dma_start3A_120, %dma_start3A_121] : memref<10112x128xf32, #tpu.memory_space<vmem_shared>> -> memref<10112x128xf32, #tpu.memory_space<vmem_shared>>
        tpu.enqueue_indirect_dma source(%arg10 : memref<128x128xf32, #tpu.memory_space<vmem>>) target(%dma_start3A_122 : memref<10112x128xf32, #tpu.memory_space<vmem_shared>>) offsets(%dma_start3A_119 : memref<128xi32, #tpu.memory_space<vmem>>) semaphore(%run_scoped3A : memref<!tpu.dma_semaphore, #tpu.memory_space<semaphore_mem>>) {add = true}
        %dma_wait3A_123 = arith.constant 0 : i32
        %dma_wait3A_124 = tpu.memref_slice %arg8[%add3A_103, %dma_wait3A_123] : memref<40x128xi32, #tpu.memory_space<vmem>> -> memref<1x128xi32, #tpu.memory_space<vmem>>
        %dma_wait3A_125 = tpu.memref_squeeze %dma_wait3A_124 : memref<1x128xi32, #tpu.memory_space<vmem>> -> memref<128xi32, #tpu.memory_space<vmem>>
        %dma_wait3A_126 = arith.constant 0 : i32
        %dma_wait3A_127 = arith.constant 0 : i32
        %dma_wait3A_128 = tpu.memref_slice %arg6[%dma_wait3A_126, %dma_wait3A_127] : memref<10112x128xf32, #tpu.memory_space<vmem_shared>> -> memref<10112x128xf32, #tpu.memory_space<vmem_shared>>
        tpu.wait_indirect_dma semaphore(%run_scoped3A : memref<!tpu.dma_semaphore, #tpu.memory_space<semaphore_mem>>) src(%arg10 : memref<128x128xf32, #tpu.memory_space<vmem>>) dst(%dma_wait3A_128 : memref<10112x128xf32, #tpu.memory_space<vmem_shared>>)
        tpu.yield
      }) : () -> ()
      %add3A_110 = arith.constant 2 : i32
      %add3A_111 = arith.addi %add3A_103, %add3A_110 : i32
      %lt3A_112 = arith.constant 40 : i32
      %lt3A_113 = arith.cmpi slt, %add3A_111, %lt3A_112 : i32
      %convert_element_type3A_114 = arith.extui %lt3A_113 : i1 to i32
      %cond3A_115 = arith.constant 0 : i32
      %cond3A_116 = arith.cmpi ne, %convert_element_type3A_114, %cond3A_115 : i32
      scf.if %cond3A_116 {
        %add3A_117 = arith.constant 2 : i32
        %add3A_118 = arith.addi %add3A_103, %add3A_117 : i32
        %dma_start3A_119 = arith.constant 0 : i32
        %dma_start3A_120 = tpu.memref_slice %arg7[%add3A_118, %dma_start3A_119] : memref<40x128xi32, #tpu.memory_space<vmem>> -> memref<1x128xi32, #tpu.memory_space<vmem>>
        %dma_start3A_121 = tpu.memref_squeeze %dma_start3A_120 : memref<1x128xi32, #tpu.memory_space<vmem>> -> memref<128xi32, #tpu.memory_space<vmem>>
        %dma_start3A_122 = arith.constant 0 : i32
        %dma_start3A_123 = arith.constant 0 : i32
        %dma_start3A_124 = tpu.memref_slice %arg2[%dma_start3A_122, %dma_start3A_123] : memref<10000x128xf32, #tpu.memory_space<hbm>> -> memref<10000x128xf32, #tpu.memory_space<hbm>>
        tpu.enqueue_indirect_dma source(%dma_start3A_124 : memref<10000x128xf32, #tpu.memory_space<hbm>>) target(%arg10 : memref<128x128xf32, #tpu.memory_space<vmem>>) offsets(%dma_start3A_121 : memref<128xi32, #tpu.memory_space<vmem>>) semaphore(%arg12 : memref<!tpu.dma_semaphore, #tpu.memory_space<semaphore_mem>>)
      } else {
      }
    }
    %scan3A_48 = arith.constant 20 : i32
    %mul3A_49 = arith.constant 16 : i32
    %mul3A_50 = arith.muli %arg0, %mul3A_49 : i32
    %add3A_51 = arith.addi %mul3A_50, %arg1 : i32
    %mul3A_52 = arith.constant 80 : i32
    %mul3A_53 = arith.muli %add3A_51, %mul3A_52 : i32
    %add3A_54 = arith.constant 40 : i32
    %add3A_55 = arith.addi %mul3A_53, %add3A_54 : i32
    "tpu.region"() ({
      %run_scoped3A = tpu.sem_alloc : memref<!tpu.dma_semaphore, #tpu.memory_space<semaphore_mem>>
      %dma_start3A_83 = arith.constant 0 : i32
      %dma_start3A_84 = tpu.memref_slice %arg3[%add3A_55, %dma_start3A_83] : memref<2560x128xi32, #tpu.memory_space<hbm>> -> memref<40x128xi32, #tpu.memory_space<hbm>>
      %dma_start3A_85 = arith.constant 0 : i32
      %dma_start3A_86 = tpu.memref_slice %arg3[%add3A_55, %dma_start3A_85] : memref<2560x128xi32, #tpu.memory_space<hbm>> -> memref<40x128xi32, #tpu.memory_space<hbm>>
      tpu.enqueue_dma source(%dma_start3A_86 : memref<40x128xi32, #tpu.memory_space<hbm>>) target(%arg7 : memref<40x128xi32, #tpu.memory_space<vmem>>) target_semaphore(%run_scoped3A : memref<!tpu.dma_semaphore, #tpu.memory_space<semaphore_mem>>)
      %dma_wait3A = arith.constant 0 : i32
      %dma_wait3A_87 = tpu.memref_slice %arg3[%add3A_55, %dma_wait3A] : memref<2560x128xi32, #tpu.memory_space<hbm>> -> memref<40x128xi32, #tpu.memory_space<hbm>>
      %dma_wait3A_88 = arith.constant 0 : i32
      %dma_wait3A_89 = tpu.memref_slice %arg3[%add3A_55, %dma_wait3A_88] : memref<2560x128xi32, #tpu.memory_space<hbm>> -> memref<40x128xi32, #tpu.memory_space<hbm>>
      tpu.wait_dma2 semaphore(%run_scoped3A : memref<!tpu.dma_semaphore, #tpu.memory_space<semaphore_mem>>) src(%dma_wait3A_89 : memref<40x128xi32, #tpu.memory_space<hbm>>) dst(%arg7 : memref<40x128xi32, #tpu.memory_space<vmem>>)
      tpu.yield
    }) : () -> ()
    "tpu.region"() ({
      %run_scoped3A = tpu.sem_alloc : memref<!tpu.dma_semaphore, #tpu.memory_space<semaphore_mem>>
      %dma_start3A_83 = arith.constant 0 : i32
      %dma_start3A_84 = tpu.memref_slice %arg4[%add3A_55, %dma_start3A_83] : memref<2560x128xi32, #tpu.memory_space<hbm>> -> memref<40x128xi32, #tpu.memory_space<hbm>>
      %dma_start3A_85 = arith.constant 0 : i32
      %dma_start3A_86 = tpu.memref_slice %arg4[%add3A_55, %dma_start3A_85] : memref<2560x128xi32, #tpu.memory_space<hbm>> -> memref<40x128xi32, #tpu.memory_space<hbm>>
      tpu.enqueue_dma source(%dma_start3A_86 : memref<40x128xi32, #tpu.memory_space<hbm>>) target(%arg8 : memref<40x128xi32, #tpu.memory_space<vmem>>) target_semaphore(%run_scoped3A : memref<!tpu.dma_semaphore, #tpu.memory_space<semaphore_mem>>)
      %dma_wait3A = arith.constant 0 : i32
      %dma_wait3A_87 = tpu.memref_slice %arg4[%add3A_55, %dma_wait3A] : memref<2560x128xi32, #tpu.memory_space<hbm>> -> memref<40x128xi32, #tpu.memory_space<hbm>>
      %dma_wait3A_88 = arith.constant 0 : i32
      %dma_wait3A_89 = tpu.memref_slice %arg4[%add3A_55, %dma_wait3A_88] : memref<2560x128xi32, #tpu.memory_space<hbm>> -> memref<40x128xi32, #tpu.memory_space<hbm>>
      tpu.wait_dma2 semaphore(%run_scoped3A : memref<!tpu.dma_semaphore, #tpu.memory_space<semaphore_mem>>) src(%dma_wait3A_89 : memref<40x128xi32, #tpu.memory_space<hbm>>) dst(%arg8 : memref<40x128xi32, #tpu.memory_space<vmem>>)
      tpu.yield
    }) : () -> ()
    %dma_start3A_56 = arith.constant 0 : i32
    %dma_start3A_57 = arith.constant 0 : i32
    %dma_start3A_58 = tpu.memref_slice %arg7[%dma_start3A_56, %dma_start3A_57] : memref<40x128xi32, #tpu.memory_space<vmem>> -> memref<1x128xi32, #tpu.memory_space<vmem>>
    %dma_start3A_59 = tpu.memref_squeeze %dma_start3A_58 : memref<1x128xi32, #tpu.memory_space<vmem>> -> memref<128xi32, #tpu.memory_space<vmem>>
    %dma_start3A_60 = arith.constant 0 : i32
    %dma_start3A_61 = arith.constant 0 : i32
    %dma_start3A_62 = tpu.memref_slice %arg2[%dma_start3A_60, %dma_start3A_61] : memref<10000x128xf32, #tpu.memory_space<hbm>> -> memref<10000x128xf32, #tpu.memory_space<hbm>>
    tpu.enqueue_indirect_dma source(%dma_start3A_62 : memref<10000x128xf32, #tpu.memory_space<hbm>>) target(%arg9 : memref<128x128xf32, #tpu.memory_space<vmem>>) offsets(%dma_start3A_59 : memref<128xi32, #tpu.memory_space<vmem>>) semaphore(%arg11 : memref<!tpu.dma_semaphore, #tpu.memory_space<semaphore_mem>>)
    %dma_start3A_63 = arith.constant 1 : i32
    %dma_start3A_64 = arith.constant 0 : i32
    %dma_start3A_65 = tpu.memref_slice %arg7[%dma_start3A_63, %dma_start3A_64] : memref<40x128xi32, #tpu.memory_space<vmem>> -> memref<1x128xi32, #tpu.memory_space<vmem>>
    %dma_start3A_66 = tpu.memref_squeeze %dma_start3A_65 : memref<1x128xi32, #tpu.memory_space<vmem>> -> memref<128xi32, #tpu.memory_space<vmem>>
    %dma_start3A_67 = arith.constant 0 : i32
    %dma_start3A_68 = arith.constant 0 : i32
    %dma_start3A_69 = tpu.memref_slice %arg2[%dma_start3A_67, %dma_start3A_68] : memref<10000x128xf32, #tpu.memory_space<hbm>> -> memref<10000x128xf32, #tpu.memory_space<hbm>>
    tpu.enqueue_indirect_dma source(%dma_start3A_69 : memref<10000x128xf32, #tpu.memory_space<hbm>>) target(%arg10 : memref<128x128xf32, #tpu.memory_space<vmem>>) offsets(%dma_start3A_66 : memref<128xi32, #tpu.memory_space<vmem>>) semaphore(%arg12 : memref<!tpu.dma_semaphore, #tpu.memory_space<semaphore_mem>>)
    %scan3A_70 = arith.constant 0 : i32
    %scan3A_71 = arith.constant 0 : i32
    %scan3A_72 = arith.constant 20 : i32
    %scan3A_73 = arith.addi %scan3A_71, %scan3A_72 : i32
    %scan3A_74 = arith.constant 1 : i32
    scf.for %scan3A_83 = %scan3A_71 to %scan3A_73 step %scan3A_74  : i32 {
      %mul3A_84 = arith.constant 2 : i32
      %mul3A_85 = arith.muli %mul3A_84, %scan3A_83 : i32
      %add3A_86 = arith.constant 0 : i32
      %add3A_87 = arith.addi %mul3A_85, %add3A_86 : i32
      %dma_wait3A = arith.constant 0 : i32
      %dma_wait3A_88 = tpu.memref_slice %arg7[%add3A_87, %dma_wait3A] : memref<40x128xi32, #tpu.memory_space<vmem>> -> memref<1x128xi32, #tpu.memory_space<vmem>>
      %dma_wait3A_89 = tpu.memref_squeeze %dma_wait3A_88 : memref<1x128xi32, #tpu.memory_space<vmem>> -> memref<128xi32, #tpu.memory_space<vmem>>
      %dma_wait3A_90 = arith.constant 0 : i32
      %dma_wait3A_91 = arith.constant 0 : i32
      %dma_wait3A_92 = tpu.memref_slice %arg2[%dma_wait3A_90, %dma_wait3A_91] : memref<10000x128xf32, #tpu.memory_space<hbm>> -> memref<10000x128xf32, #tpu.memory_space<hbm>>
      tpu.wait_indirect_dma semaphore(%arg11 : memref<!tpu.dma_semaphore, #tpu.memory_space<semaphore_mem>>) src(%dma_wait3A_92 : memref<10000x128xf32, #tpu.memory_space<hbm>>) dst(%arg9 : memref<128x128xf32, #tpu.memory_space<vmem>>)
      "tpu.region"() ({
        %run_scoped3A = tpu.sem_alloc : memref<!tpu.dma_semaphore, #tpu.memory_space<semaphore_mem>>
        %dma_start3A_117 = arith.constant 0 : i32
        %dma_start3A_118 = tpu.memref_slice %arg8[%add3A_87, %dma_start3A_117] : memref<40x128xi32, #tpu.memory_space<vmem>> -> memref<1x128xi32, #tpu.memory_space<vmem>>
        %dma_start3A_119 = tpu.memref_squeeze %dma_start3A_118 : memref<1x128xi32, #tpu.memory_space<vmem>> -> memref<128xi32, #tpu.memory_space<vmem>>
        %dma_start3A_120 = arith.constant 0 : i32
        %dma_start3A_121 = arith.constant 0 : i32
        %dma_start3A_122 = tpu.memref_slice %arg6[%dma_start3A_120, %dma_start3A_121] : memref<10112x128xf32, #tpu.memory_space<vmem_shared>> -> memref<10112x128xf32, #tpu.memory_space<vmem_shared>>
        tpu.enqueue_indirect_dma source(%arg9 : memref<128x128xf32, #tpu.memory_space<vmem>>) target(%dma_start3A_122 : memref<10112x128xf32, #tpu.memory_space<vmem_shared>>) offsets(%dma_start3A_119 : memref<128xi32, #tpu.memory_space<vmem>>) semaphore(%run_scoped3A : memref<!tpu.dma_semaphore, #tpu.memory_space<semaphore_mem>>) {add = true}
        %dma_wait3A_123 = arith.constant 0 : i32
        %dma_wait3A_124 = tpu.memref_slice %arg8[%add3A_87, %dma_wait3A_123] : memref<40x128xi32, #tpu.memory_space<vmem>> -> memref<1x128xi32, #tpu.memory_space<vmem>>
        %dma_wait3A_125 = tpu.memref_squeeze %dma_wait3A_124 : memref<1x128xi32, #tpu.memory_space<vmem>> -> memref<128xi32, #tpu.memory_space<vmem>>
        %dma_wait3A_126 = arith.constant 0 : i32
        %dma_wait3A_127 = arith.constant 0 : i32
        %dma_wait3A_128 = tpu.memref_slice %arg6[%dma_wait3A_126, %dma_wait3A_127] : memref<10112x128xf32, #tpu.memory_space<vmem_shared>> -> memref<10112x128xf32, #tpu.memory_space<vmem_shared>>
        tpu.wait_indirect_dma semaphore(%run_scoped3A : memref<!tpu.dma_semaphore, #tpu.memory_space<semaphore_mem>>) src(%arg9 : memref<128x128xf32, #tpu.memory_space<vmem>>) dst(%dma_wait3A_128 : memref<10112x128xf32, #tpu.memory_space<vmem_shared>>)
        tpu.yield
      }) : () -> ()
      %add3A_93 = arith.constant 2 : i32
      %add3A_94 = arith.addi %add3A_87, %add3A_93 : i32
      %lt3A_95 = arith.constant 40 : i32
      %lt3A_96 = arith.cmpi slt, %add3A_94, %lt3A_95 : i32
      %convert_element_type3A_97 = arith.extui %lt3A_96 : i1 to i32
      %cond3A_98 = arith.constant 0 : i32
      %cond3A_99 = arith.cmpi ne, %convert_element_type3A_97, %cond3A_98 : i32
      scf.if %cond3A_99 {
        %add3A_117 = arith.constant 2 : i32
        %add3A_118 = arith.addi %add3A_87, %add3A_117 : i32
        %dma_start3A_119 = arith.constant 0 : i32
        %dma_start3A_120 = tpu.memref_slice %arg7[%add3A_118, %dma_start3A_119] : memref<40x128xi32, #tpu.memory_space<vmem>> -> memref<1x128xi32, #tpu.memory_space<vmem>>
        %dma_start3A_121 = tpu.memref_squeeze %dma_start3A_120 : memref<1x128xi32, #tpu.memory_space<vmem>> -> memref<128xi32, #tpu.memory_space<vmem>>
        %dma_start3A_122 = arith.constant 0 : i32
        %dma_start3A_123 = arith.constant 0 : i32
        %dma_start3A_124 = tpu.memref_slice %arg2[%dma_start3A_122, %dma_start3A_123] : memref<10000x128xf32, #tpu.memory_space<hbm>> -> memref<10000x128xf32, #tpu.memory_space<hbm>>
        tpu.enqueue_indirect_dma source(%dma_start3A_124 : memref<10000x128xf32, #tpu.memory_space<hbm>>) target(%arg9 : memref<128x128xf32, #tpu.memory_space<vmem>>) offsets(%dma_start3A_121 : memref<128xi32, #tpu.memory_space<vmem>>) semaphore(%arg11 : memref<!tpu.dma_semaphore, #tpu.memory_space<semaphore_mem>>)
      } else {
      }
      %mul3A_100 = arith.constant 2 : i32
      %mul3A_101 = arith.muli %mul3A_100, %scan3A_83 : i32
      %add3A_102 = arith.constant 1 : i32
      %add3A_103 = arith.addi %mul3A_101, %add3A_102 : i32
      %dma_wait3A_104 = arith.constant 0 : i32
      %dma_wait3A_105 = tpu.memref_slice %arg7[%add3A_103, %dma_wait3A_104] : memref<40x128xi32, #tpu.memory_space<vmem>> -> memref<1x128xi32, #tpu.memory_space<vmem>>
      %dma_wait3A_106 = tpu.memref_squeeze %dma_wait3A_105 : memref<1x128xi32, #tpu.memory_space<vmem>> -> memref<128xi32, #tpu.memory_space<vmem>>
      %dma_wait3A_107 = arith.constant 0 : i32
      %dma_wait3A_108 = arith.constant 0 : i32
      %dma_wait3A_109 = tpu.memref_slice %arg2[%dma_wait3A_107, %dma_wait3A_108] : memref<10000x128xf32, #tpu.memory_space<hbm>> -> memref<10000x128xf32, #tpu.memory_space<hbm>>
      tpu.wait_indirect_dma semaphore(%arg12 : memref<!tpu.dma_semaphore, #tpu.memory_space<semaphore_mem>>) src(%dma_wait3A_109 : memref<10000x128xf32, #tpu.memory_space<hbm>>) dst(%arg10 : memref<128x128xf32, #tpu.memory_space<vmem>>)
      "tpu.region"() ({
        %run_scoped3A = tpu.sem_alloc : memref<!tpu.dma_semaphore, #tpu.memory_space<semaphore_mem>>
        %dma_start3A_117 = arith.constant 0 : i32
        %dma_start3A_118 = tpu.memref_slice %arg8[%add3A_103, %dma_start3A_117] : memref<40x128xi32, #tpu.memory_space<vmem>> -> memref<1x128xi32, #tpu.memory_space<vmem>>
        %dma_start3A_119 = tpu.memref_squeeze %dma_start3A_118 : memref<1x128xi32, #tpu.memory_space<vmem>> -> memref<128xi32, #tpu.memory_space<vmem>>
        %dma_start3A_120 = arith.constant 0 : i32
        %dma_start3A_121 = arith.constant 0 : i32
        %dma_start3A_122 = tpu.memref_slice %arg6[%dma_start3A_120, %dma_start3A_121] : memref<10112x128xf32, #tpu.memory_space<vmem_shared>> -> memref<10112x128xf32, #tpu.memory_space<vmem_shared>>
        tpu.enqueue_indirect_dma source(%arg10 : memref<128x128xf32, #tpu.memory_space<vmem>>) target(%dma_start3A_122 : memref<10112x128xf32, #tpu.memory_space<vmem_shared>>) offsets(%dma_start3A_119 : memref<128xi32, #tpu.memory_space<vmem>>) semaphore(%run_scoped3A : memref<!tpu.dma_semaphore, #tpu.memory_space<semaphore_mem>>) {add = true}
        %dma_wait3A_123 = arith.constant 0 : i32
        %dma_wait3A_124 = tpu.memref_slice %arg8[%add3A_103, %dma_wait3A_123] : memref<40x128xi32, #tpu.memory_space<vmem>> -> memref<1x128xi32, #tpu.memory_space<vmem>>
        %dma_wait3A_125 = tpu.memref_squeeze %dma_wait3A_124 : memref<1x128xi32, #tpu.memory_space<vmem>> -> memref<128xi32, #tpu.memory_space<vmem>>
        %dma_wait3A_126 = arith.constant 0 : i32
        %dma_wait3A_127 = arith.constant 0 : i32
        %dma_wait3A_128 = tpu.memref_slice %arg6[%dma_wait3A_126, %dma_wait3A_127] : memref<10112x128xf32, #tpu.memory_space<vmem_shared>> -> memref<10112x128xf32, #tpu.memory_space<vmem_shared>>
        tpu.wait_indirect_dma semaphore(%run_scoped3A : memref<!tpu.dma_semaphore, #tpu.memory_space<semaphore_mem>>) src(%arg10 : memref<128x128xf32, #tpu.memory_space<vmem>>) dst(%dma_wait3A_128 : memref<10112x128xf32, #tpu.memory_space<vmem_shared>>)
        tpu.yield
      }) : () -> ()
      %add3A_110 = arith.constant 2 : i32
      %add3A_111 = arith.addi %add3A_103, %add3A_110 : i32
      %lt3A_112 = arith.constant 40 : i32
      %lt3A_113 = arith.cmpi slt, %add3A_111, %lt3A_112 : i32
      %convert_element_type3A_114 = arith.extui %lt3A_113 : i1 to i32
      %cond3A_115 = arith.constant 0 : i32
      %cond3A_116 = arith.cmpi ne, %convert_element_type3A_114, %cond3A_115 : i32
      scf.if %cond3A_116 {
        %add3A_117 = arith.constant 2 : i32
        %add3A_118 = arith.addi %add3A_103, %add3A_117 : i32
        %dma_start3A_119 = arith.constant 0 : i32
        %dma_start3A_120 = tpu.memref_slice %arg7[%add3A_118, %dma_start3A_119] : memref<40x128xi32, #tpu.memory_space<vmem>> -> memref<1x128xi32, #tpu.memory_space<vmem>>
        %dma_start3A_121 = tpu.memref_squeeze %dma_start3A_120 : memref<1x128xi32, #tpu.memory_space<vmem>> -> memref<128xi32, #tpu.memory_space<vmem>>
        %dma_start3A_122 = arith.constant 0 : i32
        %dma_start3A_123 = arith.constant 0 : i32
        %dma_start3A_124 = tpu.memref_slice %arg2[%dma_start3A_122, %dma_start3A_123] : memref<10000x128xf32, #tpu.memory_space<hbm>> -> memref<10000x128xf32, #tpu.memory_space<hbm>>
        tpu.enqueue_indirect_dma source(%dma_start3A_124 : memref<10000x128xf32, #tpu.memory_space<hbm>>) target(%arg10 : memref<128x128xf32, #tpu.memory_space<vmem>>) offsets(%dma_start3A_121 : memref<128xi32, #tpu.memory_space<vmem>>) semaphore(%arg12 : memref<!tpu.dma_semaphore, #tpu.memory_space<semaphore_mem>>)
      } else {
      }
    }
    %scan3A_75 = arith.constant 20 : i32
    %barrier3A_76 = arith.constant 0 : index
    tpu.barrier barrier_id(%barrier3A_76)
    %lt3A = arith.constant 15 : i32
    %lt3A_77 = arith.cmpi slt, %arg1, %lt3A : i32
    %convert_element_type3A = arith.extui %lt3A_77 : i1 to i32
    %cond3A = arith.constant 0 : i32
    %cond3A_78 = arith.cmpi ne, %convert_element_type3A, %cond3A : i32
    scf.if %cond3A_78 {
      %mul3A_83 = arith.constant 632 : i32
      %mul3A_84 = arith.muli %arg1, %mul3A_83 : i32
      %mul3A_85 = arith.constant 632 : i32
      %mul3A_86 = arith.muli %arg1, %mul3A_85 : i32
      "tpu.region"() ({
        %run_scoped3A = tpu.sem_alloc : memref<!tpu.dma_semaphore, #tpu.memory_space<semaphore_mem>>
        %dma_start3A_87 = arith.constant 0 : i32
        %dma_start3A_88 = tpu.memref_slice %arg5[%arg0, %mul3A_86, %dma_start3A_87] : memref<2x10000x128xf32, #tpu.memory_space<hbm>> -> memref<1x632x128xf32, #tpu.memory_space<hbm>>
        %dma_start3A_89 = tpu.memref_squeeze %dma_start3A_88 : memref<1x632x128xf32, #tpu.memory_space<hbm>> -> memref<632x128xf32, #tpu.memory_space<hbm>>
        %dma_start3A_90 = arith.constant 0 : i32
        %dma_start3A_91 = tpu.memref_slice %arg6[%mul3A_84, %dma_start3A_90] : memref<10112x128xf32, #tpu.memory_space<vmem_shared>> -> memref<632x128xf32, #tpu.memory_space<vmem_shared>>
        tpu.enqueue_dma source(%dma_start3A_91 : memref<632x128xf32, #tpu.memory_space<vmem_shared>>) target(%dma_start3A_89 : memref<632x128xf32, #tpu.memory_space<hbm>>) target_semaphore(%run_scoped3A : memref<!tpu.dma_semaphore, #tpu.memory_space<semaphore_mem>>)
        %dma_wait3A = arith.constant 0 : i32
        %dma_wait3A_92 = tpu.memref_slice %arg5[%arg0, %mul3A_86, %dma_wait3A] : memref<2x10000x128xf32, #tpu.memory_space<hbm>> -> memref<1x632x128xf32, #tpu.memory_space<hbm>>
        %dma_wait3A_93 = tpu.memref_squeeze %dma_wait3A_92 : memref<1x632x128xf32, #tpu.memory_space<hbm>> -> memref<632x128xf32, #tpu.memory_space<hbm>>
        %dma_wait3A_94 = arith.constant 0 : i32
        %dma_wait3A_95 = tpu.memref_slice %arg6[%mul3A_84, %dma_wait3A_94] : memref<10112x128xf32, #tpu.memory_space<vmem_shared>> -> memref<632x128xf32, #tpu.memory_space<vmem_shared>>
        tpu.wait_dma2 semaphore(%run_scoped3A : memref<!tpu.dma_semaphore, #tpu.memory_space<semaphore_mem>>) src(%dma_wait3A_95 : memref<632x128xf32, #tpu.memory_space<vmem_shared>>) dst(%dma_wait3A_93 : memref<632x128xf32, #tpu.memory_space<hbm>>)
        tpu.yield
      }) : () -> ()
    } else {
    }
    %eq3A = arith.constant 15 : i32
    %eq3A_79 = arith.cmpi eq, %arg1, %eq3A : i32
    %convert_element_type3A_80 = arith.extui %eq3A_79 : i1 to i32
    %cond3A_81 = arith.constant 0 : i32
    %cond3A_82 = arith.cmpi ne, %convert_element_type3A_80, %cond3A_81 : i32
    scf.if %cond3A_82 {
      "tpu.region"() ({
        %run_scoped3A = tpu.sem_alloc : memref<!tpu.dma_semaphore, #tpu.memory_space<semaphore_mem>>
        %dma_start3A_83 = arith.constant 9480 : i32
        %dma_start3A_84 = arith.constant 0 : i32
        %dma_start3A_85 = tpu.memref_slice %arg5[%arg0, %dma_start3A_83, %dma_start3A_84] : memref<2x10000x128xf32, #tpu.memory_space<hbm>> -> memref<1x520x128xf32, #tpu.memory_space<hbm>>
        %dma_start3A_86 = tpu.memref_squeeze %dma_start3A_85 : memref<1x520x128xf32, #tpu.memory_space<hbm>> -> memref<520x128xf32, #tpu.memory_space<hbm>>
        %dma_start3A_87 = arith.constant 9480 : i32
        %dma_start3A_88 = arith.constant 0 : i32
        %dma_start3A_89 = tpu.memref_slice %arg6[%dma_start3A_87, %dma_start3A_88] : memref<10112x128xf32, #tpu.memory_space<vmem_shared>> -> memref<520x128xf32, #tpu.memory_space<vmem_shared>>
        tpu.enqueue_dma source(%dma_start3A_89 : memref<520x128xf32, #tpu.memory_space<vmem_shared>>) target(%dma_start3A_86 : memref<520x128xf32, #tpu.memory_space<hbm>>) target_semaphore(%run_scoped3A : memref<!tpu.dma_semaphore, #tpu.memory_space<semaphore_mem>>)
        %dma_wait3A = arith.constant 9480 : i32
        %dma_wait3A_90 = arith.constant 0 : i32
        %dma_wait3A_91 = tpu.memref_slice %arg5[%arg0, %dma_wait3A, %dma_wait3A_90] : memref<2x10000x128xf32, #tpu.memory_space<hbm>> -> memref<1x520x128xf32, #tpu.memory_space<hbm>>
        %dma_wait3A_92 = tpu.memref_squeeze %dma_wait3A_91 : memref<1x520x128xf32, #tpu.memory_space<hbm>> -> memref<520x128xf32, #tpu.memory_space<hbm>>
        %dma_wait3A_93 = arith.constant 9480 : i32
        %dma_wait3A_94 = arith.constant 0 : i32
        %dma_wait3A_95 = tpu.memref_slice %arg6[%dma_wait3A_93, %dma_wait3A_94] : memref<10112x128xf32, #tpu.memory_space<vmem_shared>> -> memref<520x128xf32, #tpu.memory_space<vmem_shared>>
        tpu.wait_dma2 semaphore(%run_scoped3A : memref<!tpu.dma_semaphore, #tpu.memory_space<semaphore_mem>>) src(%dma_wait3A_95 : memref<520x128xf32, #tpu.memory_space<vmem_shared>>) dst(%dma_wait3A_92 : memref<520x128xf32, #tpu.memory_space<hbm>>)
        tpu.yield
      }) : () -> ()
    } else {
    }
    return
  }
}

#map = affine_map<(d0, d1) -> (0, 0)>
#map1 = affine_map<(d0, d1) -> (0, 0, 0)>
module attributes {stable_mosaic.version = 14 : i64} {
  func.func @agg(%arg0: i32, %arg1: i32, %arg2: memref<10000x128xf32, #tpu.memory_space<hbm>>, %arg3: memref<2560x128xi32, #tpu.memory_space<hbm>>, %arg4: memref<2560x128xi32, #tpu.memory_space<hbm>>, %arg5: memref<2x10000x128xf32, #tpu.memory_space<hbm>>, %arg6: memref<10112x128xf32, #tpu.memory_space<vmem_shared>>, %arg7: memref<40x128xi32, #tpu.memory_space<vmem>>, %arg8: memref<40x128xi32, #tpu.memory_space<vmem>>, %arg9: memref<128x128xf32, #tpu.memory_space<vmem>>, %arg10: memref<128x128xf32, #tpu.memory_space<vmem>>, %arg11: memref<!tpu.dma_semaphore, #tpu.memory_space<semaphore_mem>>, %arg12: memref<!tpu.dma_semaphore, #tpu.memory_space<semaphore_mem>>) attributes {dimension_semantics = [#tpu.dimension_semantics<core_parallel>, #tpu.dimension_semantics<subcore_parallel>], iteration_bounds = array<i64: 2, 16>, scalar_prefetch = 0 : i64, scratch_operands = 7 : i64, tpu.core_type = #tpu.core_type<sc_vector_subcore>, window_params = [{transform_indices = #map}, {transform_indices = #map}, {transform_indices = #map}, {transform_indices = #map1}]} {
    %scan3A = arith.constant 0 : i32
    %scan3A_0 = arith.constant 0 : i32
    %scan3A_1 = arith.constant 128 : i32
    %scan3A_2 = arith.addi %scan3A_0, %scan3A_1 : i32
    %scan3A_3 = arith.constant 1 : i32
    scf.for %scan3A_83 = %scan3A_0 to %scan3A_2 step %scan3A_3  : i32 {
      %broadcast_in_dim3A = arith.constant 0.000000e+00 : f32
      %broadcast_in_dim3A_84 = vector.broadcast %broadcast_in_dim3A : f32 to vector<16xf32>
      %swap3A = arith.index_cast %scan3A_83 : i32 to index
      %swap3A_85 = arith.constant 0 : index
      %swap3A_86 = tpu.vector_load %arg9[%swap3A, %swap3A_85] {strides = array<i32>} : memref<128x128xf32, #tpu.memory_space<vmem>>, vector<1x16xf32>,
      %swap3A_87 = vector.shape_cast %swap3A_86 : vector<1x16xf32> to vector<16xf32>
      %swap3A_88 = vector.shape_cast %broadcast_in_dim3A_84 : vector<16xf32> to vector<1x16xf32>
      tpu.vector_store %arg9[%swap3A, %swap3A_85], %swap3A_88 {strides = array<i32>} : memref<128x128xf32, #tpu.memory_space<vmem>>, vector<1x16xf32>,
      %broadcast_in_dim3A_89 = arith.constant 0.000000e+00 : f32
      %broadcast_in_dim3A_90 = vector.broadcast %broadcast_in_dim3A_89 : f32 to vector<16xf32>
      %swap3A_91 = arith.index_cast %scan3A_83 : i32 to index
      %swap3A_92 = arith.constant 16 : index
      %swap3A_93 = tpu.vector_load %arg9[%swap3A_91, %swap3A_92] {strides = array<i32>} : memref<128x128xf32, #tpu.memory_space<vmem>>, vector<1x16xf32>,
      %swap3A_94 = vector.shape_cast %swap3A_93 : vector<1x16xf32> to vector<16xf32>
      %swap3A_95 = vector.shape_cast %broadcast_in_dim3A_90 : vector<16xf32> to vector<1x16xf32>
      tpu.vector_store %arg9[%swap3A_91, %swap3A_92], %swap3A_95 {strides = array<i32>} : memref<128x128xf32, #tpu.memory_space<vmem>>, vector<1x16xf32>,
      %broadcast_in_dim3A_96 = arith.constant 0.000000e+00 : f32
      %broadcast_in_dim3A_97 = vector.broadcast %broadcast_in_dim3A_96 : f32 to vector<16xf32>
      %swap3A_98 = arith.index_cast %scan3A_83 : i32 to index
      %swap3A_99 = arith.constant 32 : index
      %swap3A_100 = tpu.vector_load %arg9[%swap3A_98, %swap3A_99] {strides = array<i32>} : memref<128x128xf32, #tpu.memory_space<vmem>>, vector<1x16xf32>,
      %swap3A_101 = vector.shape_cast %swap3A_100 : vector<1x16xf32> to vector<16xf32>
      %swap3A_102 = vector.shape_cast %broadcast_in_dim3A_97 : vector<16xf32> to vector<1x16xf32>
      tpu.vector_store %arg9[%swap3A_98, %swap3A_99], %swap3A_102 {strides = array<i32>} : memref<128x128xf32, #tpu.memory_space<vmem>>, vector<1x16xf32>,
      %broadcast_in_dim3A_103 = arith.constant 0.000000e+00 : f32
      %broadcast_in_dim3A_104 = vector.broadcast %broadcast_in_dim3A_103 : f32 to vector<16xf32>
      %swap3A_105 = arith.index_cast %scan3A_83 : i32 to index
      %swap3A_106 = arith.constant 48 : index
      %swap3A_107 = tpu.vector_load %arg9[%swap3A_105, %swap3A_106] {strides = array<i32>} : memref<128x128xf32, #tpu.memory_space<vmem>>, vector<1x16xf32>,
      %swap3A_108 = vector.shape_cast %swap3A_107 : vector<1x16xf32> to vector<16xf32>
      %swap3A_109 = vector.shape_cast %broadcast_in_dim3A_104 : vector<16xf32> to vector<1x16xf32>
      tpu.vector_store %arg9[%swap3A_105, %swap3A_106], %swap3A_109 {strides = array<i32>} : memref<128x128xf32, #tpu.memory_space<vmem>>, vector<1x16xf32>,
      %broadcast_in_dim3A_110 = arith.constant 0.000000e+00 : f32
      %broadcast_in_dim3A_111 = vector.broadcast %broadcast_in_dim3A_110 : f32 to vector<16xf32>
      %swap3A_112 = arith.index_cast %scan3A_83 : i32 to index
      %swap3A_113 = arith.constant 64 : index
      %swap3A_114 = tpu.vector_load %arg9[%swap3A_112, %swap3A_113] {strides = array<i32>} : memref<128x128xf32, #tpu.memory_space<vmem>>, vector<1x16xf32>,
      %swap3A_115 = vector.shape_cast %swap3A_114 : vector<1x16xf32> to vector<16xf32>
      %swap3A_116 = vector.shape_cast %broadcast_in_dim3A_111 : vector<16xf32> to vector<1x16xf32>
      tpu.vector_store %arg9[%swap3A_112, %swap3A_113], %swap3A_116 {strides = array<i32>} : memref<128x128xf32, #tpu.memory_space<vmem>>, vector<1x16xf32>,
      %broadcast_in_dim3A_117 = arith.constant 0.000000e+00 : f32
      %broadcast_in_dim3A_118 = vector.broadcast %broadcast_in_dim3A_117 : f32 to vector<16xf32>
      %swap3A_119 = arith.index_cast %scan3A_83 : i32 to index
      %swap3A_120 = arith.constant 80 : index
      %swap3A_121 = tpu.vector_load %arg9[%swap3A_119, %swap3A_120] {strides = array<i32>} : memref<128x128xf32, #tpu.memory_space<vmem>>, vector<1x16xf32>,
      %swap3A_122 = vector.shape_cast %swap3A_121 : vector<1x16xf32> to vector<16xf32>
      %swap3A_123 = vector.shape_cast %broadcast_in_dim3A_118 : vector<16xf32> to vector<1x16xf32>
      tpu.vector_store %arg9[%swap3A_119, %swap3A_120], %swap3A_123 {strides = array<i32>} : memref<128x128xf32, #tpu.memory_space<vmem>>, vector<1x16xf32>,
      %broadcast_in_dim3A_124 = arith.constant 0.000000e+00 : f32
      %broadcast_in_dim3A_125 = vector.broadcast %broadcast_in_dim3A_124 : f32 to vector<16xf32>
      %swap3A_126 = arith.index_cast %scan3A_83 : i32 to index
      %swap3A_127 = arith.constant 96 : index
      %swap3A_128 = tpu.vector_load %arg9[%swap3A_126, %swap3A_127] {strides = array<i32>} : memref<128x128xf32, #tpu.memory_space<vmem>>, vector<1x16xf32>,
      %swap3A_129 = vector.shape_cast %swap3A_128 : vector<1x16xf32> to vector<16xf32>
      %swap3A_130 = vector.shape_cast %broadcast_in_dim3A_125 : vector<16xf32> to vector<1x16xf32>
      tpu.vector_store %arg9[%swap3A_126, %swap3A_127], %swap3A_130 {strides = array<i32>} : memref<128x128xf32, #tpu.memory_space<vmem>>, vector<1x16xf32>,
      %broadcast_in_dim3A_131 = arith.constant 0.000000e+00 : f32
      %broadcast_in_dim3A_132 = vector.broadcast %broadcast_in_dim3A_131 : f32 to vector<16xf32>
      %swap3A_133 = arith.index_cast %scan3A_83 : i32 to index
      %swap3A_134 = arith.constant 112 : index
      %swap3A_135 = tpu.vector_load %arg9[%swap3A_133, %swap3A_134] {strides = array<i32>} : memref<128x128xf32, #tpu.memory_space<vmem>>, vector<1x16xf32>,
      %swap3A_136 = vector.shape_cast %swap3A_135 : vector<1x16xf32> to vector<16xf32>
      %swap3A_137 = vector.shape_cast %broadcast_in_dim3A_132 : vector<16xf32> to vector<1x16xf32>
      tpu.vector_store %arg9[%swap3A_133, %swap3A_134], %swap3A_137 {strides = array<i32>} : memref<128x128xf32, #tpu.memory_space<vmem>>, vector<1x16xf32>,
    }
    %scan3A_4 = arith.constant 128 : i32
    %mul3A = arith.constant 632 : i32
    %mul3A_5 = arith.muli %arg1, %mul3A : i32
    %add3A = arith.constant 0 : i32
    %add3A_6 = arith.addi %mul3A_5, %add3A : i32
    "tpu.region"() ({
      %run_scoped3A = tpu.sem_alloc : memref<!tpu.dma_semaphore, #tpu.memory_space<semaphore_mem>>
      %dma_start3A_83 = arith.constant 0 : i32
      %dma_start3A_84 = tpu.memref_slice %arg6[%add3A_6, %dma_start3A_83] : memref<10112x128xf32, #tpu.memory_space<vmem_shared>> -> memref<128x128xf32, #tpu.memory_space<vmem_shared>>
      %dma_start3A_85 = arith.constant 0 : i32
      %dma_start3A_86 = tpu.memref_slice %arg6[%add3A_6, %dma_start3A_85] : memref<10112x128xf32, #tpu.memory_space<vmem_shared>> -> memref<128x128xf32, #tpu.memory_space<vmem_shared>>
      tpu.enqueue_dma source(%arg9 : memref<128x128xf32, #tpu.memory_space<vmem>>) target(%dma_start3A_86 : memref<128x128xf32, #tpu.memory_space<vmem_shared>>) target_semaphore(%run_scoped3A : memref<!tpu.dma_semaphore, #tpu.memory_space<semaphore_mem>>)
      %dma_wait3A = arith.constant 0 : i32
      %dma_wait3A_87 = tpu.memref_slice %arg6[%add3A_6, %dma_wait3A] : memref<10112x128xf32, #tpu.memory_space<vmem_shared>> -> memref<128x128xf32, #tpu.memory_space<vmem_shared>>
      %dma_wait3A_88 = arith.constant 0 : i32
      %dma_wait3A_89 = tpu.memref_slice %arg6[%add3A_6, %dma_wait3A_88] : memref<10112x128xf32, #tpu.memory_space<vmem_shared>> -> memref<128x128xf32, #tpu.memory_space<vmem_shared>>
      tpu.wait_dma2 semaphore(%run_scoped3A : memref<!tpu.dma_semaphore, #tpu.memory_space<semaphore_mem>>) src(%arg9 : memref<128x128xf32, #tpu.memory_space<vmem>>) dst(%dma_wait3A_89 : memref<128x128xf32, #tpu.memory_space<vmem_shared>>)
      tpu.yield
    }) : () -> ()
    %mul3A_7 = arith.constant 632 : i32
    %mul3A_8 = arith.muli %arg1, %mul3A_7 : i32
    %add3A_9 = arith.constant 128 : i32
    %add3A_10 = arith.addi %mul3A_8, %add3A_9 : i32
    "tpu.region"() ({
      %run_scoped3A = tpu.sem_alloc : memref<!tpu.dma_semaphore, #tpu.memory_space<semaphore_mem>>
      %dma_start3A_83 = arith.constant 0 : i32
      %dma_start3A_84 = tpu.memref_slice %arg6[%add3A_10, %dma_start3A_83] : memref<10112x128xf32, #tpu.memory_space<vmem_shared>> -> memref<128x128xf32, #tpu.memory_space<vmem_shared>>
      %dma_start3A_85 = arith.constant 0 : i32
      %dma_start3A_86 = tpu.memref_slice %arg6[%add3A_10, %dma_start3A_85] : memref<10112x128xf32, #tpu.memory_space<vmem_shared>> -> memref<128x128xf32, #tpu.memory_space<vmem_shared>>
      tpu.enqueue_dma source(%arg9 : memref<128x128xf32, #tpu.memory_space<vmem>>) target(%dma_start3A_86 : memref<128x128xf32, #tpu.memory_space<vmem_shared>>) target_semaphore(%run_scoped3A : memref<!tpu.dma_semaphore, #tpu.memory_space<semaphore_mem>>)
      %dma_wait3A = arith.constant 0 : i32
      %dma_wait3A_87 = tpu.memref_slice %arg6[%add3A_10, %dma_wait3A] : memref<10112x128xf32, #tpu.memory_space<vmem_shared>> -> memref<128x128xf32, #tpu.memory_space<vmem_shared>>
      %dma_wait3A_88 = arith.constant 0 : i32
      %dma_wait3A_89 = tpu.memref_slice %arg6[%add3A_10, %dma_wait3A_88] : memref<10112x128xf32, #tpu.memory_space<vmem_shared>> -> memref<128x128xf32, #tpu.memory_space<vmem_shared>>
      tpu.wait_dma2 semaphore(%run_scoped3A : memref<!tpu.dma_semaphore, #tpu.memory_space<semaphore_mem>>) src(%arg9 : memref<128x128xf32, #tpu.memory_space<vmem>>) dst(%dma_wait3A_89 : memref<128x128xf32, #tpu.memory_space<vmem_shared>>)
      tpu.yield
    }) : () -> ()
    %mul3A_11 = arith.constant 632 : i32
    %mul3A_12 = arith.muli %arg1, %mul3A_11 : i32
    %add3A_13 = arith.constant 256 : i32
    %add3A_14 = arith.addi %mul3A_12, %add3A_13 : i32
    "tpu.region"() ({
      %run_scoped3A = tpu.sem_alloc : memref<!tpu.dma_semaphore, #tpu.memory_space<semaphore_mem>>
      %dma_start3A_83 = arith.constant 0 : i32
      %dma_start3A_84 = tpu.memref_slice %arg6[%add3A_14, %dma_start3A_83] : memref<10112x128xf32, #tpu.memory_space<vmem_shared>> -> memref<128x128xf32, #tpu.memory_space<vmem_shared>>
      %dma_start3A_85 = arith.constant 0 : i32
      %dma_start3A_86 = tpu.memref_slice %arg6[%add3A_14, %dma_start3A_85] : memref<10112x128xf32, #tpu.memory_space<vmem_shared>> -> memref<128x128xf32, #tpu.memory_space<vmem_shared>>
      tpu.enqueue_dma source(%arg9 : memref<128x128xf32, #tpu.memory_space<vmem>>) target(%dma_start3A_86 : memref<128x128xf32, #tpu.memory_space<vmem_shared>>) target_semaphore(%run_scoped3A : memref<!tpu.dma_semaphore, #tpu.memory_space<semaphore_mem>>)
      %dma_wait3A = arith.constant 0 : i32
      %dma_wait3A_87 = tpu.memref_slice %arg6[%add3A_14, %dma_wait3A] : memref<10112x128xf32, #tpu.memory_space<vmem_shared>> -> memref<128x128xf32, #tpu.memory_space<vmem_shared>>
      %dma_wait3A_88 = arith.constant 0 : i32
      %dma_wait3A_89 = tpu.memref_slice %arg6[%add3A_14, %dma_wait3A_88] : memref<10112x128xf32, #tpu.memory_space<vmem_shared>> -> memref<128x128xf32, #tpu.memory_space<vmem_shared>>
      tpu.wait_dma2 semaphore(%run_scoped3A : memref<!tpu.dma_semaphore, #tpu.memory_space<semaphore_mem>>) src(%arg9 : memref<128x128xf32, #tpu.memory_space<vmem>>) dst(%dma_wait3A_89 : memref<128x128xf32, #tpu.memory_space<vmem_shared>>)
      tpu.yield
    }) : () -> ()
    %mul3A_15 = arith.constant 632 : i32
    %mul3A_16 = arith.muli %arg1, %mul3A_15 : i32
    %add3A_17 = arith.constant 384 : i32
    %add3A_18 = arith.addi %mul3A_16, %add3A_17 : i32
    "tpu.region"() ({
      %run_scoped3A = tpu.sem_alloc : memref<!tpu.dma_semaphore, #tpu.memory_space<semaphore_mem>>
      %dma_start3A_83 = arith.constant 0 : i32
      %dma_start3A_84 = tpu.memref_slice %arg6[%add3A_18, %dma_start3A_83] : memref<10112x128xf32, #tpu.memory_space<vmem_shared>> -> memref<128x128xf32, #tpu.memory_space<vmem_shared>>
      %dma_start3A_85 = arith.constant 0 : i32
      %dma_start3A_86 = tpu.memref_slice %arg6[%add3A_18, %dma_start3A_85] : memref<10112x128xf32, #tpu.memory_space<vmem_shared>> -> memref<128x128xf32, #tpu.memory_space<vmem_shared>>
      tpu.enqueue_dma source(%arg9 : memref<128x128xf32, #tpu.memory_space<vmem>>) target(%dma_start3A_86 : memref<128x128xf32, #tpu.memory_space<vmem_shared>>) target_semaphore(%run_scoped3A : memref<!tpu.dma_semaphore, #tpu.memory_space<semaphore_mem>>)
      %dma_wait3A = arith.constant 0 : i32
      %dma_wait3A_87 = tpu.memref_slice %arg6[%add3A_18, %dma_wait3A] : memref<10112x128xf32, #tpu.memory_space<vmem_shared>> -> memref<128x128xf32, #tpu.memory_space<vmem_shared>>
      %dma_wait3A_88 = arith.constant 0 : i32
      %dma_wait3A_89 = tpu.memref_slice %arg6[%add3A_18, %dma_wait3A_88] : memref<10112x128xf32, #tpu.memory_space<vmem_shared>> -> memref<128x128xf32, #tpu.memory_space<vmem_shared>>
      tpu.wait_dma2 semaphore(%run_scoped3A : memref<!tpu.dma_semaphore, #tpu.memory_space<semaphore_mem>>) src(%arg9 : memref<128x128xf32, #tpu.memory_space<vmem>>) dst(%dma_wait3A_89 : memref<128x128xf32, #tpu.memory_space<vmem_shared>>)
      tpu.yield
    }) : () -> ()
    %mul3A_19 = arith.constant 632 : i32
    %mul3A_20 = arith.muli %arg1, %mul3A_19 : i32
    %add3A_21 = arith.constant 512 : i32
    %add3A_22 = arith.addi %mul3A_20, %add3A_21 : i32
    "tpu.region"() ({
      %run_scoped3A = tpu.sem_alloc : memref<!tpu.dma_semaphore, #tpu.memory_space<semaphore_mem>>
      %dma_start3A_83 = arith.constant 0 : i32
      %dma_start3A_84 = arith.constant 0 : i32
      %dma_start3A_85 = tpu.memref_slice %arg9[%dma_start3A_83, %dma_start3A_84] : memref<128x128xf32, #tpu.memory_space<vmem>> -> memref<120x128xf32, #tpu.memory_space<vmem>>
      %dma_start3A_86 = arith.constant 0 : i32
      %dma_start3A_87 = tpu.memref_slice %arg6[%add3A_22, %dma_start3A_86] : memref<10112x128xf32, #tpu.memory_space<vmem_shared>> -> memref<120x128xf32, #tpu.memory_space<vmem_shared>>
      %dma_start3A_88 = arith.constant 0 : i32
      %dma_start3A_89 = tpu.memref_slice %arg6[%add3A_22, %dma_start3A_88] : memref<10112x128xf32, #tpu.memory_space<vmem_shared>> -> memref<120x128xf32, #tpu.memory_space<vmem_shared>>
      %dma_start3A_90 = arith.constant 0 : i32
      %dma_start3A_91 = arith.constant 0 : i32
      %dma_start3A_92 = tpu.memref_slice %arg9[%dma_start3A_90, %dma_start3A_91] : memref<128x128xf32, #tpu.memory_space<vmem>> -> memref<120x128xf32, #tpu.memory_space<vmem>>
      tpu.enqueue_dma source(%dma_start3A_92 : memref<120x128xf32, #tpu.memory_space<vmem>>) target(%dma_start3A_89 : memref<120x128xf32, #tpu.memory_space<vmem_shared>>) target_semaphore(%run_scoped3A : memref<!tpu.dma_semaphore, #tpu.memory_space<semaphore_mem>>)
      %dma_wait3A = arith.constant 0 : i32
      %dma_wait3A_93 = arith.constant 0 : i32
      %dma_wait3A_94 = tpu.memref_slice %arg9[%dma_wait3A, %dma_wait3A_93] : memref<128x128xf32, #tpu.memory_space<vmem>> -> memref<120x128xf32, #tpu.memory_space<vmem>>
      %dma_wait3A_95 = arith.constant 0 : i32
      %dma_wait3A_96 = tpu.memref_slice %arg6[%add3A_22, %dma_wait3A_95] : memref<10112x128xf32, #tpu.memory_space<vmem_shared>> -> memref<120x128xf32, #tpu.memory_space<vmem_shared>>
      %dma_wait3A_97 = arith.constant 0 : i32
      %dma_wait3A_98 = tpu.memref_slice %arg6[%add3A_22, %dma_wait3A_97] : memref<10112x128xf32, #tpu.memory_space<vmem_shared>> -> memref<120x128xf32, #tpu.memory_space<vmem_shared>>
      %dma_wait3A_99 = arith.constant 0 : i32
      %dma_wait3A_100 = arith.constant 0 : i32
      %dma_wait3A_101 = tpu.memref_slice %arg9[%dma_wait3A_99, %dma_wait3A_100] : memref<128x128xf32, #tpu.memory_space<vmem>> -> memref<120x128xf32, #tpu.memory_space<vmem>>
      tpu.wait_dma2 semaphore(%run_scoped3A : memref<!tpu.dma_semaphore, #tpu.memory_space<semaphore_mem>>) src(%dma_wait3A_101 : memref<120x128xf32, #tpu.memory_space<vmem>>) dst(%dma_wait3A_98 : memref<120x128xf32, #tpu.memory_space<vmem_shared>>)
      tpu.yield
    }) : () -> ()
    %barrier3A = arith.constant 0 : index
    tpu.barrier barrier_id(%barrier3A)
    %mul3A_23 = arith.constant 16 : i32
    %mul3A_24 = arith.muli %arg0, %mul3A_23 : i32
    %add3A_25 = arith.addi %mul3A_24, %arg1 : i32
    %mul3A_26 = arith.constant 80 : i32
    %mul3A_27 = arith.muli %add3A_25, %mul3A_26 : i32
    %add3A_28 = arith.constant 0 : i32
    %add3A_29 = arith.addi %mul3A_27, %add3A_28 : i32
    "tpu.region"() ({
      %run_scoped3A = tpu.sem_alloc : memref<!tpu.dma_semaphore, #tpu.memory_space<semaphore_mem>>
      %dma_start3A_83 = arith.constant 0 : i32
      %dma_start3A_84 = tpu.memref_slice %arg3[%add3A_29, %dma_start3A_83] : memref<2560x128xi32, #tpu.memory_space<hbm>> -> memref<40x128xi32, #tpu.memory_space<hbm>>
      %dma_start3A_85 = arith.constant 0 : i32
      %dma_start3A_86 = tpu.memref_slice %arg3[%add3A_29, %dma_start3A_85] : memref<2560x128xi32, #tpu.memory_space<hbm>> -> memref<40x128xi32, #tpu.memory_space<hbm>>
      tpu.enqueue_dma source(%dma_start3A_86 : memref<40x128xi32, #tpu.memory_space<hbm>>) target(%arg7 : memref<40x128xi32, #tpu.memory_space<vmem>>) target_semaphore(%run_scoped3A : memref<!tpu.dma_semaphore, #tpu.memory_space<semaphore_mem>>)
      %dma_wait3A = arith.constant 0 : i32
      %dma_wait3A_87 = tpu.memref_slice %arg3[%add3A_29, %dma_wait3A] : memref<2560x128xi32, #tpu.memory_space<hbm>> -> memref<40x128xi32, #tpu.memory_space<hbm>>
      %dma_wait3A_88 = arith.constant 0 : i32
      %dma_wait3A_89 = tpu.memref_slice %arg3[%add3A_29, %dma_wait3A_88] : memref<2560x128xi32, #tpu.memory_space<hbm>> -> memref<40x128xi32, #tpu.memory_space<hbm>>
      tpu.wait_dma2 semaphore(%run_scoped3A : memref<!tpu.dma_semaphore, #tpu.memory_space<semaphore_mem>>) src(%dma_wait3A_89 : memref<40x128xi32, #tpu.memory_space<hbm>>) dst(%arg7 : memref<40x128xi32, #tpu.memory_space<vmem>>)
      tpu.yield
    }) : () -> ()
    "tpu.region"() ({
      %run_scoped3A = tpu.sem_alloc : memref<!tpu.dma_semaphore, #tpu.memory_space<semaphore_mem>>
      %dma_start3A_83 = arith.constant 0 : i32
      %dma_start3A_84 = tpu.memref_slice %arg4[%add3A_29, %dma_start3A_83] : memref<2560x128xi32, #tpu.memory_space<hbm>> -> memref<40x128xi32, #tpu.memory_space<hbm>>
      %dma_start3A_85 = arith.constant 0 : i32
      %dma_start3A_86 = tpu.memref_slice %arg4[%add3A_29, %dma_start3A_85] : memref<2560x128xi32, #tpu.memory_space<hbm>> -> memref<40x128xi32, #tpu.memory_space<hbm>>
      tpu.enqueue_dma source(%dma_start3A_86 : memref<40x128xi32, #tpu.memory_space<hbm>>) target(%arg8 : memref<40x128xi32, #tpu.memory_space<vmem>>) target_semaphore(%run_scoped3A : memref<!tpu.dma_semaphore, #tpu.memory_space<semaphore_mem>>)
      %dma_wait3A = arith.constant 0 : i32
      %dma_wait3A_87 = tpu.memref_slice %arg4[%add3A_29, %dma_wait3A] : memref<2560x128xi32, #tpu.memory_space<hbm>> -> memref<40x128xi32, #tpu.memory_space<hbm>>
      %dma_wait3A_88 = arith.constant 0 : i32
      %dma_wait3A_89 = tpu.memref_slice %arg4[%add3A_29, %dma_wait3A_88] : memref<2560x128xi32, #tpu.memory_space<hbm>> -> memref<40x128xi32, #tpu.memory_space<hbm>>
      tpu.wait_dma2 semaphore(%run_scoped3A : memref<!tpu.dma_semaphore, #tpu.memory_space<semaphore_mem>>) src(%dma_wait3A_89 : memref<40x128xi32, #tpu.memory_space<hbm>>) dst(%arg8 : memref<40x128xi32, #tpu.memory_space<vmem>>)
      tpu.yield
    }) : () -> ()
    %dma_start3A = arith.constant 0 : i32
    %dma_start3A_30 = arith.constant 0 : i32
    %dma_start3A_31 = tpu.memref_slice %arg7[%dma_start3A, %dma_start3A_30] : memref<40x128xi32, #tpu.memory_space<vmem>> -> memref<1x128xi32, #tpu.memory_space<vmem>>
    %dma_start3A_32 = tpu.memref_squeeze %dma_start3A_31 : memref<1x128xi32, #tpu.memory_space<vmem>> -> memref<128xi32, #tpu.memory_space<vmem>>
    %dma_start3A_33 = arith.constant 0 : i32
    %dma_start3A_34 = arith.constant 0 : i32
    %dma_start3A_35 = tpu.memref_slice %arg2[%dma_start3A_33, %dma_start3A_34] : memref<10000x128xf32, #tpu.memory_space<hbm>> -> memref<10000x128xf32, #tpu.memory_space<hbm>>
    tpu.enqueue_indirect_dma source(%dma_start3A_35 : memref<10000x128xf32, #tpu.memory_space<hbm>>) target(%arg9 : memref<128x128xf32, #tpu.memory_space<vmem>>) offsets(%dma_start3A_32 : memref<128xi32, #tpu.memory_space<vmem>>) semaphore(%arg11 : memref<!tpu.dma_semaphore, #tpu.memory_space<semaphore_mem>>)
    %dma_start3A_36 = arith.constant 1 : i32
    %dma_start3A_37 = arith.constant 0 : i32
    %dma_start3A_38 = tpu.memref_slice %arg7[%dma_start3A_36, %dma_start3A_37] : memref<40x128xi32, #tpu.memory_space<vmem>> -> memref<1x128xi32, #tpu.memory_space<vmem>>
    %dma_start3A_39 = tpu.memref_squeeze %dma_start3A_38 : memref<1x128xi32, #tpu.memory_space<vmem>> -> memref<128xi32, #tpu.memory_space<vmem>>
    %dma_start3A_40 = arith.constant 0 : i32
    %dma_start3A_41 = arith.constant 0 : i32
    %dma_start3A_42 = tpu.memref_slice %arg2[%dma_start3A_40, %dma_start3A_41] : memref<10000x128xf32, #tpu.memory_space<hbm>> -> memref<10000x128xf32, #tpu.memory_space<hbm>>
    tpu.enqueue_indirect_dma source(%dma_start3A_42 : memref<10000x128xf32, #tpu.memory_space<hbm>>) target(%arg10 : memref<128x128xf32, #tpu.memory_space<vmem>>) offsets(%dma_start3A_39 : memref<128xi32, #tpu.memory_space<vmem>>) semaphore(%arg12 : memref<!tpu.dma_semaphore, #tpu.memory_space<semaphore_mem>>)
    %scan3A_43 = arith.constant 0 : i32
    %scan3A_44 = arith.constant 0 : i32
    %scan3A_45 = arith.constant 20 : i32
    %scan3A_46 = arith.addi %scan3A_44, %scan3A_45 : i32
    %scan3A_47 = arith.constant 1 : i32
    scf.for %scan3A_83 = %scan3A_44 to %scan3A_46 step %scan3A_47  : i32 {
      %mul3A_84 = arith.constant 2 : i32
      %mul3A_85 = arith.muli %mul3A_84, %scan3A_83 : i32
      %add3A_86 = arith.constant 0 : i32
      %add3A_87 = arith.addi %mul3A_85, %add3A_86 : i32
      %dma_wait3A = arith.constant 0 : i32
      %dma_wait3A_88 = tpu.memref_slice %arg7[%add3A_87, %dma_wait3A] : memref<40x128xi32, #tpu.memory_space<vmem>> -> memref<1x128xi32, #tpu.memory_space<vmem>>
      %dma_wait3A_89 = tpu.memref_squeeze %dma_wait3A_88 : memref<1x128xi32, #tpu.memory_space<vmem>> -> memref<128xi32, #tpu.memory_space<vmem>>
      %dma_wait3A_90 = arith.constant 0 : i32
      %dma_wait3A_91 = arith.constant 0 : i32
      %dma_wait3A_92 = tpu.memref_slice %arg2[%dma_wait3A_90, %dma_wait3A_91] : memref<10000x128xf32, #tpu.memory_space<hbm>> -> memref<10000x128xf32, #tpu.memory_space<hbm>>
      tpu.wait_indirect_dma semaphore(%arg11 : memref<!tpu.dma_semaphore, #tpu.memory_space<semaphore_mem>>) src(%dma_wait3A_92 : memref<10000x128xf32, #tpu.memory_space<hbm>>) dst(%arg9 : memref<128x128xf32, #tpu.memory_space<vmem>>)
      "tpu.region"() ({
        %run_scoped3A = tpu.sem_alloc : memref<!tpu.dma_semaphore, #tpu.memory_space<semaphore_mem>>
        %dma_start3A_117 = arith.constant 0 : i32
        %dma_start3A_118 = tpu.memref_slice %arg8[%add3A_87, %dma_start3A_117] : memref<40x128xi32, #tpu.memory_space<vmem>> -> memref<1x128xi32, #tpu.memory_space<vmem>>
        %dma_start3A_119 = tpu.memref_squeeze %dma_start3A_118 : memref<1x128xi32, #tpu.memory_space<vmem>> -> memref<128xi32, #tpu.memory_space<vmem>>
        %dma_start3A_120 = arith.constant 0 : i32
        %dma_start3A_121 = arith.constant 0 : i32
        %dma_start3A_122 = tpu.memref_slice %arg6[%dma_start3A_120, %dma_start3A_121] : memref<10112x128xf32, #tpu.memory_space<vmem_shared>> -> memref<10112x128xf32, #tpu.memory_space<vmem_shared>>
        tpu.enqueue_indirect_dma source(%arg9 : memref<128x128xf32, #tpu.memory_space<vmem>>) target(%dma_start3A_122 : memref<10112x128xf32, #tpu.memory_space<vmem_shared>>) offsets(%dma_start3A_119 : memref<128xi32, #tpu.memory_space<vmem>>) semaphore(%run_scoped3A : memref<!tpu.dma_semaphore, #tpu.memory_space<semaphore_mem>>) {add = true}
        %dma_wait3A_123 = arith.constant 0 : i32
        %dma_wait3A_124 = tpu.memref_slice %arg8[%add3A_87, %dma_wait3A_123] : memref<40x128xi32, #tpu.memory_space<vmem>> -> memref<1x128xi32, #tpu.memory_space<vmem>>
        %dma_wait3A_125 = tpu.memref_squeeze %dma_wait3A_124 : memref<1x128xi32, #tpu.memory_space<vmem>> -> memref<128xi32, #tpu.memory_space<vmem>>
        %dma_wait3A_126 = arith.constant 0 : i32
        %dma_wait3A_127 = arith.constant 0 : i32
        %dma_wait3A_128 = tpu.memref_slice %arg6[%dma_wait3A_126, %dma_wait3A_127] : memref<10112x128xf32, #tpu.memory_space<vmem_shared>> -> memref<10112x128xf32, #tpu.memory_space<vmem_shared>>
        tpu.wait_indirect_dma semaphore(%run_scoped3A : memref<!tpu.dma_semaphore, #tpu.memory_space<semaphore_mem>>) src(%arg9 : memref<128x128xf32, #tpu.memory_space<vmem>>) dst(%dma_wait3A_128 : memref<10112x128xf32, #tpu.memory_space<vmem_shared>>)
        tpu.yield
      }) : () -> ()
      %add3A_93 = arith.constant 2 : i32
      %add3A_94 = arith.addi %add3A_87, %add3A_93 : i32
      %lt3A_95 = arith.constant 40 : i32
      %lt3A_96 = arith.cmpi slt, %add3A_94, %lt3A_95 : i32
      %convert_element_type3A_97 = arith.extui %lt3A_96 : i1 to i32
      %cond3A_98 = arith.constant 0 : i32
      %cond3A_99 = arith.cmpi ne, %convert_element_type3A_97, %cond3A_98 : i32
      scf.if %cond3A_99 {
        %add3A_117 = arith.constant 2 : i32
        %add3A_118 = arith.addi %add3A_87, %add3A_117 : i32
        %dma_start3A_119 = arith.constant 0 : i32
        %dma_start3A_120 = tpu.memref_slice %arg7[%add3A_118, %dma_start3A_119] : memref<40x128xi32, #tpu.memory_space<vmem>> -> memref<1x128xi32, #tpu.memory_space<vmem>>
        %dma_start3A_121 = tpu.memref_squeeze %dma_start3A_120 : memref<1x128xi32, #tpu.memory_space<vmem>> -> memref<128xi32, #tpu.memory_space<vmem>>
        %dma_start3A_122 = arith.constant 0 : i32
        %dma_start3A_123 = arith.constant 0 : i32
        %dma_start3A_124 = tpu.memref_slice %arg2[%dma_start3A_122, %dma_start3A_123] : memref<10000x128xf32, #tpu.memory_space<hbm>> -> memref<10000x128xf32, #tpu.memory_space<hbm>>
        tpu.enqueue_indirect_dma source(%dma_start3A_124 : memref<10000x128xf32, #tpu.memory_space<hbm>>) target(%arg9 : memref<128x128xf32, #tpu.memory_space<vmem>>) offsets(%dma_start3A_121 : memref<128xi32, #tpu.memory_space<vmem>>) semaphore(%arg11 : memref<!tpu.dma_semaphore, #tpu.memory_space<semaphore_mem>>)
      } else {
      }
      %mul3A_100 = arith.constant 2 : i32
      %mul3A_101 = arith.muli %mul3A_100, %scan3A_83 : i32
      %add3A_102 = arith.constant 1 : i32
      %add3A_103 = arith.addi %mul3A_101, %add3A_102 : i32
      %dma_wait3A_104 = arith.constant 0 : i32
      %dma_wait3A_105 = tpu.memref_slice %arg7[%add3A_103, %dma_wait3A_104] : memref<40x128xi32, #tpu.memory_space<vmem>> -> memref<1x128xi32, #tpu.memory_space<vmem>>
      %dma_wait3A_106 = tpu.memref_squeeze %dma_wait3A_105 : memref<1x128xi32, #tpu.memory_space<vmem>> -> memref<128xi32, #tpu.memory_space<vmem>>
      %dma_wait3A_107 = arith.constant 0 : i32
      %dma_wait3A_108 = arith.constant 0 : i32
      %dma_wait3A_109 = tpu.memref_slice %arg2[%dma_wait3A_107, %dma_wait3A_108] : memref<10000x128xf32, #tpu.memory_space<hbm>> -> memref<10000x128xf32, #tpu.memory_space<hbm>>
      tpu.wait_indirect_dma semaphore(%arg12 : memref<!tpu.dma_semaphore, #tpu.memory_space<semaphore_mem>>) src(%dma_wait3A_109 : memref<10000x128xf32, #tpu.memory_space<hbm>>) dst(%arg10 : memref<128x128xf32, #tpu.memory_space<vmem>>)
      "tpu.region"() ({
        %run_scoped3A = tpu.sem_alloc : memref<!tpu.dma_semaphore, #tpu.memory_space<semaphore_mem>>
        %dma_start3A_117 = arith.constant 0 : i32
        %dma_start3A_118 = tpu.memref_slice %arg8[%add3A_103, %dma_start3A_117] : memref<40x128xi32, #tpu.memory_space<vmem>> -> memref<1x128xi32, #tpu.memory_space<vmem>>
        %dma_start3A_119 = tpu.memref_squeeze %dma_start3A_118 : memref<1x128xi32, #tpu.memory_space<vmem>> -> memref<128xi32, #tpu.memory_space<vmem>>
        %dma_start3A_120 = arith.constant 0 : i32
        %dma_start3A_121 = arith.constant 0 : i32
        %dma_start3A_122 = tpu.memref_slice %arg6[%dma_start3A_120, %dma_start3A_121] : memref<10112x128xf32, #tpu.memory_space<vmem_shared>> -> memref<10112x128xf32, #tpu.memory_space<vmem_shared>>
        tpu.enqueue_indirect_dma source(%arg10 : memref<128x128xf32, #tpu.memory_space<vmem>>) target(%dma_start3A_122 : memref<10112x128xf32, #tpu.memory_space<vmem_shared>>) offsets(%dma_start3A_119 : memref<128xi32, #tpu.memory_space<vmem>>) semaphore(%run_scoped3A : memref<!tpu.dma_semaphore, #tpu.memory_space<semaphore_mem>>) {add = true}
        %dma_wait3A_123 = arith.constant 0 : i32
        %dma_wait3A_124 = tpu.memref_slice %arg8[%add3A_103, %dma_wait3A_123] : memref<40x128xi32, #tpu.memory_space<vmem>> -> memref<1x128xi32, #tpu.memory_space<vmem>>
        %dma_wait3A_125 = tpu.memref_squeeze %dma_wait3A_124 : memref<1x128xi32, #tpu.memory_space<vmem>> -> memref<128xi32, #tpu.memory_space<vmem>>
        %dma_wait3A_126 = arith.constant 0 : i32
        %dma_wait3A_127 = arith.constant 0 : i32
        %dma_wait3A_128 = tpu.memref_slice %arg6[%dma_wait3A_126, %dma_wait3A_127] : memref<10112x128xf32, #tpu.memory_space<vmem_shared>> -> memref<10112x128xf32, #tpu.memory_space<vmem_shared>>
        tpu.wait_indirect_dma semaphore(%run_scoped3A : memref<!tpu.dma_semaphore, #tpu.memory_space<semaphore_mem>>) src(%arg10 : memref<128x128xf32, #tpu.memory_space<vmem>>) dst(%dma_wait3A_128 : memref<10112x128xf32, #tpu.memory_space<vmem_shared>>)
        tpu.yield
      }) : () -> ()
      %add3A_110 = arith.constant 2 : i32
      %add3A_111 = arith.addi %add3A_103, %add3A_110 : i32
      %lt3A_112 = arith.constant 40 : i32
      %lt3A_113 = arith.cmpi slt, %add3A_111, %lt3A_112 : i32
      %convert_element_type3A_114 = arith.extui %lt3A_113 : i1 to i32
      %cond3A_115 = arith.constant 0 : i32
      %cond3A_116 = arith.cmpi ne, %convert_element_type3A_114, %cond3A_115 : i32
      scf.if %cond3A_116 {
        %add3A_117 = arith.constant 2 : i32
        %add3A_118 = arith.addi %add3A_103, %add3A_117 : i32
        %dma_start3A_119 = arith.constant 0 : i32
        %dma_start3A_120 = tpu.memref_slice %arg7[%add3A_118, %dma_start3A_119] : memref<40x128xi32, #tpu.memory_space<vmem>> -> memref<1x128xi32, #tpu.memory_space<vmem>>
        %dma_start3A_121 = tpu.memref_squeeze %dma_start3A_120 : memref<1x128xi32, #tpu.memory_space<vmem>> -> memref<128xi32, #tpu.memory_space<vmem>>
        %dma_start3A_122 = arith.constant 0 : i32
        %dma_start3A_123 = arith.constant 0 : i32
        %dma_start3A_124 = tpu.memref_slice %arg2[%dma_start3A_122, %dma_start3A_123] : memref<10000x128xf32, #tpu.memory_space<hbm>> -> memref<10000x128xf32, #tpu.memory_space<hbm>>
        tpu.enqueue_indirect_dma source(%dma_start3A_124 : memref<10000x128xf32, #tpu.memory_space<hbm>>) target(%arg10 : memref<128x128xf32, #tpu.memory_space<vmem>>) offsets(%dma_start3A_121 : memref<128xi32, #tpu.memory_space<vmem>>) semaphore(%arg12 : memref<!tpu.dma_semaphore, #tpu.memory_space<semaphore_mem>>)
      } else {
      }
    }
    %scan3A_48 = arith.constant 20 : i32
    %mul3A_49 = arith.constant 16 : i32
    %mul3A_50 = arith.muli %arg0, %mul3A_49 : i32
    %add3A_51 = arith.addi %mul3A_50, %arg1 : i32
    %mul3A_52 = arith.constant 80 : i32
    %mul3A_53 = arith.muli %add3A_51, %mul3A_52 : i32
    %add3A_54 = arith.constant 40 : i32
    %add3A_55 = arith.addi %mul3A_53, %add3A_54 : i32
    "tpu.region"() ({
      %run_scoped3A = tpu.sem_alloc : memref<!tpu.dma_semaphore, #tpu.memory_space<semaphore_mem>>
      %dma_start3A_83 = arith.constant 0 : i32
      %dma_start3A_84 = tpu.memref_slice %arg3[%add3A_55, %dma_start3A_83] : memref<2560x128xi32, #tpu.memory_space<hbm>> -> memref<40x128xi32, #tpu.memory_space<hbm>>
      %dma_start3A_85 = arith.constant 0 : i32
      %dma_start3A_86 = tpu.memref_slice %arg3[%add3A_55, %dma_start3A_85] : memref<2560x128xi32, #tpu.memory_space<hbm>> -> memref<40x128xi32, #tpu.memory_space<hbm>>
      tpu.enqueue_dma source(%dma_start3A_86 : memref<40x128xi32, #tpu.memory_space<hbm>>) target(%arg7 : memref<40x128xi32, #tpu.memory_space<vmem>>) target_semaphore(%run_scoped3A : memref<!tpu.dma_semaphore, #tpu.memory_space<semaphore_mem>>)
      %dma_wait3A = arith.constant 0 : i32
      %dma_wait3A_87 = tpu.memref_slice %arg3[%add3A_55, %dma_wait3A] : memref<2560x128xi32, #tpu.memory_space<hbm>> -> memref<40x128xi32, #tpu.memory_space<hbm>>
      %dma_wait3A_88 = arith.constant 0 : i32
      %dma_wait3A_89 = tpu.memref_slice %arg3[%add3A_55, %dma_wait3A_88] : memref<2560x128xi32, #tpu.memory_space<hbm>> -> memref<40x128xi32, #tpu.memory_space<hbm>>
      tpu.wait_dma2 semaphore(%run_scoped3A : memref<!tpu.dma_semaphore, #tpu.memory_space<semaphore_mem>>) src(%dma_wait3A_89 : memref<40x128xi32, #tpu.memory_space<hbm>>) dst(%arg7 : memref<40x128xi32, #tpu.memory_space<vmem>>)
      tpu.yield
    }) : () -> ()
    "tpu.region"() ({
      %run_scoped3A = tpu.sem_alloc : memref<!tpu.dma_semaphore, #tpu.memory_space<semaphore_mem>>
      %dma_start3A_83 = arith.constant 0 : i32
      %dma_start3A_84 = tpu.memref_slice %arg4[%add3A_55, %dma_start3A_83] : memref<2560x128xi32, #tpu.memory_space<hbm>> -> memref<40x128xi32, #tpu.memory_space<hbm>>
      %dma_start3A_85 = arith.constant 0 : i32
      %dma_start3A_86 = tpu.memref_slice %arg4[%add3A_55, %dma_start3A_85] : memref<2560x128xi32, #tpu.memory_space<hbm>> -> memref<40x128xi32, #tpu.memory_space<hbm>>
      tpu.enqueue_dma source(%dma_start3A_86 : memref<40x128xi32, #tpu.memory_space<hbm>>) target(%arg8 : memref<40x128xi32, #tpu.memory_space<vmem>>) target_semaphore(%run_scoped3A : memref<!tpu.dma_semaphore, #tpu.memory_space<semaphore_mem>>)
      %dma_wait3A = arith.constant 0 : i32
      %dma_wait3A_87 = tpu.memref_slice %arg4[%add3A_55, %dma_wait3A] : memref<2560x128xi32, #tpu.memory_space<hbm>> -> memref<40x128xi32, #tpu.memory_space<hbm>>
      %dma_wait3A_88 = arith.constant 0 : i32
      %dma_wait3A_89 = tpu.memref_slice %arg4[%add3A_55, %dma_wait3A_88] : memref<2560x128xi32, #tpu.memory_space<hbm>> -> memref<40x128xi32, #tpu.memory_space<hbm>>
      tpu.wait_dma2 semaphore(%run_scoped3A : memref<!tpu.dma_semaphore, #tpu.memory_space<semaphore_mem>>) src(%dma_wait3A_89 : memref<40x128xi32, #tpu.memory_space<hbm>>) dst(%arg8 : memref<40x128xi32, #tpu.memory_space<vmem>>)
      tpu.yield
    }) : () -> ()
    %dma_start3A_56 = arith.constant 0 : i32
    %dma_start3A_57 = arith.constant 0 : i32
    %dma_start3A_58 = tpu.memref_slice %arg7[%dma_start3A_56, %dma_start3A_57] : memref<40x128xi32, #tpu.memory_space<vmem>> -> memref<1x128xi32, #tpu.memory_space<vmem>>
    %dma_start3A_59 = tpu.memref_squeeze %dma_start3A_58 : memref<1x128xi32, #tpu.memory_space<vmem>> -> memref<128xi32, #tpu.memory_space<vmem>>
    %dma_start3A_60 = arith.constant 0 : i32
    %dma_start3A_61 = arith.constant 0 : i32
    %dma_start3A_62 = tpu.memref_slice %arg2[%dma_start3A_60, %dma_start3A_61] : memref<10000x128xf32, #tpu.memory_space<hbm>> -> memref<10000x128xf32, #tpu.memory_space<hbm>>
    tpu.enqueue_indirect_dma source(%dma_start3A_62 : memref<10000x128xf32, #tpu.memory_space<hbm>>) target(%arg9 : memref<128x128xf32, #tpu.memory_space<vmem>>) offsets(%dma_start3A_59 : memref<128xi32, #tpu.memory_space<vmem>>) semaphore(%arg11 : memref<!tpu.dma_semaphore, #tpu.memory_space<semaphore_mem>>)
    %dma_start3A_63 = arith.constant 1 : i32
    %dma_start3A_64 = arith.constant 0 : i32
    %dma_start3A_65 = tpu.memref_slice %arg7[%dma_start3A_63, %dma_start3A_64] : memref<40x128xi32, #tpu.memory_space<vmem>> -> memref<1x128xi32, #tpu.memory_space<vmem>>
    %dma_start3A_66 = tpu.memref_squeeze %dma_start3A_65 : memref<1x128xi32, #tpu.memory_space<vmem>> -> memref<128xi32, #tpu.memory_space<vmem>>
    %dma_start3A_67 = arith.constant 0 : i32
    %dma_start3A_68 = arith.constant 0 : i32
    %dma_start3A_69 = tpu.memref_slice %arg2[%dma_start3A_67, %dma_start3A_68] : memref<10000x128xf32, #tpu.memory_space<hbm>> -> memref<10000x128xf32, #tpu.memory_space<hbm>>
    tpu.enqueue_indirect_dma source(%dma_start3A_69 : memref<10000x128xf32, #tpu.memory_space<hbm>>) target(%arg10 : memref<128x128xf32, #tpu.memory_space<vmem>>) offsets(%dma_start3A_66 : memref<128xi32, #tpu.memory_space<vmem>>) semaphore(%arg12 : memref<!tpu.dma_semaphore, #tpu.memory_space<semaphore_mem>>)
    %scan3A_70 = arith.constant 0 : i32
    %scan3A_71 = arith.constant 0 : i32
    %scan3A_72 = arith.constant 20 : i32
    %scan3A_73 = arith.addi %scan3A_71, %scan3A_72 : i32
    %scan3A_74 = arith.constant 1 : i32
    scf.for %scan3A_83 = %scan3A_71 to %scan3A_73 step %scan3A_74  : i32 {
      %mul3A_84 = arith.constant 2 : i32
      %mul3A_85 = arith.muli %mul3A_84, %scan3A_83 : i32
      %add3A_86 = arith.constant 0 : i32
      %add3A_87 = arith.addi %mul3A_85, %add3A_86 : i32
      %dma_wait3A = arith.constant 0 : i32
      %dma_wait3A_88 = tpu.memref_slice %arg7[%add3A_87, %dma_wait3A] : memref<40x128xi32, #tpu.memory_space<vmem>> -> memref<1x128xi32, #tpu.memory_space<vmem>>
      %dma_wait3A_89 = tpu.memref_squeeze %dma_wait3A_88 : memref<1x128xi32, #tpu.memory_space<vmem>> -> memref<128xi32, #tpu.memory_space<vmem>>
      %dma_wait3A_90 = arith.constant 0 : i32
      %dma_wait3A_91 = arith.constant 0 : i32
      %dma_wait3A_92 = tpu.memref_slice %arg2[%dma_wait3A_90, %dma_wait3A_91] : memref<10000x128xf32, #tpu.memory_space<hbm>> -> memref<10000x128xf32, #tpu.memory_space<hbm>>
      tpu.wait_indirect_dma semaphore(%arg11 : memref<!tpu.dma_semaphore, #tpu.memory_space<semaphore_mem>>) src(%dma_wait3A_92 : memref<10000x128xf32, #tpu.memory_space<hbm>>) dst(%arg9 : memref<128x128xf32, #tpu.memory_space<vmem>>)
      "tpu.region"() ({
        %run_scoped3A = tpu.sem_alloc : memref<!tpu.dma_semaphore, #tpu.memory_space<semaphore_mem>>
        %dma_start3A_117 = arith.constant 0 : i32
        %dma_start3A_118 = tpu.memref_slice %arg8[%add3A_87, %dma_start3A_117] : memref<40x128xi32, #tpu.memory_space<vmem>> -> memref<1x128xi32, #tpu.memory_space<vmem>>
        %dma_start3A_119 = tpu.memref_squeeze %dma_start3A_118 : memref<1x128xi32, #tpu.memory_space<vmem>> -> memref<128xi32, #tpu.memory_space<vmem>>
        %dma_start3A_120 = arith.constant 0 : i32
        %dma_start3A_121 = arith.constant 0 : i32
        %dma_start3A_122 = tpu.memref_slice %arg6[%dma_start3A_120, %dma_start3A_121] : memref<10112x128xf32, #tpu.memory_space<vmem_shared>> -> memref<10112x128xf32, #tpu.memory_space<vmem_shared>>
        tpu.enqueue_indirect_dma source(%arg9 : memref<128x128xf32, #tpu.memory_space<vmem>>) target(%dma_start3A_122 : memref<10112x128xf32, #tpu.memory_space<vmem_shared>>) offsets(%dma_start3A_119 : memref<128xi32, #tpu.memory_space<vmem>>) semaphore(%run_scoped3A : memref<!tpu.dma_semaphore, #tpu.memory_space<semaphore_mem>>) {add = true}
        %dma_wait3A_123 = arith.constant 0 : i32
        %dma_wait3A_124 = tpu.memref_slice %arg8[%add3A_87, %dma_wait3A_123] : memref<40x128xi32, #tpu.memory_space<vmem>> -> memref<1x128xi32, #tpu.memory_space<vmem>>
        %dma_wait3A_125 = tpu.memref_squeeze %dma_wait3A_124 : memref<1x128xi32, #tpu.memory_space<vmem>> -> memref<128xi32, #tpu.memory_space<vmem>>
        %dma_wait3A_126 = arith.constant 0 : i32
        %dma_wait3A_127 = arith.constant 0 : i32
        %dma_wait3A_128 = tpu.memref_slice %arg6[%dma_wait3A_126, %dma_wait3A_127] : memref<10112x128xf32, #tpu.memory_space<vmem_shared>> -> memref<10112x128xf32, #tpu.memory_space<vmem_shared>>
        tpu.wait_indirect_dma semaphore(%run_scoped3A : memref<!tpu.dma_semaphore, #tpu.memory_space<semaphore_mem>>) src(%arg9 : memref<128x128xf32, #tpu.memory_space<vmem>>) dst(%dma_wait3A_128 : memref<10112x128xf32, #tpu.memory_space<vmem_shared>>)
        tpu.yield
      }) : () -> ()
      %add3A_93 = arith.constant 2 : i32
      %add3A_94 = arith.addi %add3A_87, %add3A_93 : i32
      %lt3A_95 = arith.constant 40 : i32
      %lt3A_96 = arith.cmpi slt, %add3A_94, %lt3A_95 : i32
      %convert_element_type3A_97 = arith.extui %lt3A_96 : i1 to i32
      %cond3A_98 = arith.constant 0 : i32
      %cond3A_99 = arith.cmpi ne, %convert_element_type3A_97, %cond3A_98 : i32
      scf.if %cond3A_99 {
        %add3A_117 = arith.constant 2 : i32
        %add3A_118 = arith.addi %add3A_87, %add3A_117 : i32
        %dma_start3A_119 = arith.constant 0 : i32
        %dma_start3A_120 = tpu.memref_slice %arg7[%add3A_118, %dma_start3A_119] : memref<40x128xi32, #tpu.memory_space<vmem>> -> memref<1x128xi32, #tpu.memory_space<vmem>>
        %dma_start3A_121 = tpu.memref_squeeze %dma_start3A_120 : memref<1x128xi32, #tpu.memory_space<vmem>> -> memref<128xi32, #tpu.memory_space<vmem>>
        %dma_start3A_122 = arith.constant 0 : i32
        %dma_start3A_123 = arith.constant 0 : i32
        %dma_start3A_124 = tpu.memref_slice %arg2[%dma_start3A_122, %dma_start3A_123] : memref<10000x128xf32, #tpu.memory_space<hbm>> -> memref<10000x128xf32, #tpu.memory_space<hbm>>
        tpu.enqueue_indirect_dma source(%dma_start3A_124 : memref<10000x128xf32, #tpu.memory_space<hbm>>) target(%arg9 : memref<128x128xf32, #tpu.memory_space<vmem>>) offsets(%dma_start3A_121 : memref<128xi32, #tpu.memory_space<vmem>>) semaphore(%arg11 : memref<!tpu.dma_semaphore, #tpu.memory_space<semaphore_mem>>)
      } else {
      }
      %mul3A_100 = arith.constant 2 : i32
      %mul3A_101 = arith.muli %mul3A_100, %scan3A_83 : i32
      %add3A_102 = arith.constant 1 : i32
      %add3A_103 = arith.addi %mul3A_101, %add3A_102 : i32
      %dma_wait3A_104 = arith.constant 0 : i32
      %dma_wait3A_105 = tpu.memref_slice %arg7[%add3A_103, %dma_wait3A_104] : memref<40x128xi32, #tpu.memory_space<vmem>> -> memref<1x128xi32, #tpu.memory_space<vmem>>
      %dma_wait3A_106 = tpu.memref_squeeze %dma_wait3A_105 : memref<1x128xi32, #tpu.memory_space<vmem>> -> memref<128xi32, #tpu.memory_space<vmem>>
      %dma_wait3A_107 = arith.constant 0 : i32
      %dma_wait3A_108 = arith.constant 0 : i32
      %dma_wait3A_109 = tpu.memref_slice %arg2[%dma_wait3A_107, %dma_wait3A_108] : memref<10000x128xf32, #tpu.memory_space<hbm>> -> memref<10000x128xf32, #tpu.memory_space<hbm>>
      tpu.wait_indirect_dma semaphore(%arg12 : memref<!tpu.dma_semaphore, #tpu.memory_space<semaphore_mem>>) src(%dma_wait3A_109 : memref<10000x128xf32, #tpu.memory_space<hbm>>) dst(%arg10 : memref<128x128xf32, #tpu.memory_space<vmem>>)
      "tpu.region"() ({
        %run_scoped3A = tpu.sem_alloc : memref<!tpu.dma_semaphore, #tpu.memory_space<semaphore_mem>>
        %dma_start3A_117 = arith.constant 0 : i32
        %dma_start3A_118 = tpu.memref_slice %arg8[%add3A_103, %dma_start3A_117] : memref<40x128xi32, #tpu.memory_space<vmem>> -> memref<1x128xi32, #tpu.memory_space<vmem>>
        %dma_start3A_119 = tpu.memref_squeeze %dma_start3A_118 : memref<1x128xi32, #tpu.memory_space<vmem>> -> memref<128xi32, #tpu.memory_space<vmem>>
        %dma_start3A_120 = arith.constant 0 : i32
        %dma_start3A_121 = arith.constant 0 : i32
        %dma_start3A_122 = tpu.memref_slice %arg6[%dma_start3A_120, %dma_start3A_121] : memref<10112x128xf32, #tpu.memory_space<vmem_shared>> -> memref<10112x128xf32, #tpu.memory_space<vmem_shared>>
        tpu.enqueue_indirect_dma source(%arg10 : memref<128x128xf32, #tpu.memory_space<vmem>>) target(%dma_start3A_122 : memref<10112x128xf32, #tpu.memory_space<vmem_shared>>) offsets(%dma_start3A_119 : memref<128xi32, #tpu.memory_space<vmem>>) semaphore(%run_scoped3A : memref<!tpu.dma_semaphore, #tpu.memory_space<semaphore_mem>>) {add = true}
        %dma_wait3A_123 = arith.constant 0 : i32
        %dma_wait3A_124 = tpu.memref_slice %arg8[%add3A_103, %dma_wait3A_123] : memref<40x128xi32, #tpu.memory_space<vmem>> -> memref<1x128xi32, #tpu.memory_space<vmem>>
        %dma_wait3A_125 = tpu.memref_squeeze %dma_wait3A_124 : memref<1x128xi32, #tpu.memory_space<vmem>> -> memref<128xi32, #tpu.memory_space<vmem>>
        %dma_wait3A_126 = arith.constant 0 : i32
        %dma_wait3A_127 = arith.constant 0 : i32
        %dma_wait3A_128 = tpu.memref_slice %arg6[%dma_wait3A_126, %dma_wait3A_127] : memref<10112x128xf32, #tpu.memory_space<vmem_shared>> -> memref<10112x128xf32, #tpu.memory_space<vmem_shared>>
        tpu.wait_indirect_dma semaphore(%run_scoped3A : memref<!tpu.dma_semaphore, #tpu.memory_space<semaphore_mem>>) src(%arg10 : memref<128x128xf32, #tpu.memory_space<vmem>>) dst(%dma_wait3A_128 : memref<10112x128xf32, #tpu.memory_space<vmem_shared>>)
        tpu.yield
      }) : () -> ()
      %add3A_110 = arith.constant 2 : i32
      %add3A_111 = arith.addi %add3A_103, %add3A_110 : i32
      %lt3A_112 = arith.constant 40 : i32
      %lt3A_113 = arith.cmpi slt, %add3A_111, %lt3A_112 : i32
      %convert_element_type3A_114 = arith.extui %lt3A_113 : i1 to i32
      %cond3A_115 = arith.constant 0 : i32
      %cond3A_116 = arith.cmpi ne, %convert_element_type3A_114, %cond3A_115 : i32
      scf.if %cond3A_116 {
        %add3A_117 = arith.constant 2 : i32
        %add3A_118 = arith.addi %add3A_103, %add3A_117 : i32
        %dma_start3A_119 = arith.constant 0 : i32
        %dma_start3A_120 = tpu.memref_slice %arg7[%add3A_118, %dma_start3A_119] : memref<40x128xi32, #tpu.memory_space<vmem>> -> memref<1x128xi32, #tpu.memory_space<vmem>>
        %dma_start3A_121 = tpu.memref_squeeze %dma_start3A_120 : memref<1x128xi32, #tpu.memory_space<vmem>> -> memref<128xi32, #tpu.memory_space<vmem>>
        %dma_start3A_122 = arith.constant 0 : i32
        %dma_start3A_123 = arith.constant 0 : i32
        %dma_start3A_124 = tpu.memref_slice %arg2[%dma_start3A_122, %dma_start3A_123] : memref<10000x128xf32, #tpu.memory_space<hbm>> -> memref<10000x128xf32, #tpu.memory_space<hbm>>
        tpu.enqueue_indirect_dma source(%dma_start3A_124 : memref<10000x128xf32, #tpu.memory_space<hbm>>) target(%arg10 : memref<128x128xf32, #tpu.memory_space<vmem>>) offsets(%dma_start3A_121 : memref<128xi32, #tpu.memory_space<vmem>>) semaphore(%arg12 : memref<!tpu.dma_semaphore, #tpu.memory_space<semaphore_mem>>)
      } else {
      }
    }
    %scan3A_75 = arith.constant 20 : i32
    %barrier3A_76 = arith.constant 0 : index
    tpu.barrier barrier_id(%barrier3A_76)
    %lt3A = arith.constant 15 : i32
    %lt3A_77 = arith.cmpi slt, %arg1, %lt3A : i32
    %convert_element_type3A = arith.extui %lt3A_77 : i1 to i32
    %cond3A = arith.constant 0 : i32
    %cond3A_78 = arith.cmpi ne, %convert_element_type3A, %cond3A : i32
    scf.if %cond3A_78 {
      %mul3A_83 = arith.constant 632 : i32
      %mul3A_84 = arith.muli %arg1, %mul3A_83 : i32
      %mul3A_85 = arith.constant 632 : i32
      %mul3A_86 = arith.muli %arg1, %mul3A_85 : i32
      "tpu.region"() ({
        %run_scoped3A = tpu.sem_alloc : memref<!tpu.dma_semaphore, #tpu.memory_space<semaphore_mem>>
        %dma_start3A_87 = arith.constant 0 : i32
        %dma_start3A_88 = tpu.memref_slice %arg5[%arg0, %mul3A_86, %dma_start3A_87] : memref<2x10000x128xf32, #tpu.memory_space<hbm>> -> memref<1x632x128xf32, #tpu.memory_space<hbm>>
        %dma_start3A_89 = tpu.memref_squeeze %dma_start3A_88 : memref<1x632x128xf32, #tpu.memory_space<hbm>> -> memref<632x128xf32, #tpu.memory_space<hbm>>
        %dma_start3A_90 = arith.constant 0 : i32
        %dma_start3A_91 = tpu.memref_slice %arg6[%mul3A_84, %dma_start3A_90] : memref<10112x128xf32, #tpu.memory_space<vmem_shared>> -> memref<632x128xf32, #tpu.memory_space<vmem_shared>>
        tpu.enqueue_dma source(%dma_start3A_91 : memref<632x128xf32, #tpu.memory_space<vmem_shared>>) target(%dma_start3A_89 : memref<632x128xf32, #tpu.memory_space<hbm>>) target_semaphore(%run_scoped3A : memref<!tpu.dma_semaphore, #tpu.memory_space<semaphore_mem>>)
        %dma_wait3A = arith.constant 0 : i32
        %dma_wait3A_92 = tpu.memref_slice %arg5[%arg0, %mul3A_86, %dma_wait3A] : memref<2x10000x128xf32, #tpu.memory_space<hbm>> -> memref<1x632x128xf32, #tpu.memory_space<hbm>>
        %dma_wait3A_93 = tpu.memref_squeeze %dma_wait3A_92 : memref<1x632x128xf32, #tpu.memory_space<hbm>> -> memref<632x128xf32, #tpu.memory_space<hbm>>
        %dma_wait3A_94 = arith.constant 0 : i32
        %dma_wait3A_95 = tpu.memref_slice %arg6[%mul3A_84, %dma_wait3A_94] : memref<10112x128xf32, #tpu.memory_space<vmem_shared>> -> memref<632x128xf32, #tpu.memory_space<vmem_shared>>
        tpu.wait_dma2 semaphore(%run_scoped3A : memref<!tpu.dma_semaphore, #tpu.memory_space<semaphore_mem>>) src(%dma_wait3A_95 : memref<632x128xf32, #tpu.memory_space<vmem_shared>>) dst(%dma_wait3A_93 : memref<632x128xf32, #tpu.memory_space<hbm>>)
        tpu.yield
      }) : () -> ()
    } else {
    }
    %eq3A = arith.constant 15 : i32
    %eq3A_79 = arith.cmpi eq, %arg1, %eq3A : i32
    %convert_element_type3A_80 = arith.extui %eq3A_79 : i1 to i32
    %cond3A_81 = arith.constant 0 : i32
    %cond3A_82 = arith.cmpi ne, %convert_element_type3A_80, %cond3A_81 : i32
    scf.if %cond3A_82 {
      "tpu.region"() ({
        %run_scoped3A = tpu.sem_alloc : memref<!tpu.dma_semaphore, #tpu.memory_space<semaphore_mem>>
        %dma_start3A_83 = arith.constant 9480 : i32
        %dma_start3A_84 = arith.constant 0 : i32
        %dma_start3A_85 = tpu.memref_slice %arg5[%arg0, %dma_start3A_83, %dma_start3A_84] : memref<2x10000x128xf32, #tpu.memory_space<hbm>> -> memref<1x520x128xf32, #tpu.memory_space<hbm>>
        %dma_start3A_86 = tpu.memref_squeeze %dma_start3A_85 : memref<1x520x128xf32, #tpu.memory_space<hbm>> -> memref<520x128xf32, #tpu.memory_space<hbm>>
        %dma_start3A_87 = arith.constant 9480 : i32
        %dma_start3A_88 = arith.constant 0 : i32
        %dma_start3A_89 = tpu.memref_slice %arg6[%dma_start3A_87, %dma_start3A_88] : memref<10112x128xf32, #tpu.memory_space<vmem_shared>> -> memref<520x128xf32, #tpu.memory_space<vmem_shared>>
        tpu.enqueue_dma source(%dma_start3A_89 : memref<520x128xf32, #tpu.memory_space<vmem_shared>>) target(%dma_start3A_86 : memref<520x128xf32, #tpu.memory_space<hbm>>) target_semaphore(%run_scoped3A : memref<!tpu.dma_semaphore, #tpu.memory_space<semaphore_mem>>)
        %dma_wait3A = arith.constant 9480 : i32
        %dma_wait3A_90 = arith.constant 0 : i32
        %dma_wait3A_91 = tpu.memref_slice %arg5[%arg0, %dma_wait3A, %dma_wait3A_90] : memref<2x10000x128xf32, #tpu.memory_space<hbm>> -> memref<1x520x128xf32, #tpu.memory_space<hbm>>
        %dma_wait3A_92 = tpu.memref_squeeze %dma_wait3A_91 : memref<1x520x128xf32, #tpu.memory_space<hbm>> -> memref<520x128xf32, #tpu.memory_space<hbm>>
        %dma_wait3A_93 = arith.constant 9480 : i32
        %dma_wait3A_94 = arith.constant 0 : i32
        %dma_wait3A_95 = tpu.memref_slice %arg6[%dma_wait3A_93, %dma_wait3A_94] : memref<10112x128xf32, #tpu.memory_space<vmem_shared>> -> memref<520x128xf32, #tpu.memory_space<vmem_shared>>
        tpu.wait_dma2 semaphore(%run_scoped3A : memref<!tpu.dma_semaphore, #tpu.memory_space<semaphore_mem>>) src(%dma_wait3A_95 : memref<520x128xf32, #tpu.memory_space<vmem_shared>>) dst(%dma_wait3A_92 : memref<520x128xf32, #tpu.memory_space<hbm>>)
        tpu.yield
      }) : () -> ()
    } else {
    }
    return
  }
}

module attributes {stable_mosaic.version = 14 : i64} {
  func.func @_scale_body(%arg0: i32, %arg1: memref<2x1000x1xf32, #tpu.memory_space<vmem>>, %arg2: memref<1000x128xf32, #tpu.memory_space<vmem>>, %arg3: memref<1000x128xf32, #tpu.memory_space<vmem>>, %arg4: memref<1000x1xf32, #tpu.memory_space<vmem>>) attributes {dimension_semantics = [#tpu.dimension_semantics<arbitrary>], iteration_bounds = array<i64: 10>, scalar_prefetch = 0 : i64, scratch_operands = 0 : i64, tpu.core_type = #tpu.core_type<tc>, window_params = [{transform_indices = @transform_0, window_bounds = array<i64: 2, 1000, 1>}, {transform_indices = @transform_1, window_bounds = array<i64: 1000, 128>}, {transform_indices = @transform_2, window_bounds = array<i64: 1000, 128>}, {transform_indices = @transform_3, window_bounds = array<i64: 1000, 1>}]} {
    %get3A = arith.constant 0 : index
    %get3A_0 = arith.constant 0 : index
    %get3A_1 = arith.constant 0 : index
    %get3A_2 = vector.load %arg1[%get3A, %get3A_0, %get3A_1] : memref<2x1000x1xf32, #tpu.memory_space<vmem>>, vector<1x1000x1xf32>
    %get3A_3 = vector.shape_cast %get3A_2 : vector<1x1000x1xf32> to vector<1000x1xf32>
    %get3A_4 = arith.constant 1 : index
    %get3A_5 = arith.constant 0 : index
    %get3A_6 = arith.constant 0 : index
    %get3A_7 = vector.load %arg1[%get3A_4, %get3A_5, %get3A_6] : memref<2x1000x1xf32, #tpu.memory_space<vmem>>, vector<1x1000x1xf32>
    %get3A_8 = vector.shape_cast %get3A_7 : vector<1x1000x1xf32> to vector<1000x1xf32>
    %add3A = arith.addf %get3A_3, %get3A_8 : vector<1000x1xf32>
    %add3A_9 = arith.constant 1.000000e+00 : f32
    %add3A_10 = vector.broadcast %add3A_9 : f32 to vector<1000x1xf32>
    %add3A_11 = arith.addf %add3A, %add3A_10 : vector<1000x1xf32>
    %rsqrt3A = math.rsqrt %add3A_11 : vector<1000x1xf32>
    %swap3A = arith.constant 0 : index
    %swap3A_12 = arith.constant 0 : index
    %swap3A_13 = vector.load %arg4[%swap3A, %swap3A_12] : memref<1000x1xf32, #tpu.memory_space<vmem>>, vector<1000x1xf32>
    tpu.vector_store %arg4[%swap3A, %swap3A_12], %rsqrt3A {strides = array<i32>} : memref<1000x1xf32, #tpu.memory_space<vmem>>, vector<1000x1xf32>,
    %get3A_14 = arith.constant 0 : index
    %get3A_15 = arith.constant 0 : index
    %get3A_16 = vector.load %arg2[%get3A_14, %get3A_15] : memref<1000x128xf32, #tpu.memory_space<vmem>>, vector<1000x128xf32>
    %mul3A = vector.broadcast %rsqrt3A : vector<1000x1xf32> to vector<1000x128xf32>
    %mul3A_17 = arith.mulf %get3A_16, %mul3A : vector<1000x128xf32>
    %swap3A_18 = arith.constant 0 : index
    %swap3A_19 = arith.constant 0 : index
    %swap3A_20 = vector.load %arg3[%swap3A_18, %swap3A_19] : memref<1000x128xf32, #tpu.memory_space<vmem>>, vector<1000x128xf32>
    tpu.vector_store %arg3[%swap3A_18, %swap3A_19], %mul3A_17 {strides = array<i32>} : memref<1000x128xf32, #tpu.memory_space<vmem>>, vector<1000x128xf32>,
    return
  }
  func.func @transform_0(%arg0: i32) -> (i32, i32, i32) {
    %c0_i32 = arith.constant 0 : i32
    %c0_i32_0 = arith.constant 0 : i32
    %c0_i32_1 = arith.constant 0 : i32
    return %c0_i32, %arg0, %c0_i32_0 : i32, i32, i32
  }
  func.func @transform_1(%arg0: i32) -> (i32, i32) {
    %c0_i32 = arith.constant 0 : i32
    %c0_i32_0 = arith.constant 0 : i32
    return %arg0, %c0_i32 : i32, i32
  }
  func.func @transform_2(%arg0: i32) -> (i32, i32) {
    %c0_i32 = arith.constant 0 : i32
    %c0_i32_0 = arith.constant 0 : i32
    return %arg0, %c0_i32 : i32, i32
  }
  func.func @transform_3(%arg0: i32) -> (i32, i32) {
    %c0_i32 = arith.constant 0 : i32
    %c0_i32_0 = arith.constant 0 : i32
    return %arg0, %c0_i32 : i32, i32
  }
}

module attributes {stable_mosaic.version = 14 : i64} {
  func.func @_mlp_body(%arg0: i32, %arg1: memref<2x1000x128xf32, #tpu.memory_space<vmem>>, %arg2: memref<1000x128xf32, #tpu.memory_space<vmem>>, %arg3: memref<1000x1xf32, #tpu.memory_space<vmem>>, %arg4: memref<128x128xf32, #tpu.memory_space<vmem>>, %arg5: memref<1x128xf32, #tpu.memory_space<vmem>>, %arg6: memref<128x128xf32, #tpu.memory_space<vmem>>, %arg7: memref<1000x128xf32, #tpu.memory_space<vmem>>) attributes {dimension_semantics = [#tpu.dimension_semantics<arbitrary>], iteration_bounds = array<i64: 10>, scalar_prefetch = 0 : i64, scratch_operands = 0 : i64, tpu.core_type = #tpu.core_type<tc>, window_params = [{transform_indices = @transform_0, window_bounds = array<i64: 2, 1000, 128>}, {transform_indices = @transform_1, window_bounds = array<i64: 1000, 128>}, {transform_indices = @transform_2, window_bounds = array<i64: 1000, 1>}, {pipeline_mode = #tpu.pipeline_mode<synchronous>, transform_indices = @transform_3, window_bounds = array<i64: 128, 128>}, {pipeline_mode = #tpu.pipeline_mode<synchronous>, transform_indices = @transform_4, window_bounds = array<i64: 1, 128>}, {pipeline_mode = #tpu.pipeline_mode<synchronous>, transform_indices = @transform_5, window_bounds = array<i64: 128, 128>}, {transform_indices = @transform_6, window_bounds = array<i64: 1000, 128>}]} {
    %get3A = arith.constant 0 : index
    %get3A_0 = arith.constant 0 : index
    %get3A_1 = arith.constant 0 : index
    %get3A_2 = vector.load %arg1[%get3A, %get3A_0, %get3A_1] : memref<2x1000x128xf32, #tpu.memory_space<vmem>>, vector<1x1000x128xf32>
    %get3A_3 = vector.shape_cast %get3A_2 : vector<1x1000x128xf32> to vector<1000x128xf32>
    %get3A_4 = arith.constant 1 : index
    %get3A_5 = arith.constant 0 : index
    %get3A_6 = arith.constant 0 : index
    %get3A_7 = vector.load %arg1[%get3A_4, %get3A_5, %get3A_6] : memref<2x1000x128xf32, #tpu.memory_space<vmem>>, vector<1x1000x128xf32>
    %get3A_8 = vector.shape_cast %get3A_7 : vector<1x1000x128xf32> to vector<1000x128xf32>
    %add3A = arith.addf %get3A_3, %get3A_8 : vector<1000x128xf32>
    %get3A_9 = arith.constant 0 : index
    %get3A_10 = arith.constant 0 : index
    %get3A_11 = vector.load %arg2[%get3A_9, %get3A_10] : memref<1000x128xf32, #tpu.memory_space<vmem>>, vector<1000x128xf32>
    %add3A_12 = arith.addf %add3A, %get3A_11 : vector<1000x128xf32>
    %get3A_13 = arith.constant 0 : index
    %get3A_14 = arith.constant 0 : index
    %get3A_15 = vector.load %arg3[%get3A_13, %get3A_14] : memref<1000x1xf32, #tpu.memory_space<vmem>>, vector<1000x1xf32>
    %mul3A = vector.broadcast %get3A_15 : vector<1000x1xf32> to vector<1000x128xf32>
    %mul3A_16 = arith.mulf %add3A_12, %mul3A : vector<1000x128xf32>
    %get3A_17 = arith.constant 0 : index
    %get3A_18 = arith.constant 0 : index
    %get3A_19 = vector.load %arg4[%get3A_17, %get3A_18] : memref<128x128xf32, #tpu.memory_space<vmem>>, vector<128x128xf32>
    %dot_general3A = arith.constant dense<0.000000e+00> : vector<1000x128xf32>
    %dot_general3A_20 = tpu.matmul %mul3A_16, %get3A_19, %dot_general3A {dimension_numbers = #tpu.dot_dimension_numbers<[1], [0], [0], [1], [0, 0, 1, 1], [], []>, transpose_lhs_hint = false} : vector<1000x128xf32>, vector<128x128xf32>, vector<1000x128xf32> -> vector<1000x128xf32>
    %get3A_21 = arith.constant 0 : index
    %get3A_22 = arith.constant 0 : index
    %get3A_23 = vector.load %arg5[%get3A_21, %get3A_22] : memref<1x128xf32, #tpu.memory_space<vmem>>, vector<1x128xf32>
    %add3A_24 = vector.broadcast %get3A_23 : vector<1x128xf32> to vector<1000x128xf32>
    %add3A_25 = arith.addf %dot_general3A_20, %add3A_24 : vector<1000x128xf32>
    %ge3A = arith.constant 0.000000e+00 : f32
    %ge3A_26 = vector.broadcast %ge3A : f32 to vector<1000x128xf32>
    %ge3A_27 = arith.cmpf oge, %add3A_25, %ge3A_26 : vector<1000x128xf32>
    %mul3A_28 = arith.constant 2.000000e-01 : f32
    %mul3A_29 = vector.broadcast %mul3A_28 : f32 to vector<1000x128xf32>
    %mul3A_30 = arith.mulf %mul3A_29, %add3A_25 : vector<1000x128xf32>
    %select_n3A = arith.select %ge3A_27, %add3A_25, %mul3A_30 : vector<1000x128xi1>, vector<1000x128xf32>
    %get3A_31 = arith.constant 0 : index
    %get3A_32 = arith.constant 0 : index
    %get3A_33 = vector.load %arg6[%get3A_31, %get3A_32] : memref<128x128xf32, #tpu.memory_space<vmem>>, vector<128x128xf32>
    %dot_general3A_34 = arith.constant dense<0.000000e+00> : vector<1000x128xf32>
    %dot_general3A_35 = tpu.matmul %select_n3A, %get3A_33, %dot_general3A_34 {dimension_numbers = #tpu.dot_dimension_numbers<[1], [0], [0], [1], [0, 0, 1, 1], [], []>, transpose_lhs_hint = false} : vector<1000x128xf32>, vector<128x128xf32>, vector<1000x128xf32> -> vector<1000x128xf32>
    %get3A_36 = arith.constant 0 : index
    %get3A_37 = arith.constant 0 : index
    %get3A_38 = vector.load %arg3[%get3A_36, %get3A_37] : memref<1000x1xf32, #tpu.memory_space<vmem>>, vector<1000x1xf32>
    %mul3A_39 = vector.broadcast %get3A_38 : vector<1000x1xf32> to vector<1000x128xf32>
    %mul3A_40 = arith.mulf %dot_general3A_35, %mul3A_39 : vector<1000x128xf32>
    %swap3A = arith.constant 0 : index
    %swap3A_41 = arith.constant 0 : index
    %swap3A_42 = vector.load %arg7[%swap3A, %swap3A_41] : memref<1000x128xf32, #tpu.memory_space<vmem>>, vector<1000x128xf32>
    tpu.vector_store %arg7[%swap3A, %swap3A_41], %mul3A_40 {strides = array<i32>} : memref<1000x128xf32, #tpu.memory_space<vmem>>, vector<1000x128xf32>,
    return
  }
  func.func @transform_0(%arg0: i32) -> (i32, i32, i32) {
    %c0_i32 = arith.constant 0 : i32
    %c0_i32_0 = arith.constant 0 : i32
    %c0_i32_1 = arith.constant 0 : i32
    return %c0_i32, %arg0, %c0_i32_0 : i32, i32, i32
  }
  func.func @transform_1(%arg0: i32) -> (i32, i32) {
    %c0_i32 = arith.constant 0 : i32
    %c0_i32_0 = arith.constant 0 : i32
    return %arg0, %c0_i32 : i32, i32
  }
  func.func @transform_2(%arg0: i32) -> (i32, i32) {
    %c0_i32 = arith.constant 0 : i32
    %c0_i32_0 = arith.constant 0 : i32
    return %arg0, %c0_i32 : i32, i32
  }
  func.func @transform_3(%arg0: i32) -> (i32, i32) {
    %c0_i32 = arith.constant 0 : i32
    %c0_i32_0 = arith.constant 0 : i32
    %c0_i32_1 = arith.constant 0 : i32
    return %c0_i32, %c0_i32_0 : i32, i32
  }
  func.func @transform_4(%arg0: i32) -> (i32, i32) {
    %c0_i32 = arith.constant 0 : i32
    %c0_i32_0 = arith.constant 0 : i32
    %c0_i32_1 = arith.constant 0 : i32
    return %c0_i32, %c0_i32_0 : i32, i32
  }
  func.func @transform_5(%arg0: i32) -> (i32, i32) {
    %c0_i32 = arith.constant 0 : i32
    %c0_i32_0 = arith.constant 0 : i32
    %c0_i32_1 = arith.constant 0 : i32
    return %c0_i32, %c0_i32_0 : i32, i32
  }
  func.func @transform_6(%arg0: i32) -> (i32, i32) {
    %c0_i32 = arith.constant 0 : i32
    %c0_i32_0 = arith.constant 0 : i32
    return %arg0, %c0_i32 : i32, i32
  }
}

module attributes {stable_mosaic.version = 14 : i64} {
  func.func @_fin_body(%arg0: i32, %arg1: memref<2x1000x128xf32, #tpu.memory_space<vmem>>, %arg2: memref<1000x128xf32, #tpu.memory_space<vmem>>, %arg3: memref<1000x1xf32, #tpu.memory_space<vmem>>, %arg4: memref<1x16xf32, #tpu.memory_space<vmem>>, %arg5: memref<1000x16xf32, #tpu.memory_space<vmem>>) attributes {dimension_semantics = [#tpu.dimension_semantics<arbitrary>], iteration_bounds = array<i64: 10>, scalar_prefetch = 0 : i64, scratch_operands = 0 : i64, tpu.core_type = #tpu.core_type<tc>, window_params = [{transform_indices = @transform_0, window_bounds = array<i64: 2, 1000, 128>}, {transform_indices = @transform_1, window_bounds = array<i64: 1000, 128>}, {transform_indices = @transform_2, window_bounds = array<i64: 1000, 1>}, {pipeline_mode = #tpu.pipeline_mode<synchronous>, transform_indices = @transform_3, window_bounds = array<i64: 1, 16>}, {transform_indices = @transform_4, window_bounds = array<i64: 1000, 16>}]} {
    %get3A = arith.constant 0 : index
    %get3A_0 = arith.constant 0 : index
    %get3A_1 = arith.constant 0 : index
    %get3A_2 = vector.load %arg1[%get3A, %get3A_0, %get3A_1] : memref<2x1000x128xf32, #tpu.memory_space<vmem>>, vector<1x1000x16xf32>
    %get3A_3 = vector.shape_cast %get3A_2 : vector<1x1000x16xf32> to vector<1000x16xf32>
    %get3A_4 = arith.constant 1 : index
    %get3A_5 = arith.constant 0 : index
    %get3A_6 = arith.constant 0 : index
    %get3A_7 = vector.load %arg1[%get3A_4, %get3A_5, %get3A_6] : memref<2x1000x128xf32, #tpu.memory_space<vmem>>, vector<1x1000x16xf32>
    %get3A_8 = vector.shape_cast %get3A_7 : vector<1x1000x16xf32> to vector<1000x16xf32>
    %add3A = arith.addf %get3A_3, %get3A_8 : vector<1000x16xf32>
    %get3A_9 = arith.constant 0 : index
    %get3A_10 = arith.constant 0 : index
    %get3A_11 = vector.load %arg2[%get3A_9, %get3A_10] : memref<1000x128xf32, #tpu.memory_space<vmem>>, vector<1000x16xf32>
    %add3A_12 = arith.addf %add3A, %get3A_11 : vector<1000x16xf32>
    %get3A_13 = arith.constant 0 : index
    %get3A_14 = arith.constant 0 : index
    %get3A_15 = vector.load %arg3[%get3A_13, %get3A_14] : memref<1000x1xf32, #tpu.memory_space<vmem>>, vector<1000x1xf32>
    %mul3A = vector.broadcast %get3A_15 : vector<1000x1xf32> to vector<1000x16xf32>
    %mul3A_16 = arith.mulf %add3A_12, %mul3A : vector<1000x16xf32>
    %get3A_17 = arith.constant 0 : index
    %get3A_18 = arith.constant 0 : index
    %get3A_19 = vector.load %arg4[%get3A_17, %get3A_18] : memref<1x16xf32, #tpu.memory_space<vmem>>, vector<1x16xf32>
    %add3A_20 = vector.broadcast %get3A_19 : vector<1x16xf32> to vector<1000x16xf32>
    %add3A_21 = arith.addf %mul3A_16, %add3A_20 : vector<1000x16xf32>
    %reduce_max3A = arith.constant dense<0xFF800000> : vector<1000xf32>
    %reduce_max3A_22 = vector.multi_reduction <maximumf>, %add3A_21, %reduce_max3A [1] : vector<1000x16xf32> to vector<1000xf32>
    %broadcast_in_dim3A = vector.shape_cast %reduce_max3A_22 : vector<1000xf32> to vector<1000x1xf32>
    %sub3A = vector.broadcast %broadcast_in_dim3A : vector<1000x1xf32> to vector<1000x16xf32>
    %sub3A_23 = arith.subf %add3A_21, %sub3A : vector<1000x16xf32>
    %exp3A = math.exp %sub3A_23 : vector<1000x16xf32>
    %reduce_sum3A = arith.constant dense<0.000000e+00> : vector<1000xf32>
    %reduce_sum3A_24 = vector.multi_reduction <add>, %exp3A, %reduce_sum3A [1] : vector<1000x16xf32> to vector<1000xf32>
    %broadcast_in_dim3A_25 = vector.shape_cast %reduce_sum3A_24 : vector<1000xf32> to vector<1000x1xf32>
    %div3A = vector.broadcast %broadcast_in_dim3A_25 : vector<1000x1xf32> to vector<1000x16xf32>
    %div3A_26 = arith.divf %exp3A, %div3A : vector<1000x16xf32>
    %swap3A = arith.constant 0 : index
    %swap3A_27 = arith.constant 0 : index
    %swap3A_28 = vector.load %arg5[%swap3A, %swap3A_27] : memref<1000x16xf32, #tpu.memory_space<vmem>>, vector<1000x16xf32>
    tpu.vector_store %arg5[%swap3A, %swap3A_27], %div3A_26 {strides = array<i32>} : memref<1000x16xf32, #tpu.memory_space<vmem>>, vector<1000x16xf32>,
    return
  }
  func.func @transform_0(%arg0: i32) -> (i32, i32, i32) {
    %c0_i32 = arith.constant 0 : i32
    %c0_i32_0 = arith.constant 0 : i32
    %c0_i32_1 = arith.constant 0 : i32
    return %c0_i32, %arg0, %c0_i32_0 : i32, i32, i32
  }
  func.func @transform_1(%arg0: i32) -> (i32, i32) {
    %c0_i32 = arith.constant 0 : i32
    %c0_i32_0 = arith.constant 0 : i32
    return %arg0, %c0_i32 : i32, i32
  }
  func.func @transform_2(%arg0: i32) -> (i32, i32) {
    %c0_i32 = arith.constant 0 : i32
    %c0_i32_0 = arith.constant 0 : i32
    return %arg0, %c0_i32 : i32, i32
  }
  func.func @transform_3(%arg0: i32) -> (i32, i32) {
    %c0_i32 = arith.constant 0 : i32
    %c0_i32_0 = arith.constant 0 : i32
    %c0_i32_1 = arith.constant 0 : i32
    return %c0_i32, %c0_i32_0 : i32, i32
  }
  func.func @transform_4(%arg0: i32) -> (i32, i32) {
    %c0_i32 = arith.constant 0 : i32
    %c0_i32_0 = arith.constant 0 : i32
    return %arg0, %c0_i32 : i32, i32
  }
}

</mosaic_0001>

<sc_bundles>
// kernel: kernel.11.cloned.1.call-start
scs
__scs_entry_jumppad:
0x0: {  	(pc) =	sbr.rel $0x88, $3  }
0x1: {  	(tag) =	ssettag $0x0;
	lr =	simm.s32 $0x1  }
0x2: {  	[smem:$0x3F9B] =	sst lr;
	_ =	strace $0xD0000000  }
0x3: {  	_ = 	snop  }
0x4: {  	_ = 	snop  }
0x5: {  	_ = 	snop  }
0x6: {  	_ = 	snop  }
0x7: {  	_ = 	snop  }
__scs_overlays_trampoline_lowered:
0x8: {  	[smem:$0x3FAA] =	sst s0  }
0x9: {  	[smem:$0x3FAB] =	sst s1  }
0xa: {  	[smem:$0x3FAC] =	sst s2  }
0xb: {  	[smem:$0x3FAD] =	sst s3  }
0xc: {  	[smem:$0x3FAE] =	sst s4  }
0xd: {  	[smem:$0x3FAF] =	sst s5  }
0xe: {  	[smem:$0x3FB0] =	sst s6  }
0xf: {  	[smem:$0x3FB1] =	sst s7  }
0x10: {  	[smem:$0x3FB2] =	sst s8  }
0x11: {  	[smem:$0x3FB3] =	sst s9;
	s0 =	simm.s32 @!p0 $0x0  }
0x12: {  	s1 =	sld [smem:$0x3F99];
	s0 =	simm.s32 @p0 $0x1  }
0x13: {  	[smem:$0x3FB4] =	sst s0;
	s0 =	simm.s32 @!p1 $0x0  }
0x14: {  	s2 =	sld [smem:$0x3F98];
	s0 =	simm.s32 @p1 $0x1  }
0x15: {  	[smem:$0x3FB5] =	sst s0;
	s0 =	simm.s32 @!p2 $0x0  }
0x16: {  	s3 =	sld [smem:$0x3FDB];
	s0 =	simm.s32 @p2 $0x1  }
0x17: {  	s4 =	simm.s32 $0x1BF5;
	[smem:$0x3FB7] =	sst s0  }
0x18: {  	s0 =	sld [smem:$0x3F9A];
	_ =	swait.ge [sflag:s4], $0x0  }
0x19: {  	s7 =	sld [smem:$0x3F9B]  }
0x1a: {  	s8 =	sadd.s32 $0xFFFFE003, lr  }
0x1b: {  	s9 =	sadd.s32 $0xFFFFFEF7, lr;
	s5 =	simm.s32 $0xFFFFFFFF;
	p2 =	slt.u32 s8, $0xFFFFF086  }
0x1c: {  	p1 =	slt.u32 s9, $0xF7A;
	s5 =	simm.s32 @!p2 $0x0  }
0x1d: {  	s5 =	simm.s32 @p1 $0x1;
	p0 =	seq.s32 s7, s2  }
0x1e: {  	s7 =	smul.u32 @!p0 $0xF7A, s2;
	p2 =	seq.s32 @!p0 s5, $0x0  }
0x1f: {  	s9 =	smul.u32 $0xF7A, s1;
	s8 =	simm.s32 @!p0 $0x1BF5;
	p2 =	por !p2, p0  }
0x20: {  	[sflag:s8] =	ssyncset.s32 @!p0 $0xFFFFF086;
	s6 =	sadd.s32 @!p0 s3, s7;
	s7 =	simm.s32 @!p0 $0x108  }
0x21: {  	s3 =	sadd.s32 s3, s9;
	s6 =	sadd.s32 @!p0 $0x88, s6;
	s7 =	simm.s32 @p2 $0x1082  }
0x22: {  	[simem:s7], [sflag:s8] =	dma.local @!p0 [hbm:s6], $0xF7A  }
0x23: {  	s9 =	sor.u32 $0xD0000000, s2;
	s6 =	simm.s32 $0x108;
	_ =	swait.ge @!p0 [sflag:s8], $0x0  }
0x24: {  	s3 =	sadd.s32 $0x88, s3;
	s6 =	simm.s32 @!p1 $0x1082;
	[sflag:s4] =	ssyncset.s32 $0xFFFFF086  }
0x25: {  	[simem:s6], [sflag:s4] =	dma.local [hbm:s3], $0xF7A  }
0x26: {  	[smem:$0x3F9B] =	sst s1;
	(tag) =	ssettag s2;
	_ =	strace s9  }
0x27: {  	s1 =	sld [smem:$0x3FAB]  }
0x28: {  	s2 =	sld [smem:$0x3FAC]  }
0x29: {  	s4 =	sld [smem:$0x3FAE]  }
0x2a: {  	p0 =	seq.s32 s5, $0x0;
	s5 =	sld [smem:$0x3FAF]  }
0x2b: {  	s6 =	sld [smem:$0x3FB0]  }
0x2c: {  	s7 =	sld [smem:$0x3FB1]  }
0x2d: {  	s3 =	simm.s32 $0x108;
	s8 =	sld [smem:$0x3FB2]  }
0x2e: {  	s3 =	simm.s32 @!p0 $0x1082;
	s9 =	sld [smem:$0x3FB3]  }
0x2f: {  	lr =	sadd.s32 s0, s3;
	s0 =	sld [smem:$0x3FAA]  }
0x30: {  	s3 =	sld [smem:$0x3FAD]  }
0x31: {  	[smem:$0x3FB6] =	sst s10  }
0x32: {  	s10 =	sld [smem:$0x3FB4];
	_ =	sdelay $0x3  }
0x33: {  	p0 =	seq.s32 s10, $0x1;
	s10 =	sld [smem:$0x3FB6];
	_ =	sdelay $0x3  }
0x34: {  	[smem:$0x3FB6] =	sst s10  }
0x35: {  	s10 =	sld [smem:$0x3FB5];
	_ =	sdelay $0x3  }
0x36: {  	p1 =	seq.s32 s10, $0x1;
	s10 =	sld [smem:$0x3FB6];
	_ =	sdelay $0x3  }
0x37: {  	[smem:$0x3FB6] =	sst s10  }
0x38: {  	s10 =	sld [smem:$0x3FB7]  }
0x39: {  	_ = 	snop;
	(pc) =	sbr.ind lr, $3  }
0x3a: {  	_ = 	snop  }
0x3b: {  	_ = 	snop  }
0x3c: {  	p2 =	seq.s32 s10, $0x1;
	s10 =	sld [smem:$0x3FB6]  }
0x3d: {  	_ =	shalt  }
0x3e: {  	_ =	shalt  }
0x3f: {  	_ =	shalt  }
0x40: {  	_ =	shalt  }
0x41: {  	_ =	shalt  }
0x42: {  	_ =	shalt  }
0x43: {  	_ =	shalt  }
0x44: {  	_ =	shalt  }
0x45: {  	_ =	shalt  }
0x46: {  	_ =	shalt  }
0x47: {  	_ =	shalt  }
0x48: {  	_ =	shalt  }
0x49: {  	_ =	shalt  }
0x4a: {  	_ =	shalt  }
0x4b: {  	_ =	shalt  }
0x4c: {  	_ =	shalt  }
0x4d: {  	_ =	shalt  }
0x4e: {  	_ =	shalt  }
0x4f: {  	_ =	shalt  }
0x50: {  	_ =	shalt  }
0x51: {  	_ =	shalt  }
0x52: {  	_ =	shalt  }
0x53: {  	_ =	shalt  }
0x54: {  	_ =	shalt  }
0x55: {  	_ =	shalt  }
0x56: {  	_ =	shalt  }
0x57: {  	_ =	shalt  }
0x58: {  	_ =	shalt  }
0x59: {  	_ =	shalt  }
0x5a: {  	_ =	shalt  }
0x5b: {  	_ =	shalt  }
0x5c: {  	_ =	shalt  }
0x5d: {  	_ =	shalt  }
0x5e: {  	_ =	shalt  }
0x5f: {  	_ =	shalt  }
0x60: {  	_ =	shalt  }
0x61: {  	_ =	shalt  }
0x62: {  	_ =	shalt  }
0x63: {  	_ =	shalt  }
0x64: {  	_ =	shalt  }
0x65: {  	_ =	shalt  }
0x66: {  	_ =	shalt  }
0x67: {  	_ =	shalt  }
0x68: {  	_ =	shalt  }
0x69: {  	_ =	shalt  }
0x6a: {  	_ =	shalt  }
0x6b: {  	_ =	shalt  }
0x6c: {  	_ =	shalt  }
0x6d: {  	_ =	shalt  }
0x6e: {  	_ =	shalt  }
0x6f: {  	_ =	shalt  }
0x70: {  	_ =	shalt  }
0x71: {  	_ =	shalt  }
0x72: {  	_ =	shalt  }
0x73: {  	_ =	shalt  }
0x74: {  	_ =	shalt  }
0x75: {  	_ =	shalt  }
0x76: {  	_ =	shalt  }
0x77: {  	_ =	shalt  }
0x78: {  	_ =	shalt  }
0x79: {  	_ =	shalt  }
0x7a: {  	_ =	shalt  }
0x7b: {  	_ =	shalt  }
0x7c: {  	_ =	shalt  }
0x7d: {  	_ =	shalt  }
0x7e: {  	_ =	shalt  }
0x7f: {  	_ =	shalt  }
0x80: {  	_ =	shalt  }
0x81: {  	_ =	shalt  }
0x82: {  	_ =	shalt  }
0x83: {  	_ =	shalt  }
0x84: {  	_ =	shalt  }
0x85: {  	_ =	shalt  }
0x86: {  	_ =	shalt  }
0x87: {  	_ =	shalt  }
.Lfunc_end0:
.L_simem_size_0:
called_computation.1_lowered:
.L_overlay_start_0:
0x88: {  	s2 =	sld [smem:$0x3FD9]  }
0x89: {  	s3 =	sld [smem:$0x3FFE];
	_ =	sdelay $0x1  }
0x8a: {  	s1 =	srdreg.scid  }
0x8b: {  	s0 =	sand.u32 $0x1, s1  }
0x8c: {  	s16 =	sshll.u32 s0, $0xA;
	s2 =	sadd.s32 s3, s2  }
0x8d: {  	s2 =	sadd.s32 s2, s16  }
0x8e: {  	[smem:$0x3FC2] =	sst s2  }
0x8f: {  	_ = 	snop  }
0x90: {  	(tm) =	ssettm $0x1  }
0x91: {  	s17 =	sld [smem:$0x3FFB];
	_ =	sdelay $0x3  }
0x92: {  	_ =	strace s17  }
0x93: {  	s2 =	sld [smem:$0x3FFC];
	_ =	sdelay $0x3  }
0x94: {  	_ =	strace s2  }
0x95: {  	s2 =	sld [smem:$0x3FFD];
	_ =	sdelay $0x3  }
0x96: {  	_ =	strace s2  }
0x97: {  	_ =	strace $0x8FFFFFFF  }
0x98: {  	s18 =	sld [smem:$0x3FDB];
	_ =	sdelay $0x1  }
0x99: {  	s19 =	simm.s32 $_scs_section_size  }
0x9a: {  	s4 =	simm.s32 $_size__tile_overlayer_lowered;
	s5 =	simm.s32 $_tile_overlayer_lowered  }
0x9b: {  	s22 =	simm.s32 $0x1BFF;
	s21 =	sshll.u32 s5, $0x1;
	s2 =	sadd.s32 s19, s18  }
0x9c: {  	s6 =	simm.s32 $0x0;
	s20 =	sshll.u32 s4, $0x1;
	s4 =	sadd.s32 s21, s2  }
0x9d: {  	[timem:s6], [sflag:s22] =	dma.local [hbm:s4], s20  }
0x9e: {  	_ =	swait.ge [sflag:s22], s20  }
0x9f: {  	s3 =	ssub.s32 $0x0, s20;
	[sflag:s22] =	ssyncset.done $0x0  }
0xa0: {  	[sflag:s22] =	ssyncadd.s32 s3;
	_ =	sdelay $0x1  }
0xa1: {  	s23 =	simm.s32 $0x1B8B  }
0xa2: {  	_ =	swait.ge [sflag:s23], $0x1  }
0xa3: {  	[sflag:s23] =	ssyncset.done $0x0  }
0xa4: {  	s25 =	simm.s32 $0x1B8E;
	s24 =	sld [smem:$0x3FFE];
	[sflag:s23] =	ssyncadd.s32 $0xFFFFFFFF  }
0xa5: {  	s26 =	simm.s32 $execute0_lowered;
	[smem:$0x3FD2] =	sst s25  }
0xa6: {  	s4 =	sshll.u32 s26, $0x1;
	_ =	strace $0x80000049;
	[dreg:$0x1] =	wrdreg $0xFFFFFFFF  }
0xa7: {  	s28 =	simm.s32 $_size_execute0_lowered;
	s2 =	sadd.s32 s2, s4;
	[dreg:$0x0] =	wrdreg $0x0  }
0xa8: {  	s4 =	sshll.u32 s28, $0x1;
	[dreg:$0x2] =	wrdreg s2  }
0xa9: {  	[dreg:$0x3] =	wrdreg s4  }
0xaa: {  	[dreg:$0x4] =	wrdreg $0xC0  }
0xab: {  	_ =	task [dreg:s6], $0x5FFFF  }
0xac: {  	[dreg:$0x1] =	wrdreg $0xFFFFFFFF  }
0xad: {  	[dreg:$0x0] =	wrdreg $0x60  }
0xae: {  	[dreg:$0x2] =	wrdreg s24  }
0xaf: {  	[dreg:$0x3] =	wrdreg $0x0  }
0xb0: {  	[dreg:$0x4] =	wrdreg $0x9  }
0xb1: {  	_ =	task.clear_ibuf [dreg:s6], $0x5FFFF;
	_ =	strace $0x90000049  }
0xb2: {  	s29 =	simm.s32 $0x9;
	_ =	strace $0x8000004B  }
0xb3: {  	_ =	swait.ge [sflag:s29], $0x1  }
0xb4: {  	[sflag:s29] =	ssyncadd.s32 $0xFFFFFFFF  }
0xb5: {  	_ =	strace $0x9000004B  }
0xb6: {  	_ =	sfence  }
0xb7: {  	s30 =	sld [smem:$0x0];
	_ =	sdelay $0x2  }
0xb8: {  	s31 =	sshll.u32 s1, $0xD;
	s1 =	sshrl.u32 s1, $0x2  }
0xb9: {  	s3 =	sand.u32 $0x4000, s31;
	s1 =	sadd.s32 s1, s30  }
0xba: {  	s0 =	sor.u32 s3, s0;
	s1 =	sshll.u32 s1, $0x11  }
0xbb: {  	s0 =	sor.u32 s1, s0  }
0xbc: {  	s0 =	sadd.s32 $0x8F2B, s0  }
0xbd: {  	[sflag:s0] =	ssyncadd.remote.s32 $0x1  }
0xbe: {  	_ =	sfence.sel $0xFFFF  }
0xbf: {  	[dreg:$0x0] =	wrdreg $0xFFFFFFFF;
	(pc) =	sbr.abs _section_cstart, $3  }
0xc0: {  	[dreg:$0x1] =	wrdreg $0xFFFFFFFF  }
0xc1: {  	_ =	task.clear_ibuf [dreg:s6], $0x2FFFF;
	_ =	strace $0x9FFFFFFF  }
0xc2: {  	(tm) =	ssettm $0x7FFFFFFF  }
0xc3: {  	_ =	shalt  }
tec
execute0_lowered:
.L_overlay_start_1:
0x0: {  	(tag) =	ssettag $0x1  }
0x1: {  	s5 =	rddreg [dreg:$0x0]  }
0x2: {  	s1 =	rddreg [dreg:$0x1];
	s2 =	simm.s32 $0x0;
	s6 =	srdreg.scid  }
0x3: {  	s3 =	stileid.u32;
	s19 =	simm.s32 $0x13C00;
	s20 =	simm.s32 $0x15000  }
0x4: {  	s21 =	simm.s32 $0x80;
	s22 =	simm.s32 $0x13C80;
	s23 =	simm.s32 $0x1A400  }
0x5: {  	s24 =	simm.s32 $0x1;
	s26 =	simm.s32 $0x2;
	s28 =	simm.s32 $0x16300  }
0x6: {  	s29 =	simm.s32 $0x16380;
	[smem:$0x7FF] =	sst s2;
	s4 =	sadd.s32 $0x16600, s5  }
0x7: {  	s12 =	sadd.s32 $0xC600, s5;
	s8 =	sand.u32 $0x1, s6;
	s13 =	sadd.s32 $0x2600, s5  }
0x8: {  	s30 =	smul.u32 $0x4F000, s3;
	s14 =	sadd.s32 $0x3D800, s5;
	s25 =	sadd.s32 $0x128400, s1  }
0x9: {  	s18 =	smul.u32 $0x13C00, s3;
	p0 =	seq.s32 s3, $0xF;
	_ =	strace $0x8000004A  }
0xa: {  	s7 =	sshll.u32 s8, $0x4;
	s31 =	ssub.s32 $0x2, s8;
	s17 =	smul.u32 $0x138800, s8  }
0xb: {  	s25 =	sshrl.u32 @p0 s25, $0x3;
	s7 =	sor.u32 s3, s7;
	s9 =	sshrl.u32 s31, $0x1  }
0xc: {  	s6 =	sshrl.u32 s30, $0x2;
	s11 =	smul.u32 $0x500, s7;
	s16 =	ssub.s32 s31, s9  }
0xd: {  	s5 =	sadd.s32 s6, s1;
	s15 =	smul.u32 $0x2800, s7;
	s18 =	sadd.s32 s18, s17  }
0xe: {  	s17 =	sshrl.u32 s17, $0x3;
	s6 =	sadd.s32 $0x4000, s5;
	s7 =	sadd.s32 $0x8000, s5  }
0xf: {  	s8 =	sadd.s32 $0xC000, s5;
	s9 =	sadd.s32 $0x10000, s5;
	s18 =	sshrl.u32 s18, $0x3  }
0x10: {  	s17 =	sadd.s32 s14, s17;
	s16 =	smax.u32 s16, $0x1;
	s15 =	sshrl.u32 s15, $0x3  }
0x11: {  	s10 =	sadd.s32 s12, s11;
	s11 =	sadd.s32 s13, s11;
	s15 =	sadd.s32 $0x280, s15  }
0x12: {  	s14 =	sadd.s32 s14, s18;
	s18 =	simm.s32 $0x3;
	s12 =	sadd.s32 s12, s15  }
0x13: {  	v0 =	vimm.f32 $0.0e+00;
	s13 =	sadd.s32 s13, s15;
	s15 =	sadd.s32 $0x25080, s17;
	s17 =	simm.s32 $0x16400  }
.LBB2_1:
0x14: {  	s30 =	simm.s32 $0x0;
	s31 =	simm.s32 $0x200  }
.LBB2_2:
0x15: {  	p1 =	sne.s32 s31, $0xFE00;
	[tilespmem:s30+$0x16470] =	vst v0  }
0x16: {  	[tilespmem:s30+$0x16400] =	vst v0  }
0x17: {  	[tilespmem:s30+$0x16410] =	vst v0  }
.Ltmp0:
0x18: {  	[tilespmem:s30+$0x16420] =	vst v0;
	(pc) =	sbr.rel @p1 .LBB2_2-.Ltmp0, $4  }
0x19: {  	[tilespmem:s30+$0x16430] =	vst v0  }
0x1a: {  	[tilespmem:s30+$0x16440] =	vst v0  }
0x1b: {  	[tilespmem:s30+$0x16450] =	vst v0  }
0x1c: {  	[tilespmem:s30+$0x16460] =	vst v0;
	s30 =	sshra.s32 s31, $0x2;
	s31 =	sadd.s32 $0x200, s31  }
0x1d: {  	[tilespmem:s30+$0x16470] =	vst v0  }
0x1e: {  	[tilespmem:s30+$0x16400] =	vst v0  }
0x1f: {  	[tilespmem:s30+$0x16410] =	vst v0  }
0x20: {  	[tilespmem:s30+$0x16420] =	vst v0  }
0x21: {  	[tilespmem:s30+$0x16430] =	vst v0  }
0x22: {  	[tilespmem:s30+$0x16440] =	vst v0  }
0x23: {  	[tilespmem:s30+$0x16450] =	vst v0  }
0x24: {  	[tilespmem:s30+$0x16460] =	vst v0  }
0x25: {  	[spmem:s5] =	stream.linear.scatter [tilespmem:s17], [sflag:$0x3], $0x4000, $0x38;
	[tilespmem:$0x1E400] =	vst v63  }
0x26: {  	_ =	swait.ge [sflag:s18], $0x4000  }
0x27: {  	[sflag:s18] =	ssyncset.done $0x0  }
0x28: {  	[sflag:s18] =	ssyncadd.s32 $0xFFFFC000  }
0x29: {  	[spmem:s6] =	stream.linear.scatter [tilespmem:s17], [sflag:$0x3], $0x4000, $0x38;
	[tilespmem:$0x1E400] =	vst v63  }
0x2a: {  	_ =	swait.ge [sflag:s18], $0x4000  }
0x2b: {  	[sflag:s18] =	ssyncset.done $0x0  }
0x2c: {  	[sflag:s18] =	ssyncadd.s32 $0xFFFFC000  }
0x2d: {  	[spmem:s7] =	stream.linear.scatter [tilespmem:s17], [sflag:$0x3], $0x4000, $0x38;
	[tilespmem:$0x1E400] =	vst v63  }
0x2e: {  	_ =	swait.ge [sflag:s18], $0x4000  }
0x2f: {  	[sflag:s18] =	ssyncset.done $0x0  }
0x30: {  	[sflag:s18] =	ssyncadd.s32 $0xFFFFC000  }
0x31: {  	[spmem:s8] =	stream.linear.scatter [tilespmem:s17], [sflag:$0x3], $0x4000, $0x38;
	[tilespmem:$0x1E400] =	vst v63  }
0x32: {  	_ =	swait.ge [sflag:s18], $0x4000  }
0x33: {  	[sflag:s18] =	ssyncset.done $0x0  }
0x34: {  	[sflag:s18] =	ssyncadd.s32 $0xFFFFC000  }
0x35: {  	[spmem:s9] =	stream.linear.scatter [tilespmem:s17], [sflag:$0x3], $0x3C00, $0x38;
	[tilespmem:$0x1E400] =	vst v63  }
0x36: {  	_ =	swait.ge [sflag:s18], $0x3C00  }
0x37: {  	[sflag:s18] =	ssyncset.done $0x0  }
0x38: {  	[sflag:s18] =	ssyncadd.s32 $0xFFFFC400  }
0x39: {  	s30 =	simm.s32 $0x0;
	[bflag:$0x0] =	sbarrier.arrive $0xFFFF  }
0x3a: {  	[tilespmem:s19], [sflag:$0x3] =	stream.linear.gather [hbm4b:s10+s30], $0x1400, $0x38;
	[tilespmem:$0x1E400] =	vst v63  }
0x3b: {  	_ =	swait.ge [sflag:s18], $0x1400  }
0x3c: {  	[sflag:s18] =	ssyncset.done $0x0  }
0x3d: {  	[sflag:s18] =	ssyncadd.s32 $0xFFFFEC00  }
0x3e: {  	[tilespmem:s20], [sflag:$0x3] =	stream.linear.gather [hbm4b:s11+s30], $0x1400, $0x38;
	[tilespmem:$0x1E400] =	vst v63  }
0x3f: {  	_ =	swait.ge [sflag:s18], $0x1400  }
0x40: {  	[sflag:s18] =	ssyncset.done $0x0  }
0x41: {  	[sflag:s18] =	ssyncadd.s32 $0xFFFFEC00  }
0x42: {  	[tilespmem:s17], [sflag:$0x1] =	stream.indirect.gather [hbm4b:s4+s21], $0x80, s19, s21, $0xb8;
	[tilespmem:$0x1E400] =	vst v63  }
0x43: {  	_ = 	snop  }
0x44: {  	[tilespmem:s23], [sflag:$0x2] =	stream.indirect.gather [hbm4b:s4+s21], $0x80, s22, s21, $0xb8;
	[tilespmem:$0x1E400] =	vst v63  }
0x45: {  	_ =	swait.ge [sflag:s24], $0x4000  }
0x46: {  	[sflag:s24] =	ssyncset.done $0x0  }
0x47: {  	s30 =	simm.s32 $0x15000;
	[sflag:s24] =	ssyncadd.s32 $0xFFFFC000  }
0x48: {  	[spmem:s1] =	stream.indirect.scatter.add.f32 [tilespmem:s17], [sflag:$0x3], $0x80, s30, s21, $0xb8;
	[tilespmem:$0x1E400] =	vst v63  }
0x49: {  	_ =	swait.ge [sflag:s18], $0x4000  }
0x4a: {  	[sflag:s18] =	ssyncset.done $0x0  }
0x4b: {  	s30 =	simm.s32 $0x13D00;
	[sflag:s18] =	ssyncadd.s32 $0xFFFFC000  }
0x4c: {  	[tilespmem:s17], [sflag:$0x1] =	stream.indirect.gather [hbm4b:s4+s21], $0x80, s30, s21, $0xb8;
	[tilespmem:$0x1E400] =	vst v63  }
0x4d: {  	_ =	swait.ge [sflag:s26], $0x4000  }
0x4e: {  	[sflag:s26] =	ssyncset.done $0x0  }
0x4f: {  	s30 =	simm.s32 $0x15080;
	[sflag:s26] =	ssyncadd.s32 $0xFFFFC000  }
0x50: {  	[spmem:s1] =	stream.indirect.scatter.add.f32 [tilespmem:s23], [sflag:$0x3], $0x80, s30, s21, $0xb8;
	[tilespmem:$0x1E400] =	vst v63  }
0x51: {  	_ =	swait.ge [sflag:s18], $0x4000  }
0x52: {  	[sflag:s18] =	ssyncset.done $0x0  }
0x53: {  	s31 =	simm.s32 $0x13D80;
	s30 =	simm.s32 $0x400;
	[sflag:s18] =	ssyncadd.s32 $0xFFFFC000  }
.LBB2_4:
0x54: {  	[tilespmem:s23], [sflag:$0x2] =	stream.indirect.gather [hbm4b:s4+s21], $0x80, s31, s21, $0xb8;
	[tilespmem:$0x1E400] =	vst v63  }
0x55: {  	s31 =	smov.u32 s30  }
0x56: {  	p1 =	sne.s32 s30, $0x4800;
	s30 =	sadd.s32 $0x400, s30;
	_ =	swait.ge [sflag:s24], $0x4000  }
0x57: {  	s31 =	sshra.s32 s31, $0x2;
	[sflag:s24] =	ssyncset.done $0x0  }
0x58: {  	s0 =	sadd.s32 $0x15000, s31;
	[sflag:s24] =	ssyncadd.s32 $0xFFFFC000  }
0x59: {  	[spmem:s1] =	stream.indirect.scatter.add.f32 [tilespmem:s17], [sflag:$0x3], $0x80, s0, s21, $0xb8;
	[tilespmem:$0x1E400] =	vst v63  }
0x5a: {  	_ =	swait.ge [sflag:s18], $0x4000  }
0x5b: {  	[sflag:s18] =	ssyncset.done $0x0  }
0x5c: {  	s0 =	sadd.s32 $0x13D00, s31;
	[sflag:s18] =	ssyncadd.s32 $0xFFFFC000  }
0x5d: {  	[tilespmem:s17], [sflag:$0x1] =	stream.indirect.gather [hbm4b:s4+s21], $0x80, s0, s21, $0xb8;
	[tilespmem:$0x1E400] =	vst v63  }
0x5e: {  	_ =	swait.ge [sflag:s26], $0x4000  }
0x5f: {  	[sflag:s26] =	ssyncset.done $0x0  }
.Ltmp1:
0x60: {  	s0 =	sadd.s32 $0x15080, s31;
	[sflag:s26] =	ssyncadd.s32 $0xFFFFC000;
	(pc) =	sbr.rel @p1 .LBB2_4-.Ltmp1, $4  }
0x61: {  	[spmem:s1] =	stream.indirect.scatter.add.f32 [tilespmem:s23], [sflag:$0x3], $0x80, s0, s21, $0xb8;
	[tilespmem:$0x1E400] =	vst v63  }
0x62: {  	_ =	swait.ge [sflag:s18], $0x4000  }
0x63: {  	[sflag:s18] =	ssyncset.done $0x0  }
0x64: {  	s31 =	sadd.s32 $0x13D80, s31;
	[sflag:s18] =	ssyncadd.s32 $0xFFFFC000  }
0x65: {  	[tilespmem:s23], [sflag:$0x2] =	stream.indirect.gather [hbm4b:s4+s21], $0x80, s31, s21, $0xb8;
	[tilespmem:$0x1E400] =	vst v63  }
0x66: {  	_ =	swait.ge [sflag:s24], $0x4000  }
0x67: {  	[sflag:s24] =	ssyncset.done $0x0  }
0x68: {  	[sflag:s24] =	ssyncadd.s32 $0xFFFFC000  }
0x69: {  	[spmem:s1] =	stream.indirect.scatter.add.f32 [tilespmem:s17], [sflag:$0x3], $0x80, s28, s21, $0xb8;
	[tilespmem:$0x1E400] =	vst v63  }
0x6a: {  	_ =	swait.ge [sflag:s18], $0x4000  }
0x6b: {  	[sflag:s18] =	ssyncset.done $0x0  }
0x6c: {  	[sflag:s18] =	ssyncadd.s32 $0xFFFFC000  }
0x6d: {  	_ =	swait.ge [sflag:s26], $0x4000  }
0x6e: {  	[sflag:s26] =	ssyncset.done $0x0  }
0x6f: {  	[sflag:s26] =	ssyncadd.s32 $0xFFFFC000  }
0x70: {  	[spmem:s1] =	stream.indirect.scatter.add.f32 [tilespmem:s23], [sflag:$0x3], $0x80, s29, s21, $0xb8;
	[tilespmem:$0x1E400] =	vst v63  }
0x71: {  	_ =	swait.ge [sflag:s18], $0x4000  }
0x72: {  	[sflag:s18] =	ssyncset.done $0x0  }
0x73: {  	s0 =	simm.s32 $0x0;
	[sflag:s18] =	ssyncadd.s32 $0xFFFFC000  }
0x74: {  	[tilespmem:s19], [sflag:$0x3] =	stream.linear.gather [hbm4b:s12+s0], $0x1400, $0x38;
	[tilespmem:$0x1E400] =	vst v63  }
0x75: {  	_ =	swait.ge [sflag:s18], $0x1400  }
0x76: {  	[sflag:s18] =	ssyncset.done $0x0  }
0x77: {  	[sflag:s18] =	ssyncadd.s32 $0xFFFFEC00  }
0x78: {  	[tilespmem:s20], [sflag:$0x3] =	stream.linear.gather [hbm4b:s13+s0], $0x1400, $0x38;
	[tilespmem:$0x1E400] =	vst v63  }
0x79: {  	_ =	swait.ge [sflag:s18], $0x1400  }
0x7a: {  	[sflag:s18] =	ssyncset.done $0x0  }
0x7b: {  	[sflag:s18] =	ssyncadd.s32 $0xFFFFEC00  }
0x7c: {  	[tilespmem:s17], [sflag:$0x1] =	stream.indirect.gather [hbm4b:s4+s21], $0x80, s19, s21, $0xb8;
	[tilespmem:$0x1E400] =	vst v63  }
0x7d: {  	_ = 	snop  }
0x7e: {  	[tilespmem:s23], [sflag:$0x2] =	stream.indirect.gather [hbm4b:s4+s21], $0x80, s22, s21, $0xb8;
	[tilespmem:$0x1E400] =	vst v63  }
0x7f: {  	_ =	swait.ge [sflag:s24], $0x4000  }
0x80: {  	[sflag:s24] =	ssyncset.done $0x0  }
0x81: {  	s0 =	simm.s32 $0x15000;
	[sflag:s24] =	ssyncadd.s32 $0xFFFFC000  }
0x82: {  	[spmem:s1] =	stream.indirect.scatter.add.f32 [tilespmem:s17], [sflag:$0x3], $0x80, s0, s21, $0xb8;
	[tilespmem:$0x1E400] =	vst v63  }
0x83: {  	_ =	swait.ge [sflag:s18], $0x4000  }
0x84: {  	[sflag:s18] =	ssyncset.done $0x0  }
0x85: {  	s0 =	simm.s32 $0x13D00;
	[sflag:s18] =	ssyncadd.s32 $0xFFFFC000  }
0x86: {  	[tilespmem:s17], [sflag:$0x1] =	stream.indirect.gather [hbm4b:s4+s21], $0x80, s0, s21, $0xb8;
	[tilespmem:$0x1E400] =	vst v63  }
0x87: {  	_ =	swait.ge [sflag:s26], $0x4000  }
0x88: {  	[sflag:s26] =	ssyncset.done $0x0  }
0x89: {  	s0 =	simm.s32 $0x15080;
	[sflag:s26] =	ssyncadd.s32 $0xFFFFC000  }
0x8a: {  	[spmem:s1] =	stream.indirect.scatter.add.f32 [tilespmem:s23], [sflag:$0x3], $0x80, s0, s21, $0xb8;
	[tilespmem:$0x1E400] =	vst v63  }
0x8b: {  	_ =	swait.ge [sflag:s18], $0x4000  }
0x8c: {  	[sflag:s18] =	ssyncset.done $0x0  }
0x8d: {  	s30 =	simm.s32 $0x400;
	s31 =	simm.s32 $0x13D80;
	[sflag:s18] =	ssyncadd.s32 $0xFFFFC000  }
.LBB2_6:
0x8e: {  	[tilespmem:s23], [sflag:$0x2] =	stream.indirect.gather [hbm4b:s4+s21], $0x80, s31, s21, $0xb8;
	[tilespmem:$0x1E400] =	vst v63  }
0x8f: {  	s0 =	smov.u32 s30  }
0x90: {  	p1 =	sne.s32 s30, $0x4800;
	s30 =	sadd.s32 $0x400, s30;
	_ =	swait.ge [sflag:s24], $0x4000  }
0x91: {  	s0 =	sshra.s32 s0, $0x2;
	[sflag:s24] =	ssyncset.done $0x0  }
0x92: {  	s31 =	sadd.s32 $0x15000, s0;
	[sflag:s24] =	ssyncadd.s32 $0xFFFFC000  }
0x93: {  	[spmem:s1] =	stream.indirect.scatter.add.f32 [tilespmem:s17], [sflag:$0x3], $0x80, s31, s21, $0xb8;
	[tilespmem:$0x1E400] =	vst v63  }
0x94: {  	_ =	swait.ge [sflag:s18], $0x4000  }
0x95: {  	[sflag:s18] =	ssyncset.done $0x0  }
0x96: {  	s31 =	sadd.s32 $0x13D00, s0;
	[sflag:s18] =	ssyncadd.s32 $0xFFFFC000  }
0x97: {  	[tilespmem:s17], [sflag:$0x1] =	stream.indirect.gather [hbm4b:s4+s21], $0x80, s31, s21, $0xb8;
	[tilespmem:$0x1E400] =	vst v63  }
0x98: {  	_ =	swait.ge [sflag:s26], $0x4000  }
0x99: {  	[sflag:s26] =	ssyncset.done $0x0  }
.Ltmp2:
0x9a: {  	s31 =	sadd.s32 $0x15080, s0;
	[sflag:s26] =	ssyncadd.s32 $0xFFFFC000;
	(pc) =	sbr.rel @p1 .LBB2_6-.Ltmp2, $4  }
0x9b: {  	[spmem:s1] =	stream.indirect.scatter.add.f32 [tilespmem:s23], [sflag:$0x3], $0x80, s31, s21, $0xb8;
	[tilespmem:$0x1E400] =	vst v63  }
0x9c: {  	_ =	swait.ge [sflag:s18], $0x4000  }
0x9d: {  	[sflag:s18] =	ssyncset.done $0x0  }
0x9e: {  	s31 =	sadd.s32 $0x13D80, s0;
	[sflag:s18] =	ssyncadd.s32 $0xFFFFC000  }
0x9f: {  	[tilespmem:s23], [sflag:$0x2] =	stream.indirect.gather [hbm4b:s4+s21], $0x80, s31, s21, $0xb8;
	[tilespmem:$0x1E400] =	vst v63  }
0xa0: {  	_ =	swait.ge [sflag:s24], $0x4000  }
0xa1: {  	[sflag:s24] =	ssyncset.done $0x0  }
0xa2: {  	[sflag:s24] =	ssyncadd.s32 $0xFFFFC000  }
0xa3: {  	[spmem:s1] =	stream.indirect.scatter.add.f32 [tilespmem:s17], [sflag:$0x3], $0x80, s28, s21, $0xb8;
	[tilespmem:$0x1E400] =	vst v63  }
0xa4: {  	_ =	swait.ge [sflag:s18], $0x4000  }
0xa5: {  	[sflag:s18] =	ssyncset.done $0x0  }
0xa6: {  	[sflag:s18] =	ssyncadd.s32 $0xFFFFC000  }
0xa7: {  	_ =	swait.ge [sflag:s26], $0x4000  }
0xa8: {  	[sflag:s26] =	ssyncset.done $0x0  }
0xa9: {  	[sflag:s26] =	ssyncadd.s32 $0xFFFFC000  }
0xaa: {  	[spmem:s1] =	stream.indirect.scatter.add.f32 [tilespmem:s23], [sflag:$0x3], $0x80, s29, s21, $0xb8;
	[tilespmem:$0x1E400] =	vst v63  }
0xab: {  	_ =	swait.ge [sflag:s18], $0x4000  }
0xac: {  	[sflag:s18] =	ssyncset.done $0x0  }
0xad: {  	[sflag:s18] =	ssyncadd.s32 $0xFFFFC000  }
0xae: {  	s0 =	simm.s32 @p0 $0x1FC3;
	[bflag:$0x0] =	sbarrier.arrive $0xFFFF  }
0xaf: {  	[hbm:s15], [sflag:s0] =	dma.local @p0 [spmem:s25], $0x2080  }
0xb0: {  	s0 =	simm.s32 @p0 $0x3  }
0xb1: {  	s2 =	sadd.s32 $0x1, s2;
	_ =	swait.ge @p0 [sflag:s0], $0x2080  }
0xb2: {  	s30 =	sshll.u32 @!p0 s3, $0x6;
	p1 =	sne.s32 s2, s16;
	[sflag:s0] =	ssyncset.done @p0 $0x0  }
0xb3: {  	[sflag:s0] =	ssyncadd.s32 @p0 $0xFFFFDF80;
	s0 =	sor.u32 @!p0 $0x1C03, s30;
	s30 =	sshrl.u32 @!p0 s5, $0x3  }
0xb4: {  	[hbm:s14], [sflag:s0] =	dma.local @!p0 [spmem:s30], $0x2780  }
.Ltmp3:
0xb5: {  	_ = 	snop;
	(pc) =	sbr.rel @p1 .LBB2_1-.Ltmp3, $4  }
0xb6: {  	s0 =	simm.s32 @!p0 $0x3  }
0xb7: {  	_ =	swait.ge @!p0 [sflag:s0], $0x2780  }
0xb8: {  	[sflag:s0] =	ssyncset.done @!p0 $0x0  }
0xb9: {  	[sflag:s0] =	ssyncadd.s32 @!p0 $0xFFFFD880  }
0xba: {  	_ =	sfence.sel $0x180000  }
0xbb: {  	[bflag:$0x0] =	sbarrier.arrive $0xFFFF  }
0xbc: {  	_ =	strace $0x9000004A  }
0xbd: {  	[bflag:$0x2] =	sbarrier.arrive $0xFFFF  }
0xbe: {  	p0 =	sne.s32 s3, $0x0;
	s0 =	rddreg [dreg:$0x2]  }
0xbf: {  	s0 =	sadd.s32 @!p0 $0x100000, s0  }
0xc0: {  	[sflag:s0] =	ssyncadd.tile.s32 @!p0 $0x1;
	_ =	shalt  }
.Lfunc_end2:
_tile_overlayer_lowered:
.L_overlay_start_2:
0xc1: {  	(tag) =	ssettag $0x2  }
0xc2: {  	s0 =	rddreg [dreg:$0x0];
	s2 =	stileid.u32  }
0xc3: {  	s1 =	rddreg [dreg:$0x1];
	p0 =	sne.s32 s2, $0x0  }
0xc4: {  	s3 =	rddreg [dreg:$0x2];
	[bflag:$0x3] =	sbarrier.arrive $0xFFFF;
	s2 =	simm.s32 @!p0 $0x1C03  }
0xc5: {  	[timem:s3], [sflag:s2] =	dma.local @!p0 [hbm:s0], s1  }
0xc6: {  	s0 =	simm.s32 @!p0 $0x3  }
0xc7: {  	_ =	swait.ge @!p0 [sflag:s0], s1  }
0xc8: {  	s1 =	ssub.s32 @!p0 $0x0, s1;
	[sflag:s0] =	ssyncset.done @!p0 $0x0  }
0xc9: {  	[sflag:s0] =	ssyncadd.s32 @!p0 s1  }
0xca: {  	[bflag:$0x3] =	sbarrier.arrive $0xFFFF  }
0xcb: {  	_ =	shalt  }

// kernel: kernel.14.cloned.1.call-start
scs
__scs_entry_jumppad:
0x0: {  	(pc) =	sbr.rel $0x88, $3  }
0x1: {  	(tag) =	ssettag $0x0;
	lr =	simm.s32 $0x1  }
0x2: {  	[smem:$0x3F9B] =	sst lr;
	_ =	strace $0xD0000000  }
0x3: {  	_ = 	snop  }
0x4: {  	_ = 	snop  }
0x5: {  	_ = 	snop  }
0x6: {  	_ = 	snop  }
0x7: {  	_ = 	snop  }
__scs_overlays_trampoline_lowered:
0x8: {  	[smem:$0x3FAA] =	sst s0  }
0x9: {  	[smem:$0x3FAB] =	sst s1  }
0xa: {  	[smem:$0x3FAC] =	sst s2  }
0xb: {  	[smem:$0x3FAD] =	sst s3  }
0xc: {  	[smem:$0x3FAE] =	sst s4  }
0xd: {  	[smem:$0x3FAF] =	sst s5  }
0xe: {  	[smem:$0x3FB0] =	sst s6  }
0xf: {  	[smem:$0x3FB1] =	sst s7  }
0x10: {  	[smem:$0x3FB2] =	sst s8  }
0x11: {  	[smem:$0x3FB3] =	sst s9;
	s0 =	simm.s32 @!p0 $0x0  }
0x12: {  	s1 =	sld [smem:$0x3F99];
	s0 =	simm.s32 @p0 $0x1  }
0x13: {  	[smem:$0x3FB4] =	sst s0;
	s0 =	simm.s32 @!p1 $0x0  }
0x14: {  	s2 =	sld [smem:$0x3F98];
	s0 =	simm.s32 @p1 $0x1  }
0x15: {  	[smem:$0x3FB5] =	sst s0;
	s0 =	simm.s32 @!p2 $0x0  }
0x16: {  	s3 =	sld [smem:$0x3FDB];
	s0 =	simm.s32 @p2 $0x1  }
0x17: {  	s4 =	simm.s32 $0x1BF5;
	[smem:$0x3FB7] =	sst s0  }
0x18: {  	s0 =	sld [smem:$0x3F9A];
	_ =	swait.ge [sflag:s4], $0x0  }
0x19: {  	s7 =	sld [smem:$0x3F9B]  }
0x1a: {  	s8 =	sadd.s32 $0xFFFFE003, lr  }
0x1b: {  	s9 =	sadd.s32 $0xFFFFFEF7, lr;
	s5 =	simm.s32 $0xFFFFFFFF;
	p2 =	slt.u32 s8, $0xFFFFF086  }
0x1c: {  	p1 =	slt.u32 s9, $0xF7A;
	s5 =	simm.s32 @!p2 $0x0  }
0x1d: {  	s5 =	simm.s32 @p1 $0x1;
	p0 =	seq.s32 s7, s2  }
0x1e: {  	s7 =	smul.u32 @!p0 $0xF7A, s2;
	p2 =	seq.s32 @!p0 s5, $0x0  }
0x1f: {  	s9 =	smul.u32 $0xF7A, s1;
	s8 =	simm.s32 @!p0 $0x1BF5;
	p2 =	por !p2, p0  }
0x20: {  	[sflag:s8] =	ssyncset.s32 @!p0 $0xFFFFF086;
	s6 =	sadd.s32 @!p0 s3, s7;
	s7 =	simm.s32 @!p0 $0x108  }
0x21: {  	s3 =	sadd.s32 s3, s9;
	s6 =	sadd.s32 @!p0 $0x88, s6;
	s7 =	simm.s32 @p2 $0x1082  }
0x22: {  	[simem:s7], [sflag:s8] =	dma.local @!p0 [hbm:s6], $0xF7A  }
0x23: {  	s9 =	sor.u32 $0xD0000000, s2;
	s6 =	simm.s32 $0x108;
	_ =	swait.ge @!p0 [sflag:s8], $0x0  }
0x24: {  	s3 =	sadd.s32 $0x88, s3;
	s6 =	simm.s32 @!p1 $0x1082;
	[sflag:s4] =	ssyncset.s32 $0xFFFFF086  }
0x25: {  	[simem:s6], [sflag:s4] =	dma.local [hbm:s3], $0xF7A  }
0x26: {  	[smem:$0x3F9B] =	sst s1;
	(tag) =	ssettag s2;
	_ =	strace s9  }
0x27: {  	s1 =	sld [smem:$0x3FAB]  }
0x28: {  	s2 =	sld [smem:$0x3FAC]  }
0x29: {  	s4 =	sld [smem:$0x3FAE]  }
0x2a: {  	p0 =	seq.s32 s5, $0x0;
	s5 =	sld [smem:$0x3FAF]  }
0x2b: {  	s6 =	sld [smem:$0x3FB0]  }
0x2c: {  	s7 =	sld [smem:$0x3FB1]  }
0x2d: {  	s3 =	simm.s32 $0x108;
	s8 =	sld [smem:$0x3FB2]  }
0x2e: {  	s3 =	simm.s32 @!p0 $0x1082;
	s9 =	sld [smem:$0x3FB3]  }
0x2f: {  	lr =	sadd.s32 s0, s3;
	s0 =	sld [smem:$0x3FAA]  }
0x30: {  	s3 =	sld [smem:$0x3FAD]  }
0x31: {  	[smem:$0x3FB6] =	sst s10  }
0x32: {  	s10 =	sld [smem:$0x3FB4];
	_ =	sdelay $0x3  }
0x33: {  	p0 =	seq.s32 s10, $0x1;
	s10 =	sld [smem:$0x3FB6];
	_ =	sdelay $0x3  }
0x34: {  	[smem:$0x3FB6] =	sst s10  }
0x35: {  	s10 =	sld [smem:$0x3FB5];
	_ =	sdelay $0x3  }
0x36: {  	p1 =	seq.s32 s10, $0x1;
	s10 =	sld [smem:$0x3FB6];
	_ =	sdelay $0x3  }
0x37: {  	[smem:$0x3FB6] =	sst s10  }
0x38: {  	s10 =	sld [smem:$0x3FB7]  }
0x39: {  	_ = 	snop;
	(pc) =	sbr.ind lr, $3  }
0x3a: {  	_ = 	snop  }
0x3b: {  	_ = 	snop  }
0x3c: {  	p2 =	seq.s32 s10, $0x1;
	s10 =	sld [smem:$0x3FB6]  }
0x3d: {  	_ =	shalt  }
0x3e: {  	_ =	shalt  }
0x3f: {  	_ =	shalt  }
0x40: {  	_ =	shalt  }
0x41: {  	_ =	shalt  }
0x42: {  	_ =	shalt  }
0x43: {  	_ =	shalt  }
0x44: {  	_ =	shalt  }
0x45: {  	_ =	shalt  }
0x46: {  	_ =	shalt  }
0x47: {  	_ =	shalt  }
0x48: {  	_ =	shalt  }
0x49: {  	_ =	shalt  }
0x4a: {  	_ =	shalt  }
0x4b: {  	_ =	shalt  }
0x4c: {  	_ =	shalt  }
0x4d: {  	_ =	shalt  }
0x4e: {  	_ =	shalt  }
0x4f: {  	_ =	shalt  }
0x50: {  	_ =	shalt  }
0x51: {  	_ =	shalt  }
0x52: {  	_ =	shalt  }
0x53: {  	_ =	shalt  }
0x54: {  	_ =	shalt  }
0x55: {  	_ =	shalt  }
0x56: {  	_ =	shalt  }
0x57: {  	_ =	shalt  }
0x58: {  	_ =	shalt  }
0x59: {  	_ =	shalt  }
0x5a: {  	_ =	shalt  }
0x5b: {  	_ =	shalt  }
0x5c: {  	_ =	shalt  }
0x5d: {  	_ =	shalt  }
0x5e: {  	_ =	shalt  }
0x5f: {  	_ =	shalt  }
0x60: {  	_ =	shalt  }
0x61: {  	_ =	shalt  }
0x62: {  	_ =	shalt  }
0x63: {  	_ =	shalt  }
0x64: {  	_ =	shalt  }
0x65: {  	_ =	shalt  }
0x66: {  	_ =	shalt  }
0x67: {  	_ =	shalt  }
0x68: {  	_ =	shalt  }
0x69: {  	_ =	shalt  }
0x6a: {  	_ =	shalt  }
0x6b: {  	_ =	shalt  }
0x6c: {  	_ =	shalt  }
0x6d: {  	_ =	shalt  }
0x6e: {  	_ =	shalt  }
0x6f: {  	_ =	shalt  }
0x70: {  	_ =	shalt  }
0x71: {  	_ =	shalt  }
0x72: {  	_ =	shalt  }
0x73: {  	_ =	shalt  }
0x74: {  	_ =	shalt  }
0x75: {  	_ =	shalt  }
0x76: {  	_ =	shalt  }
0x77: {  	_ =	shalt  }
0x78: {  	_ =	shalt  }
0x79: {  	_ =	shalt  }
0x7a: {  	_ =	shalt  }
0x7b: {  	_ =	shalt  }
0x7c: {  	_ =	shalt  }
0x7d: {  	_ =	shalt  }
0x7e: {  	_ =	shalt  }
0x7f: {  	_ =	shalt  }
0x80: {  	_ =	shalt  }
0x81: {  	_ =	shalt  }
0x82: {  	_ =	shalt  }
0x83: {  	_ =	shalt  }
0x84: {  	_ =	shalt  }
0x85: {  	_ =	shalt  }
0x86: {  	_ =	shalt  }
0x87: {  	_ =	shalt  }
.Lfunc_end0:
.L_simem_size_0:
called_computation.2_lowered:
.L_overlay_start_0:
0x88: {  	s2 =	sld [smem:$0x3FD9]  }
0x89: {  	s3 =	sld [smem:$0x3FFE];
	_ =	sdelay $0x1  }
0x8a: {  	s1 =	srdreg.scid  }
0x8b: {  	s0 =	sand.u32 $0x1, s1  }
0x8c: {  	s16 =	sshll.u32 s0, $0xA;
	s2 =	sadd.s32 s3, s2  }
0x8d: {  	s2 =	sadd.s32 s2, s16  }
0x8e: {  	[smem:$0x3FC2] =	sst s2  }
0x8f: {  	_ = 	snop  }
0x90: {  	(tm) =	ssettm $0x1  }
0x91: {  	s17 =	sld [smem:$0x3FFB];
	_ =	sdelay $0x3  }
0x92: {  	_ =	strace s17  }
0x93: {  	s2 =	sld [smem:$0x3FFC];
	_ =	sdelay $0x3  }
0x94: {  	_ =	strace s2  }
0x95: {  	s2 =	sld [smem:$0x3FFD];
	_ =	sdelay $0x3  }
0x96: {  	_ =	strace s2  }
0x97: {  	_ =	strace $0x8FFFFFFF  }
0x98: {  	s18 =	sld [smem:$0x3FDB];
	_ =	sdelay $0x1  }
0x99: {  	s19 =	simm.s32 $_scs_section_size  }
0x9a: {  	s4 =	simm.s32 $_size__tile_overlayer_lowered;
	s5 =	simm.s32 $_tile_overlayer_lowered  }
0x9b: {  	s22 =	simm.s32 $0x1BFF;
	s21 =	sshll.u32 s5, $0x1;
	s2 =	sadd.s32 s19, s18  }
0x9c: {  	s6 =	simm.s32 $0x0;
	s20 =	sshll.u32 s4, $0x1;
	s4 =	sadd.s32 s21, s2  }
0x9d: {  	[timem:s6], [sflag:s22] =	dma.local [hbm:s4], s20  }
0x9e: {  	_ =	swait.ge [sflag:s22], s20  }
0x9f: {  	s3 =	ssub.s32 $0x0, s20;
	[sflag:s22] =	ssyncset.done $0x0  }
0xa0: {  	[sflag:s22] =	ssyncadd.s32 s3;
	_ =	sdelay $0x1  }
0xa1: {  	s23 =	simm.s32 $0x1B8B  }
0xa2: {  	_ =	swait.ge [sflag:s23], $0x1  }
0xa3: {  	[sflag:s23] =	ssyncset.done $0x0  }
0xa4: {  	s25 =	simm.s32 $0x1B8E;
	s24 =	sld [smem:$0x3FFE];
	[sflag:s23] =	ssyncadd.s32 $0xFFFFFFFF  }
0xa5: {  	s26 =	simm.s32 $execute0_lowered;
	[smem:$0x3FD2] =	sst s25  }
0xa6: {  	s4 =	sshll.u32 s26, $0x1;
	_ =	strace $0x8000004C;
	[dreg:$0x1] =	wrdreg $0xFFFFFFFF  }
0xa7: {  	s28 =	simm.s32 $_size_execute0_lowered;
	s2 =	sadd.s32 s2, s4;
	[dreg:$0x0] =	wrdreg $0x0  }
0xa8: {  	s4 =	sshll.u32 s28, $0x1;
	[dreg:$0x2] =	wrdreg s2  }
0xa9: {  	[dreg:$0x3] =	wrdreg s4  }
0xaa: {  	[dreg:$0x4] =	wrdreg $0xC0  }
0xab: {  	_ =	task [dreg:s6], $0x5FFFF  }
0xac: {  	[dreg:$0x1] =	wrdreg $0xFFFFFFFF  }
0xad: {  	[dreg:$0x0] =	wrdreg $0x60  }
0xae: {  	[dreg:$0x2] =	wrdreg s24  }
0xaf: {  	[dreg:$0x3] =	wrdreg $0x0  }
0xb0: {  	[dreg:$0x4] =	wrdreg $0x9  }
0xb1: {  	_ =	task.clear_ibuf [dreg:s6], $0x5FFFF;
	_ =	strace $0x9000004C  }
0xb2: {  	s29 =	simm.s32 $0x9;
	_ =	strace $0x8000004E  }
0xb3: {  	_ =	swait.ge [sflag:s29], $0x1  }
0xb4: {  	[sflag:s29] =	ssyncadd.s32 $0xFFFFFFFF  }
0xb5: {  	_ =	strace $0x9000004E  }
0xb6: {  	_ =	sfence  }
0xb7: {  	s30 =	sld [smem:$0x0];
	_ =	sdelay $0x2  }
0xb8: {  	s31 =	sshll.u32 s1, $0xD;
	s1 =	sshrl.u32 s1, $0x2  }
0xb9: {  	s3 =	sand.u32 $0x4000, s31;
	s1 =	sadd.s32 s1, s30  }
0xba: {  	s0 =	sor.u32 s3, s0;
	s1 =	sshll.u32 s1, $0x11  }
0xbb: {  	s0 =	sor.u32 s1, s0  }
0xbc: {  	s0 =	sadd.s32 $0x8F2B, s0  }
0xbd: {  	[sflag:s0] =	ssyncadd.remote.s32 $0x1  }
0xbe: {  	_ =	sfence.sel $0xFFFF  }
0xbf: {  	[dreg:$0x0] =	wrdreg $0xFFFFFFFF;
	(pc) =	sbr.abs _section_cstart, $3  }
0xc0: {  	[dreg:$0x1] =	wrdreg $0xFFFFFFFF  }
0xc1: {  	_ =	task.clear_ibuf [dreg:s6], $0x2FFFF;
	_ =	strace $0x9FFFFFFF  }
0xc2: {  	(tm) =	ssettm $0x7FFFFFFF  }
0xc3: {  	_ =	shalt  }
tec
execute0_lowered:
.L_overlay_start_1:
0x0: {  	(tag) =	ssettag $0x1  }
0x1: {  	s5 =	rddreg [dreg:$0x0]  }
0x2: {  	s1 =	rddreg [dreg:$0x1];
	s2 =	simm.s32 $0x0;
	s6 =	srdreg.scid  }
0x3: {  	s3 =	stileid.u32;
	s19 =	simm.s32 $0x13C00;
	s20 =	simm.s32 $0x15000  }
0x4: {  	s21 =	simm.s32 $0x80;
	s22 =	simm.s32 $0x13C80;
	s23 =	simm.s32 $0x1A400  }
0x5: {  	s24 =	simm.s32 $0x1;
	s26 =	simm.s32 $0x2;
	s28 =	simm.s32 $0x16300  }
0x6: {  	s29 =	simm.s32 $0x16380;
	[smem:$0x7FF] =	sst s2;
	s4 =	sadd.s32 $0x16600, s5  }
0x7: {  	s12 =	sadd.s32 $0xC600, s5;
	s8 =	sand.u32 $0x1, s6;
	s13 =	sadd.s32 $0x2600, s5  }
0x8: {  	s30 =	smul.u32 $0x4F000, s3;
	s14 =	sadd.s32 $0x3D800, s5;
	s25 =	sadd.s32 $0x128400, s1  }
0x9: {  	s18 =	smul.u32 $0x13C00, s3;
	p0 =	seq.s32 s3, $0xF;
	_ =	strace $0x8000004D  }
0xa: {  	s7 =	sshll.u32 s8, $0x4;
	s31 =	ssub.s32 $0x2, s8;
	s17 =	smul.u32 $0x138800, s8  }
0xb: {  	s25 =	sshrl.u32 @p0 s25, $0x3;
	s7 =	sor.u32 s3, s7;
	s9 =	sshrl.u32 s31, $0x1  }
0xc: {  	s6 =	sshrl.u32 s30, $0x2;
	s11 =	smul.u32 $0x500, s7;
	s16 =	ssub.s32 s31, s9  }
0xd: {  	s5 =	sadd.s32 s6, s1;
	s15 =	smul.u32 $0x2800, s7;
	s18 =	sadd.s32 s18, s17  }
0xe: {  	s17 =	sshrl.u32 s17, $0x3;
	s6 =	sadd.s32 $0x4000, s5;
	s7 =	sadd.s32 $0x8000, s5  }
0xf: {  	s8 =	sadd.s32 $0xC000, s5;
	s9 =	sadd.s32 $0x10000, s5;
	s18 =	sshrl.u32 s18, $0x3  }
0x10: {  	s17 =	sadd.s32 s14, s17;
	s16 =	smax.u32 s16, $0x1;
	s15 =	sshrl.u32 s15, $0x3  }
0x11: {  	s10 =	sadd.s32 s12, s11;
	s11 =	sadd.s32 s13, s11;
	s15 =	sadd.s32 $0x280, s15  }
0x12: {  	s14 =	sadd.s32 s14, s18;
	s18 =	simm.s32 $0x3;
	s12 =	sadd.s32 s12, s15  }
0x13: {  	v0 =	vimm.f32 $0.0e+00;
	s13 =	sadd.s32 s13, s15;
	s15 =	sadd.s32 $0x25080, s17;
	s17 =	simm.s32 $0x16400  }
.LBB2_1:
0x14: {  	s30 =	simm.s32 $0x0;
	s31 =	simm.s32 $0x200  }
.LBB2_2:
0x15: {  	p1 =	sne.s32 s31, $0xFE00;
	[tilespmem:s30+$0x16470] =	vst v0  }
0x16: {  	[tilespmem:s30+$0x16400] =	vst v0  }
0x17: {  	[tilespmem:s30+$0x16410] =	vst v0  }
.Ltmp0:
0x18: {  	[tilespmem:s30+$0x16420] =	vst v0;
	(pc) =	sbr.rel @p1 .LBB2_2-.Ltmp0, $4  }
0x19: {  	[tilespmem:s30+$0x16430] =	vst v0  }
0x1a: {  	[tilespmem:s30+$0x16440] =	vst v0  }
0x1b: {  	[tilespmem:s30+$0x16450] =	vst v0  }
0x1c: {  	[tilespmem:s30+$0x16460] =	vst v0;
	s30 =	sshra.s32 s31, $0x2;
	s31 =	sadd.s32 $0x200, s31  }
0x1d: {  	[tilespmem:s30+$0x16470] =	vst v0  }
0x1e: {  	[tilespmem:s30+$0x16400] =	vst v0  }
0x1f: {  	[tilespmem:s30+$0x16410] =	vst v0  }
0x20: {  	[tilespmem:s30+$0x16420] =	vst v0  }
0x21: {  	[tilespmem:s30+$0x16430] =	vst v0  }
0x22: {  	[tilespmem:s30+$0x16440] =	vst v0  }
0x23: {  	[tilespmem:s30+$0x16450] =	vst v0  }
0x24: {  	[tilespmem:s30+$0x16460] =	vst v0  }
0x25: {  	[spmem:s5] =	stream.linear.scatter [tilespmem:s17], [sflag:$0x3], $0x4000, $0x38;
	[tilespmem:$0x1E400] =	vst v63  }
0x26: {  	_ =	swait.ge [sflag:s18], $0x4000  }
0x27: {  	[sflag:s18] =	ssyncset.done $0x0  }
0x28: {  	[sflag:s18] =	ssyncadd.s32 $0xFFFFC000  }
0x29: {  	[spmem:s6] =	stream.linear.scatter [tilespmem:s17], [sflag:$0x3], $0x4000, $0x38;
	[tilespmem:$0x1E400] =	vst v63  }
0x2a: {  	_ =	swait.ge [sflag:s18], $0x4000  }
0x2b: {  	[sflag:s18] =	ssyncset.done $0x0  }
0x2c: {  	[sflag:s18] =	ssyncadd.s32 $0xFFFFC000  }
0x2d: {  	[spmem:s7] =	stream.linear.scatter [tilespmem:s17], [sflag:$0x3], $0x4000, $0x38;
	[tilespmem:$0x1E400] =	vst v63  }
0x2e: {  	_ =	swait.ge [sflag:s18], $0x4000  }
0x2f: {  	[sflag:s18] =	ssyncset.done $0x0  }
0x30: {  	[sflag:s18] =	ssyncadd.s32 $0xFFFFC000  }
0x31: {  	[spmem:s8] =	stream.linear.scatter [tilespmem:s17], [sflag:$0x3], $0x4000, $0x38;
	[tilespmem:$0x1E400] =	vst v63  }
0x32: {  	_ =	swait.ge [sflag:s18], $0x4000  }
0x33: {  	[sflag:s18] =	ssyncset.done $0x0  }
0x34: {  	[sflag:s18] =	ssyncadd.s32 $0xFFFFC000  }
0x35: {  	[spmem:s9] =	stream.linear.scatter [tilespmem:s17], [sflag:$0x3], $0x3C00, $0x38;
	[tilespmem:$0x1E400] =	vst v63  }
0x36: {  	_ =	swait.ge [sflag:s18], $0x3C00  }
0x37: {  	[sflag:s18] =	ssyncset.done $0x0  }
0x38: {  	[sflag:s18] =	ssyncadd.s32 $0xFFFFC400  }
0x39: {  	s30 =	simm.s32 $0x0;
	[bflag:$0x0] =	sbarrier.arrive $0xFFFF  }
0x3a: {  	[tilespmem:s19], [sflag:$0x3] =	stream.linear.gather [hbm4b:s10+s30], $0x1400, $0x38;
	[tilespmem:$0x1E400] =	vst v63  }
0x3b: {  	_ =	swait.ge [sflag:s18], $0x1400  }
0x3c: {  	[sflag:s18] =	ssyncset.done $0x0  }
0x3d: {  	[sflag:s18] =	ssyncadd.s32 $0xFFFFEC00  }
0x3e: {  	[tilespmem:s20], [sflag:$0x3] =	stream.linear.gather [hbm4b:s11+s30], $0x1400, $0x38;
	[tilespmem:$0x1E400] =	vst v63  }
0x3f: {  	_ =	swait.ge [sflag:s18], $0x1400  }
0x40: {  	[sflag:s18] =	ssyncset.done $0x0  }
0x41: {  	[sflag:s18] =	ssyncadd.s32 $0xFFFFEC00  }
0x42: {  	[tilespmem:s17], [sflag:$0x1] =	stream.indirect.gather [hbm4b:s4+s21], $0x80, s19, s21, $0xb8;
	[tilespmem:$0x1E400] =	vst v63  }
0x43: {  	_ = 	snop  }
0x44: {  	[tilespmem:s23], [sflag:$0x2] =	stream.indirect.gather [hbm4b:s4+s21], $0x80, s22, s21, $0xb8;
	[tilespmem:$0x1E400] =	vst v63  }
0x45: {  	_ =	swait.ge [sflag:s24], $0x4000  }
0x46: {  	[sflag:s24] =	ssyncset.done $0x0  }
0x47: {  	s30 =	simm.s32 $0x15000;
	[sflag:s24] =	ssyncadd.s32 $0xFFFFC000  }
0x48: {  	[spmem:s1] =	stream.indirect.scatter.add.f32 [tilespmem:s17], [sflag:$0x3], $0x80, s30, s21, $0xb8;
	[tilespmem:$0x1E400] =	vst v63  }
0x49: {  	_ =	swait.ge [sflag:s18], $0x4000  }
0x4a: {  	[sflag:s18] =	ssyncset.done $0x0  }
0x4b: {  	s30 =	simm.s32 $0x13D00;
	[sflag:s18] =	ssyncadd.s32 $0xFFFFC000  }
0x4c: {  	[tilespmem:s17], [sflag:$0x1] =	stream.indirect.gather [hbm4b:s4+s21], $0x80, s30, s21, $0xb8;
	[tilespmem:$0x1E400] =	vst v63  }
0x4d: {  	_ =	swait.ge [sflag:s26], $0x4000  }
0x4e: {  	[sflag:s26] =	ssyncset.done $0x0  }
0x4f: {  	s30 =	simm.s32 $0x15080;
	[sflag:s26] =	ssyncadd.s32 $0xFFFFC000  }
0x50: {  	[spmem:s1] =	stream.indirect.scatter.add.f32 [tilespmem:s23], [sflag:$0x3], $0x80, s30, s21, $0xb8;
	[tilespmem:$0x1E400] =	vst v63  }
0x51: {  	_ =	swait.ge [sflag:s18], $0x4000  }
0x52: {  	[sflag:s18] =	ssyncset.done $0x0  }
0x53: {  	s31 =	simm.s32 $0x13D80;
	s30 =	simm.s32 $0x400;
	[sflag:s18] =	ssyncadd.s32 $0xFFFFC000  }
.LBB2_4:
0x54: {  	[tilespmem:s23], [sflag:$0x2] =	stream.indirect.gather [hbm4b:s4+s21], $0x80, s31, s21, $0xb8;
	[tilespmem:$0x1E400] =	vst v63  }
0x55: {  	s31 =	smov.u32 s30  }
0x56: {  	p1 =	sne.s32 s30, $0x4800;
	s30 =	sadd.s32 $0x400, s30;
	_ =	swait.ge [sflag:s24], $0x4000  }
0x57: {  	s31 =	sshra.s32 s31, $0x2;
	[sflag:s24] =	ssyncset.done $0x0  }
0x58: {  	s0 =	sadd.s32 $0x15000, s31;
	[sflag:s24] =	ssyncadd.s32 $0xFFFFC000  }
0x59: {  	[spmem:s1] =	stream.indirect.scatter.add.f32 [tilespmem:s17], [sflag:$0x3], $0x80, s0, s21, $0xb8;
	[tilespmem:$0x1E400] =	vst v63  }
0x5a: {  	_ =	swait.ge [sflag:s18], $0x4000  }
0x5b: {  	[sflag:s18] =	ssyncset.done $0x0  }
0x5c: {  	s0 =	sadd.s32 $0x13D00, s31;
	[sflag:s18] =	ssyncadd.s32 $0xFFFFC000  }
0x5d: {  	[tilespmem:s17], [sflag:$0x1] =	stream.indirect.gather [hbm4b:s4+s21], $0x80, s0, s21, $0xb8;
	[tilespmem:$0x1E400] =	vst v63  }
0x5e: {  	_ =	swait.ge [sflag:s26], $0x4000  }
0x5f: {  	[sflag:s26] =	ssyncset.done $0x0  }
.Ltmp1:
0x60: {  	s0 =	sadd.s32 $0x15080, s31;
	[sflag:s26] =	ssyncadd.s32 $0xFFFFC000;
	(pc) =	sbr.rel @p1 .LBB2_4-.Ltmp1, $4  }
0x61: {  	[spmem:s1] =	stream.indirect.scatter.add.f32 [tilespmem:s23], [sflag:$0x3], $0x80, s0, s21, $0xb8;
	[tilespmem:$0x1E400] =	vst v63  }
0x62: {  	_ =	swait.ge [sflag:s18], $0x4000  }
0x63: {  	[sflag:s18] =	ssyncset.done $0x0  }
0x64: {  	s31 =	sadd.s32 $0x13D80, s31;
	[sflag:s18] =	ssyncadd.s32 $0xFFFFC000  }
0x65: {  	[tilespmem:s23], [sflag:$0x2] =	stream.indirect.gather [hbm4b:s4+s21], $0x80, s31, s21, $0xb8;
	[tilespmem:$0x1E400] =	vst v63  }
0x66: {  	_ =	swait.ge [sflag:s24], $0x4000  }
0x67: {  	[sflag:s24] =	ssyncset.done $0x0  }
0x68: {  	[sflag:s24] =	ssyncadd.s32 $0xFFFFC000  }
0x69: {  	[spmem:s1] =	stream.indirect.scatter.add.f32 [tilespmem:s17], [sflag:$0x3], $0x80, s28, s21, $0xb8;
	[tilespmem:$0x1E400] =	vst v63  }
0x6a: {  	_ =	swait.ge [sflag:s18], $0x4000  }
0x6b: {  	[sflag:s18] =	ssyncset.done $0x0  }
0x6c: {  	[sflag:s18] =	ssyncadd.s32 $0xFFFFC000  }
0x6d: {  	_ =	swait.ge [sflag:s26], $0x4000  }
0x6e: {  	[sflag:s26] =	ssyncset.done $0x0  }
0x6f: {  	[sflag:s26] =	ssyncadd.s32 $0xFFFFC000  }
0x70: {  	[spmem:s1] =	stream.indirect.scatter.add.f32 [tilespmem:s23], [sflag:$0x3], $0x80, s29, s21, $0xb8;
	[tilespmem:$0x1E400] =	vst v63  }
0x71: {  	_ =	swait.ge [sflag:s18], $0x4000  }
0x72: {  	[sflag:s18] =	ssyncset.done $0x0  }
0x73: {  	s0 =	simm.s32 $0x0;
	[sflag:s18] =	ssyncadd.s32 $0xFFFFC000  }
0x74: {  	[tilespmem:s19], [sflag:$0x3] =	stream.linear.gather [hbm4b:s12+s0], $0x1400, $0x38;
	[tilespmem:$0x1E400] =	vst v63  }
0x75: {  	_ =	swait.ge [sflag:s18], $0x1400  }
0x76: {  	[sflag:s18] =	ssyncset.done $0x0  }
0x77: {  	[sflag:s18] =	ssyncadd.s32 $0xFFFFEC00  }
0x78: {  	[tilespmem:s20], [sflag:$0x3] =	stream.linear.gather [hbm4b:s13+s0], $0x1400, $0x38;
	[tilespmem:$0x1E400] =	vst v63  }
0x79: {  	_ =	swait.ge [sflag:s18], $0x1400  }
0x7a: {  	[sflag:s18] =	ssyncset.done $0x0  }
0x7b: {  	[sflag:s18] =	ssyncadd.s32 $0xFFFFEC00  }
0x7c: {  	[tilespmem:s17], [sflag:$0x1] =	stream.indirect.gather [hbm4b:s4+s21], $0x80, s19, s21, $0xb8;
	[tilespmem:$0x1E400] =	vst v63  }
0x7d: {  	_ = 	snop  }
0x7e: {  	[tilespmem:s23], [sflag:$0x2] =	stream.indirect.gather [hbm4b:s4+s21], $0x80, s22, s21, $0xb8;
	[tilespmem:$0x1E400] =	vst v63  }
0x7f: {  	_ =	swait.ge [sflag:s24], $0x4000  }
0x80: {  	[sflag:s24] =	ssyncset.done $0x0  }
0x81: {  	s0 =	simm.s32 $0x15000;
	[sflag:s24] =	ssyncadd.s32 $0xFFFFC000  }
0x82: {  	[spmem:s1] =	stream.indirect.scatter.add.f32 [tilespmem:s17], [sflag:$0x3], $0x80, s0, s21, $0xb8;
	[tilespmem:$0x1E400] =	vst v63  }
0x83: {  	_ =	swait.ge [sflag:s18], $0x4000  }
0x84: {  	[sflag:s18] =	ssyncset.done $0x0  }
0x85: {  	s0 =	simm.s32 $0x13D00;
	[sflag:s18] =	ssyncadd.s32 $0xFFFFC000  }
0x86: {  	[tilespmem:s17], [sflag:$0x1] =	stream.indirect.gather [hbm4b:s4+s21], $0x80, s0, s21, $0xb8;
	[tilespmem:$0x1E400] =	vst v63  }
0x87: {  	_ =	swait.ge [sflag:s26], $0x4000  }
0x88: {  	[sflag:s26] =	ssyncset.done $0x0  }
0x89: {  	s0 =	simm.s32 $0x15080;
	[sflag:s26] =	ssyncadd.s32 $0xFFFFC000  }
0x8a: {  	[spmem:s1] =	stream.indirect.scatter.add.f32 [tilespmem:s23], [sflag:$0x3], $0x80, s0, s21, $0xb8;
	[tilespmem:$0x1E400] =	vst v63  }
0x8b: {  	_ =	swait.ge [sflag:s18], $0x4000  }
0x8c: {  	[sflag:s18] =	ssyncset.done $0x0  }
0x8d: {  	s30 =	simm.s32 $0x400;
	s31 =	simm.s32 $0x13D80;
	[sflag:s18] =	ssyncadd.s32 $0xFFFFC000  }
.LBB2_6:
0x8e: {  	[tilespmem:s23], [sflag:$0x2] =	stream.indirect.gather [hbm4b:s4+s21], $0x80, s31, s21, $0xb8;
	[tilespmem:$0x1E400] =	vst v63  }
0x8f: {  	s0 =	smov.u32 s30  }
0x90: {  	p1 =	sne.s32 s30, $0x4800;
	s30 =	sadd.s32 $0x400, s30;
	_ =	swait.ge [sflag:s24], $0x4000  }
0x91: {  	s0 =	sshra.s32 s0, $0x2;
	[sflag:s24] =	ssyncset.done $0x0  }
0x92: {  	s31 =	sadd.s32 $0x15000, s0;
	[sflag:s24] =	ssyncadd.s32 $0xFFFFC000  }
0x93: {  	[spmem:s1] =	stream.indirect.scatter.add.f32 [tilespmem:s17], [sflag:$0x3], $0x80, s31, s21, $0xb8;
	[tilespmem:$0x1E400] =	vst v63  }
0x94: {  	_ =	swait.ge [sflag:s18], $0x4000  }
0x95: {  	[sflag:s18] =	ssyncset.done $0x0  }
0x96: {  	s31 =	sadd.s32 $0x13D00, s0;
	[sflag:s18] =	ssyncadd.s32 $0xFFFFC000  }
0x97: {  	[tilespmem:s17], [sflag:$0x1] =	stream.indirect.gather [hbm4b:s4+s21], $0x80, s31, s21, $0xb8;
	[tilespmem:$0x1E400] =	vst v63  }
0x98: {  	_ =	swait.ge [sflag:s26], $0x4000  }
0x99: {  	[sflag:s26] =	ssyncset.done $0x0  }
.Ltmp2:
0x9a: {  	s31 =	sadd.s32 $0x15080, s0;
	[sflag:s26] =	ssyncadd.s32 $0xFFFFC000;
	(pc) =	sbr.rel @p1 .LBB2_6-.Ltmp2, $4  }
0x9b: {  	[spmem:s1] =	stream.indirect.scatter.add.f32 [tilespmem:s23], [sflag:$0x3], $0x80, s31, s21, $0xb8;
	[tilespmem:$0x1E400] =	vst v63  }
0x9c: {  	_ =	swait.ge [sflag:s18], $0x4000  }
0x9d: {  	[sflag:s18] =	ssyncset.done $0x0  }
0x9e: {  	s31 =	sadd.s32 $0x13D80, s0;
	[sflag:s18] =	ssyncadd.s32 $0xFFFFC000  }
0x9f: {  	[tilespmem:s23], [sflag:$0x2] =	stream.indirect.gather [hbm4b:s4+s21], $0x80, s31, s21, $0xb8;
	[tilespmem:$0x1E400] =	vst v63  }
0xa0: {  	_ =	swait.ge [sflag:s24], $0x4000  }
0xa1: {  	[sflag:s24] =	ssyncset.done $0x0  }
0xa2: {  	[sflag:s24] =	ssyncadd.s32 $0xFFFFC000  }
0xa3: {  	[spmem:s1] =	stream.indirect.scatter.add.f32 [tilespmem:s17], [sflag:$0x3], $0x80, s28, s21, $0xb8;
	[tilespmem:$0x1E400] =	vst v63  }
0xa4: {  	_ =	swait.ge [sflag:s18], $0x4000  }
0xa5: {  	[sflag:s18] =	ssyncset.done $0x0  }
0xa6: {  	[sflag:s18] =	ssyncadd.s32 $0xFFFFC000  }
0xa7: {  	_ =	swait.ge [sflag:s26], $0x4000  }
0xa8: {  	[sflag:s26] =	ssyncset.done $0x0  }
0xa9: {  	[sflag:s26] =	ssyncadd.s32 $0xFFFFC000  }
0xaa: {  	[spmem:s1] =	stream.indirect.scatter.add.f32 [tilespmem:s23], [sflag:$0x3], $0x80, s29, s21, $0xb8;
	[tilespmem:$0x1E400] =	vst v63  }
0xab: {  	_ =	swait.ge [sflag:s18], $0x4000  }
0xac: {  	[sflag:s18] =	ssyncset.done $0x0  }
0xad: {  	[sflag:s18] =	ssyncadd.s32 $0xFFFFC000  }
0xae: {  	s0 =	simm.s32 @p0 $0x1FC3;
	[bflag:$0x0] =	sbarrier.arrive $0xFFFF  }
0xaf: {  	[hbm:s15], [sflag:s0] =	dma.local @p0 [spmem:s25], $0x2080  }
0xb0: {  	s0 =	simm.s32 @p0 $0x3  }
0xb1: {  	s2 =	sadd.s32 $0x1, s2;
	_ =	swait.ge @p0 [sflag:s0], $0x2080  }
0xb2: {  	s30 =	sshll.u32 @!p0 s3, $0x6;
	p1 =	sne.s32 s2, s16;
	[sflag:s0] =	ssyncset.done @p0 $0x0  }
0xb3: {  	[sflag:s0] =	ssyncadd.s32 @p0 $0xFFFFDF80;
	s0 =	sor.u32 @!p0 $0x1C03, s30;
	s30 =	sshrl.u32 @!p0 s5, $0x3  }
0xb4: {  	[hbm:s14], [sflag:s0] =	dma.local @!p0 [spmem:s30], $0x2780  }
.Ltmp3:
0xb5: {  	_ = 	snop;
	(pc) =	sbr.rel @p1 .LBB2_1-.Ltmp3, $4  }
0xb6: {  	s0 =	simm.s32 @!p0 $0x3  }
0xb7: {  	_ =	swait.ge @!p0 [sflag:s0], $0x2780  }
0xb8: {  	[sflag:s0] =	ssyncset.done @!p0 $0x0  }
0xb9: {  	[sflag:s0] =	ssyncadd.s32 @!p0 $0xFFFFD880  }
0xba: {  	_ =	sfence.sel $0x180000  }
0xbb: {  	[bflag:$0x0] =	sbarrier.arrive $0xFFFF  }
0xbc: {  	_ =	strace $0x9000004D  }
0xbd: {  	[bflag:$0x2] =	sbarrier.arrive $0xFFFF  }
0xbe: {  	p0 =	sne.s32 s3, $0x0;
	s0 =	rddreg [dreg:$0x2]  }
0xbf: {  	s0 =	sadd.s32 @!p0 $0x100000, s0  }
0xc0: {  	[sflag:s0] =	ssyncadd.tile.s32 @!p0 $0x1;
	_ =	shalt  }
.Lfunc_end2:
_tile_overlayer_lowered:
.L_overlay_start_2:
0xc1: {  	(tag) =	ssettag $0x2  }
0xc2: {  	s0 =	rddreg [dreg:$0x0];
	s2 =	stileid.u32  }
0xc3: {  	s1 =	rddreg [dreg:$0x1];
	p0 =	sne.s32 s2, $0x0  }
0xc4: {  	s3 =	rddreg [dreg:$0x2];
	[bflag:$0x3] =	sbarrier.arrive $0xFFFF;
	s2 =	simm.s32 @!p0 $0x1C03  }
0xc5: {  	[timem:s3], [sflag:s2] =	dma.local @!p0 [hbm:s0], s1  }
0xc6: {  	s0 =	simm.s32 @!p0 $0x3  }
0xc7: {  	_ =	swait.ge @!p0 [sflag:s0], s1  }
0xc8: {  	s1 =	ssub.s32 @!p0 $0x0, s1;
	[sflag:s0] =	ssyncset.done @!p0 $0x0  }
0xc9: {  	[sflag:s0] =	ssyncadd.s32 @!p0 s1  }
0xca: {  	[bflag:$0x3] =	sbarrier.arrive $0xFFFF  }
0xcb: {  	_ =	shalt  }

// kernel: kernel.8.cloned.1.call-start
scs
__scs_entry_jumppad:
0x0: {  	(pc) =	sbr.rel $0x88, $3  }
0x1: {  	(tag) =	ssettag $0x0;
	lr =	simm.s32 $0x1  }
0x2: {  	[smem:$0x3F9B] =	sst lr;
	_ =	strace $0xD0000000  }
0x3: {  	_ = 	snop  }
0x4: {  	_ = 	snop  }
0x5: {  	_ = 	snop  }
0x6: {  	_ = 	snop  }
0x7: {  	_ = 	snop  }
__scs_overlays_trampoline_lowered:
0x8: {  	[smem:$0x3FAA] =	sst s0  }
0x9: {  	[smem:$0x3FAB] =	sst s1  }
0xa: {  	[smem:$0x3FAC] =	sst s2  }
0xb: {  	[smem:$0x3FAD] =	sst s3  }
0xc: {  	[smem:$0x3FAE] =	sst s4  }
0xd: {  	[smem:$0x3FAF] =	sst s5  }
0xe: {  	[smem:$0x3FB0] =	sst s6  }
0xf: {  	[smem:$0x3FB1] =	sst s7  }
0x10: {  	[smem:$0x3FB2] =	sst s8  }
0x11: {  	[smem:$0x3FB3] =	sst s9;
	s0 =	simm.s32 @!p0 $0x0  }
0x12: {  	s1 =	sld [smem:$0x3F99];
	s0 =	simm.s32 @p0 $0x1  }
0x13: {  	[smem:$0x3FB4] =	sst s0;
	s0 =	simm.s32 @!p1 $0x0  }
0x14: {  	s2 =	sld [smem:$0x3F98];
	s0 =	simm.s32 @p1 $0x1  }
0x15: {  	[smem:$0x3FB5] =	sst s0;
	s0 =	simm.s32 @!p2 $0x0  }
0x16: {  	s3 =	sld [smem:$0x3FDB];
	s0 =	simm.s32 @p2 $0x1  }
0x17: {  	s4 =	simm.s32 $0x1BF5;
	[smem:$0x3FB7] =	sst s0  }
0x18: {  	s0 =	sld [smem:$0x3F9A];
	_ =	swait.ge [sflag:s4], $0x0  }
0x19: {  	s7 =	sld [smem:$0x3F9B]  }
0x1a: {  	s8 =	sadd.s32 $0xFFFFE003, lr  }
0x1b: {  	s9 =	sadd.s32 $0xFFFFFEF7, lr;
	s5 =	simm.s32 $0xFFFFFFFF;
	p2 =	slt.u32 s8, $0xFFFFF086  }
0x1c: {  	p1 =	slt.u32 s9, $0xF7A;
	s5 =	simm.s32 @!p2 $0x0  }
0x1d: {  	s5 =	simm.s32 @p1 $0x1;
	p0 =	seq.s32 s7, s2  }
0x1e: {  	s7 =	smul.u32 @!p0 $0xF7A, s2;
	p2 =	seq.s32 @!p0 s5, $0x0  }
0x1f: {  	s9 =	smul.u32 $0xF7A, s1;
	s8 =	simm.s32 @!p0 $0x1BF5;
	p2 =	por !p2, p0  }
0x20: {  	[sflag:s8] =	ssyncset.s32 @!p0 $0xFFFFF086;
	s6 =	sadd.s32 @!p0 s3, s7;
	s7 =	simm.s32 @!p0 $0x108  }
0x21: {  	s3 =	sadd.s32 s3, s9;
	s6 =	sadd.s32 @!p0 $0x88, s6;
	s7 =	simm.s32 @p2 $0x1082  }
0x22: {  	[simem:s7], [sflag:s8] =	dma.local @!p0 [hbm:s6], $0xF7A  }
0x23: {  	s9 =	sor.u32 $0xD0000000, s2;
	s6 =	simm.s32 $0x108;
	_ =	swait.ge @!p0 [sflag:s8], $0x0  }
0x24: {  	s3 =	sadd.s32 $0x88, s3;
	s6 =	simm.s32 @!p1 $0x1082;
	[sflag:s4] =	ssyncset.s32 $0xFFFFF086  }
0x25: {  	[simem:s6], [sflag:s4] =	dma.local [hbm:s3], $0xF7A  }
0x26: {  	[smem:$0x3F9B] =	sst s1;
	(tag) =	ssettag s2;
	_ =	strace s9  }
0x27: {  	s1 =	sld [smem:$0x3FAB]  }
0x28: {  	s2 =	sld [smem:$0x3FAC]  }
0x29: {  	s4 =	sld [smem:$0x3FAE]  }
0x2a: {  	p0 =	seq.s32 s5, $0x0;
	s5 =	sld [smem:$0x3FAF]  }
0x2b: {  	s6 =	sld [smem:$0x3FB0]  }
0x2c: {  	s7 =	sld [smem:$0x3FB1]  }
0x2d: {  	s3 =	simm.s32 $0x108;
	s8 =	sld [smem:$0x3FB2]  }
0x2e: {  	s3 =	simm.s32 @!p0 $0x1082;
	s9 =	sld [smem:$0x3FB3]  }
0x2f: {  	lr =	sadd.s32 s0, s3;
	s0 =	sld [smem:$0x3FAA]  }
0x30: {  	s3 =	sld [smem:$0x3FAD]  }
0x31: {  	[smem:$0x3FB6] =	sst s10  }
0x32: {  	s10 =	sld [smem:$0x3FB4];
	_ =	sdelay $0x3  }
0x33: {  	p0 =	seq.s32 s10, $0x1;
	s10 =	sld [smem:$0x3FB6];
	_ =	sdelay $0x3  }
0x34: {  	[smem:$0x3FB6] =	sst s10  }
0x35: {  	s10 =	sld [smem:$0x3FB5];
	_ =	sdelay $0x3  }
0x36: {  	p1 =	seq.s32 s10, $0x1;
	s10 =	sld [smem:$0x3FB6];
	_ =	sdelay $0x3  }
0x37: {  	[smem:$0x3FB6] =	sst s10  }
0x38: {  	s10 =	sld [smem:$0x3FB7]  }
0x39: {  	_ = 	snop;
	(pc) =	sbr.ind lr, $3  }
0x3a: {  	_ = 	snop  }
0x3b: {  	_ = 	snop  }
0x3c: {  	p2 =	seq.s32 s10, $0x1;
	s10 =	sld [smem:$0x3FB6]  }
0x3d: {  	_ =	shalt  }
0x3e: {  	_ =	shalt  }
0x3f: {  	_ =	shalt  }
0x40: {  	_ =	shalt  }
0x41: {  	_ =	shalt  }
0x42: {  	_ =	shalt  }
0x43: {  	_ =	shalt  }
0x44: {  	_ =	shalt  }
0x45: {  	_ =	shalt  }
0x46: {  	_ =	shalt  }
0x47: {  	_ =	shalt  }
0x48: {  	_ =	shalt  }
0x49: {  	_ =	shalt  }
0x4a: {  	_ =	shalt  }
0x4b: {  	_ =	shalt  }
0x4c: {  	_ =	shalt  }
0x4d: {  	_ =	shalt  }
0x4e: {  	_ =	shalt  }
0x4f: {  	_ =	shalt  }
0x50: {  	_ =	shalt  }
0x51: {  	_ =	shalt  }
0x52: {  	_ =	shalt  }
0x53: {  	_ =	shalt  }
0x54: {  	_ =	shalt  }
0x55: {  	_ =	shalt  }
0x56: {  	_ =	shalt  }
0x57: {  	_ =	shalt  }
0x58: {  	_ =	shalt  }
0x59: {  	_ =	shalt  }
0x5a: {  	_ =	shalt  }
0x5b: {  	_ =	shalt  }
0x5c: {  	_ =	shalt  }
0x5d: {  	_ =	shalt  }
0x5e: {  	_ =	shalt  }
0x5f: {  	_ =	shalt  }
0x60: {  	_ =	shalt  }
0x61: {  	_ =	shalt  }
0x62: {  	_ =	shalt  }
0x63: {  	_ =	shalt  }
0x64: {  	_ =	shalt  }
0x65: {  	_ =	shalt  }
0x66: {  	_ =	shalt  }
0x67: {  	_ =	shalt  }
0x68: {  	_ =	shalt  }
0x69: {  	_ =	shalt  }
0x6a: {  	_ =	shalt  }
0x6b: {  	_ =	shalt  }
0x6c: {  	_ =	shalt  }
0x6d: {  	_ =	shalt  }
0x6e: {  	_ =	shalt  }
0x6f: {  	_ =	shalt  }
0x70: {  	_ =	shalt  }
0x71: {  	_ =	shalt  }
0x72: {  	_ =	shalt  }
0x73: {  	_ =	shalt  }
0x74: {  	_ =	shalt  }
0x75: {  	_ =	shalt  }
0x76: {  	_ =	shalt  }
0x77: {  	_ =	shalt  }
0x78: {  	_ =	shalt  }
0x79: {  	_ =	shalt  }
0x7a: {  	_ =	shalt  }
0x7b: {  	_ =	shalt  }
0x7c: {  	_ =	shalt  }
0x7d: {  	_ =	shalt  }
0x7e: {  	_ =	shalt  }
0x7f: {  	_ =	shalt  }
0x80: {  	_ =	shalt  }
0x81: {  	_ =	shalt  }
0x82: {  	_ =	shalt  }
0x83: {  	_ =	shalt  }
0x84: {  	_ =	shalt  }
0x85: {  	_ =	shalt  }
0x86: {  	_ =	shalt  }
0x87: {  	_ =	shalt  }
.Lfunc_end0:
.L_simem_size_0:
called_computation_lowered:
.L_overlay_start_0:
0x88: {  	s2 =	sld [smem:$0x3FD9]  }
0x89: {  	s3 =	sld [smem:$0x3FFE];
	_ =	sdelay $0x1  }
0x8a: {  	s1 =	srdreg.scid  }
0x8b: {  	s0 =	sand.u32 $0x1, s1  }
0x8c: {  	s17 =	sshll.u32 s0, $0xA;
	s2 =	sadd.s32 s3, s2  }
0x8d: {  	s2 =	sadd.s32 s2, s17  }
0x8e: {  	[smem:$0x3FC2] =	sst s2  }
0x8f: {  	_ = 	snop  }
0x90: {  	s2 =	sld [smem:$0x3FD0];
	(tm) =	ssettm $0x1  }
0x91: {  	s18 =	sld [smem:$0x3FFB];
	_ =	sdelay $0x3  }
0x92: {  	_ =	strace s18  }
0x93: {  	s3 =	sld [smem:$0x3FFC];
	_ =	sdelay $0x3  }
0x94: {  	_ =	strace s3  }
0x95: {  	s3 =	sld [smem:$0x3FFD];
	_ =	sdelay $0x3  }
0x96: {  	_ =	strace s3  }
0x97: {  	_ =	strace $0x8FFFFFFF  }
0x98: {  	s19 =	sld [smem:$0x3FDB];
	_ =	sdelay $0x1  }
0x99: {  	s4 =	simm.s32 $_scs_section_size  }
0x9a: {  	s5 =	simm.s32 $_size__tile_overlayer_lowered;
	s6 =	simm.s32 $_tile_overlayer_lowered  }
0x9b: {  	s22 =	simm.s32 $0x1BFF;
	s21 =	sshll.u32 s6, $0x1;
	s3 =	sadd.s32 s4, s19  }
0x9c: {  	s7 =	simm.s32 $0x0;
	s20 =	sshll.u32 s5, $0x1;
	s5 =	sadd.s32 s21, s3  }
0x9d: {  	[timem:s7], [sflag:s22] =	dma.local [hbm:s5], s20  }
0x9e: {  	_ =	swait.ge [sflag:s22], s20  }
0x9f: {  	s4 =	ssub.s32 $0x0, s20;
	[sflag:s22] =	ssyncset.done $0x0  }
0xa0: {  	[sflag:s22] =	ssyncadd.s32 s4;
	_ =	sdelay $0x1  }
0xa1: {  	s23 =	simm.s32 $0x1B8B  }
0xa2: {  	_ =	swait.ge [sflag:s23], $0x1  }
0xa3: {  	[sflag:s23] =	ssyncset.done $0x0  }
0xa4: {  	s25 =	simm.s32 $0x1B8E;
	s24 =	sld [smem:$0x3FFE];
	[sflag:s23] =	ssyncadd.s32 $0xFFFFFFFF  }
0xa5: {  	s26 =	simm.s32 $execute0_lowered;
	[smem:$0x3FD2] =	sst s25  }
0xa6: {  	s5 =	sshll.u32 s26, $0x1;
	_ =	strace $0x80000046;
	[dreg:$0x1] =	wrdreg $0xFFFFFFFF  }
0xa7: {  	s28 =	simm.s32 $_size_execute0_lowered;
	s3 =	sadd.s32 s3, s5;
	[dreg:$0x0] =	wrdreg $0x0  }
0xa8: {  	s5 =	sshll.u32 s28, $0x1;
	[dreg:$0x2] =	wrdreg s3  }
0xa9: {  	[dreg:$0x3] =	wrdreg s5  }
0xaa: {  	[dreg:$0x4] =	wrdreg $0xC0  }
0xab: {  	_ =	task [dreg:s7], $0x5FFFF  }
0xac: {  	[dreg:$0x1] =	wrdreg $0xFFFFFFFF  }
0xad: {  	[dreg:$0x0] =	wrdreg $0x60  }
0xae: {  	[dreg:$0x2] =	wrdreg s24  }
0xaf: {  	[dreg:$0x3] =	wrdreg s2  }
0xb0: {  	[dreg:$0x4] =	wrdreg $0x0  }
0xb1: {  	[dreg:$0x5] =	wrdreg $0x9  }
0xb2: {  	_ =	task.clear_ibuf [dreg:s7], $0x6FFFF;
	_ =	strace $0x90000046  }
0xb3: {  	s29 =	simm.s32 $0x9;
	_ =	strace $0x80000048  }
0xb4: {  	_ =	swait.ge [sflag:s29], $0x1  }
0xb5: {  	[sflag:s29] =	ssyncadd.s32 $0xFFFFFFFF  }
0xb6: {  	_ =	strace $0x90000048  }
0xb7: {  	_ =	sfence  }
0xb8: {  	s30 =	sld [smem:$0x0];
	_ =	sdelay $0x2  }
0xb9: {  	s31 =	sshll.u32 s1, $0xD;
	s1 =	sshrl.u32 s1, $0x2  }
0xba: {  	s3 =	sand.u32 $0x4000, s31;
	s1 =	sadd.s32 s1, s30  }
0xbb: {  	s0 =	sor.u32 s3, s0;
	s1 =	sshll.u32 s1, $0x11  }
0xbc: {  	s0 =	sor.u32 s1, s0  }
0xbd: {  	s0 =	sadd.s32 $0x8F2B, s0  }
0xbe: {  	[sflag:s0] =	ssyncadd.remote.s32 $0x1  }
0xbf: {  	_ =	sfence.sel $0xFFFF  }
0xc0: {  	[dreg:$0x0] =	wrdreg $0xFFFFFFFF;
	(pc) =	sbr.abs _section_cstart, $3  }
0xc1: {  	[dreg:$0x1] =	wrdreg $0xFFFFFFFF  }
0xc2: {  	_ =	task.clear_ibuf [dreg:s7], $0x2FFFF;
	_ =	strace $0x9FFFFFFF  }
0xc3: {  	(tm) =	ssettm $0x7FFFFFFF  }
tec
execute0_lowered:
.L_overlay_start_1:
0x0: {  	(tag) =	ssettag $0x1  }
0x1: {  	s5 =	rddreg [dreg:$0x0]  }
0x2: {  	s6 =	rddreg [dreg:$0x1]  }
0x3: {  	s0 =	srdreg.scid;
	s2 =	rddreg [dreg:$0x2];
	s3 =	simm.s32 $0x0  }
0x4: {  	s11 =	simm.s32 $0x80;
	s12 =	simm.s32 $0x500;
	s13 =	simm.s32 $0x1  }
0x5: {  	s16 =	simm.s32 $0x0;
	s4 =	sand.u32 $0x1, s0;
	s0 =	stileid.u32  }
0x6: {  	[smem:$0x7FF] =	sst s3;
	s1 =	sshll.u32 s4, $0x4;
	s8 =	smul.u32 $0x280, s0  }
0x7: {  	s9 =	ssub.s32 $0x2, s4;
	s4 =	smul.u32 $0x2800, s4;
	s14 =	sshll.u32 s0, $0x6  }
0x8: {  	s1 =	sor.u32 s0, s1;
	s10 =	sshrl.u32 s9, $0x1;
	s14 =	sor.u32 $0x1C02, s14  }
0x9: {  	s7 =	smul.u32 $0x500, s1;
	s1 =	rddreg [dreg:$0x3];
	_ =	strace $0x80000047  }
0xa: {  	s29 =	ssub.s32 s9, s10;
	s30 =	sadd.s32 s8, s4;
	s4 =	sadd.s32 s8, s2  }
0xb: {  	s8 =	simm.s32 $0x280;
	s9 =	simm.s32 $0x2;
	s10 =	simm.s32 $0x580  }
0xc: {  	s31 =	sshrl.u32 s30, $0x3;
	s15 =	sshrl.u32 s4, $0x3;
	s5 =	sadd.s32 s7, s5  }
0xd: {  	v0 =	vimm.f32 $0.0e+00;
	v1 =	vimm.f32 $1.000000000e+00;
	s6 =	sadd.s32 s6, s31;
	s7 =	smax.u32 s29, $0x1;
	s5 =	sadd.s32 $0x2600, s5  }
.LBB2_1:
0xe: {  	[tilespmem:$0x280] =	vst v0  }
0xf: {  	[tilespmem:$0x290] =	vst v0  }
0x10: {  	[tilespmem:$0x2A0] =	vst v0  }
0x11: {  	[tilespmem:$0x2B0] =	vst v0  }
0x12: {  	[tilespmem:$0x2C0] =	vst v0  }
0x13: {  	[tilespmem:$0x2D0] =	vst v0  }
0x14: {  	[tilespmem:$0x2E0] =	vst v0  }
0x15: {  	[tilespmem:$0x2F0] =	vst v0  }
0x16: {  	[tilespmem:$0x300] =	vst v0  }
0x17: {  	[tilespmem:$0x310] =	vst v0  }
0x18: {  	[tilespmem:$0x320] =	vst v0  }
0x19: {  	[tilespmem:$0x330] =	vst v0  }
0x1a: {  	[tilespmem:$0x340] =	vst v0  }
0x1b: {  	[tilespmem:$0x350] =	vst v0  }
0x1c: {  	[tilespmem:$0x360] =	vst v0  }
0x1d: {  	[tilespmem:$0x370] =	vst v0  }
0x1e: {  	[tilespmem:$0x380] =	vst v0  }
0x1f: {  	[tilespmem:$0x390] =	vst v0  }
0x20: {  	[tilespmem:$0x3A0] =	vst v0  }
0x21: {  	[tilespmem:$0x3B0] =	vst v0  }
0x22: {  	[tilespmem:$0x3C0] =	vst v0  }
0x23: {  	[tilespmem:$0x3D0] =	vst v0  }
0x24: {  	[tilespmem:$0x3E0] =	vst v0  }
0x25: {  	[tilespmem:$0x3F0] =	vst v0  }
0x26: {  	[tilespmem:$0x400] =	vst v0  }
0x27: {  	[tilespmem:$0x410] =	vst v0  }
0x28: {  	[tilespmem:$0x420] =	vst v0  }
0x29: {  	[tilespmem:$0x430] =	vst v0  }
0x2a: {  	[tilespmem:$0x440] =	vst v0  }
0x2b: {  	[tilespmem:$0x450] =	vst v0  }
0x2c: {  	[tilespmem:$0x460] =	vst v0  }
0x2d: {  	[tilespmem:$0x470] =	vst v0  }
0x2e: {  	[tilespmem:$0x480] =	vst v0  }
0x2f: {  	[tilespmem:$0x490] =	vst v0  }
0x30: {  	[tilespmem:$0x4A0] =	vst v0  }
0x31: {  	[tilespmem:$0x4B0] =	vst v0  }
0x32: {  	[tilespmem:$0x4C0] =	vst v0  }
0x33: {  	[tilespmem:$0x4D0] =	vst v0  }
0x34: {  	[tilespmem:$0x4E0] =	vst v0  }
0x35: {  	[tilespmem:$0x4F0] =	vst v0  }
0x36: {  	[tilespmem:$0x500] =	vst v1  }
0x37: {  	[tilespmem:$0x510] =	vst v1  }
0x38: {  	[tilespmem:$0x520] =	vst v1  }
0x39: {  	[tilespmem:$0x530] =	vst v1  }
0x3a: {  	[tilespmem:$0x540] =	vst v1  }
0x3b: {  	[tilespmem:$0x550] =	vst v1  }
0x3c: {  	[tilespmem:$0x560] =	vst v1  }
0x3d: {  	[tilespmem:$0x570] =	vst v1  }
0x3e: {  	[spmem:s4] =	stream.linear.scatter [tilespmem:s8], [sflag:$0x2], $0x280, $0x38;
	[tilespmem:$0x2D80] =	vst v63  }
0x3f: {  	_ =	swait.ge [sflag:s9], $0x280  }
0x40: {  	[sflag:s9] =	ssyncset.done $0x0  }
0x41: {  	[sflag:s9] =	ssyncadd.s32 $0xFFFFFD80  }
0x42: {  	[bflag:$0x0] =	sbarrier.arrive $0xFFFF  }
0x43: {  	[tilespmem:s10], [sflag:$0x2] =	stream.linear.gather [hbm4b:s5+s3], $0x2800, $0x38;
	[tilespmem:$0x2D80] =	vst v63  }
0x44: {  	_ =	swait.ge [sflag:s9], $0x2800  }
0x45: {  	[sflag:s9] =	ssyncset.done $0x0  }
0x46: {  	s17 =	simm.s32 $0x0;
	[sflag:s9] =	ssyncadd.s32 $0xFFFFD800  }
.LBB2_2:
0x47: {  	p0 =	sne.s32 s17, $0x9E00  }
.Ltmp0:
0x48: {  	_ = 	snop;
	(pc) =	sbr.rel @p0 .LBB2_2-.Ltmp0, $4  }
0x49: {  	_ = 	snop  }
0x4a: {  	s18 =	sshra.s32 s17, $0x2  }
0x4b: {  	s17 =	sadd.s32 $0x200, s17;
	s18 =	sadd.s32 $0x580, s18  }
0x4c: {  	[spmem:s2] =	stream.indirect.scatter.add.f32 [tilespmem:s12], [sflag:$0x1], $0x1, s18, s11, $0xb8;
	[tilespmem:$0x2D80] =	vst v63  }
0x4d: {  	_ =	swait.ge [sflag:s13], $0x80  }
0x4e: {  	s17 =	simm.s32 $0x4F;
	[sflag:s13] =	ssyncset.done $0x0  }
.LBB2_4:
0x4f: {  	p0 =	sne.s32 s17, $0x1;
	s17 =	sadd.s32 $0xFFFFFFFF, s17;
	[sflag:s13] =	ssyncadd.s32 $0xFFFFFF80  }
.Ltmp1:
0x50: {  	(pc) =	sbr.rel @p0 .LBB2_4-.Ltmp1, $3  }
0x51: {  	_ =	sdelay $0x1  }
0x52: {  	_ =	swait.ge [sflag:s13], $0x80  }
0x53: {  	[sflag:s13] =	ssyncset.done $0x0  }
0x54: {  	s16 =	sadd.s32 $0x1, s16  }
0x55: {  	[sflag:s13] =	ssyncadd.s32 $0xFFFFFF80;
	p0 =	sne.s32 s16, s7  }
.Ltmp2:
0x56: {  	[bflag:$0x0] =	sbarrier.arrive $0xFFFF;
	(pc) =	sbr.rel @p0 .LBB2_1-.Ltmp2, $4  }
0x57: {  	[hbm:s6], [sflag:s14] =	dma.local [spmem:s15], $0x50  }
0x58: {  	_ =	swait.ge [sflag:s9], $0x50  }
0x59: {  	[sflag:s9] =	ssyncset.done $0x0  }
0x5a: {  	[sflag:s9] =	ssyncadd.s32 $0xFFFFFFB0  }
0x5b: {  	_ =	sfence.sel $0x180000  }
0x5c: {  	[bflag:$0x0] =	sbarrier.arrive $0xFFFF  }
0x5d: {  	p0 =	sne.s32 s0, $0x0;
	_ =	strace $0x90000047  }
0x5e: {  	s0 =	sadd.s32 @!p0 $0x100000, s1;
	[bflag:$0x2] =	sbarrier.arrive $0xFFFF  }
0x5f: {  	[sflag:s0] =	ssyncadd.tile.s32 @!p0 $0x1;
	_ =	shalt  }
.Lfunc_end2:
_tile_overlayer_lowered:
.L_overlay_start_2:
0x60: {  	(tag) =	ssettag $0x2  }
0x61: {  	s0 =	rddreg [dreg:$0x0];
	s2 =	stileid.u32  }
0x62: {  	s1 =	rddreg [dreg:$0x1];
	p0 =	sne.s32 s2, $0x0  }
0x63: {  	s3 =	rddreg [dreg:$0x2];
	[bflag:$0x3] =	sbarrier.arrive $0xFFFF;
	s2 =	simm.s32 @!p0 $0x1C02  }
0x64: {  	[timem:s3], [sflag:s2] =	dma.local @!p0 [hbm:s0], s1  }
0x65: {  	s0 =	simm.s32 @!p0 $0x2  }
0x66: {  	_ =	swait.ge @!p0 [sflag:s0], s1  }
0x67: {  	s1 =	ssub.s32 @!p0 $0x0, s1;
	[sflag:s0] =	ssyncset.done @!p0 $0x0  }
0x68: {  	[sflag:s0] =	ssyncadd.s32 @!p0 s1  }
0x69: {  	[bflag:$0x3] =	sbarrier.arrive $0xFFFF  }
0x6a: {  	_ =	shalt  }

</sc_bundles>
